<compile_context>
chip_gen: v7x
topology: tpu7x:2x2x1
jax: 0.10.2.dev20260603
libtpu: 0.0.44.dev20260713+nightly
codegen_flags: <defaults>
</compile_context>

<pallas_src>
import dataclasses
import functools

import jax
import jax.numpy as jnp
from jax import lax
from jax.experimental import pallas as pl
from jax.experimental.pallas import tpu as pltpu
from jax.experimental.pallas import tpu_sc as plsc

N = 10000
E = 320000
D = 128
DH = D // 2

NC = 2
NS = 16
L = 16
EPS = E // NS
BLK = 80
GSUB = 80
NBLK = EPS // BLK

RLO = 624
RHI = N - 15 * RLO


def _pre_body(x_ref, w_ref, att_ref, h_ref, h2_ref, ab_ref):
    h = jnp.dot(x_ref[...], w_ref[...], preferred_element_type=jnp.float32)
    h_ref[...] = h
    h2_ref[0] = h[:, :DH]
    h2_ref[1] = h[:, DH:]
    ab_ref[...] = lax.dot_general(
        att_ref[...], h, (((1,), (1,)), ((), ())),
        preferred_element_type=jnp.float32)


def _precompute(x, W, att):
    return pl.pallas_call(
        _pre_body,
        out_shape=[
            jax.ShapeDtypeStruct((N, D), jnp.float32),
            jax.ShapeDtypeStruct((NC, N, DH), jnp.float32),
            jax.ShapeDtypeStruct((2, N), jnp.float32),
        ],
    )(x, W, att)


def _sc_compiler_params():
    cp = pltpu.CompilerParams()
    fields = pltpu.CompilerParams.__dataclass_fields__
    if "needs_layout_passes" in fields:
        cp = dataclasses.replace(cp, needs_layout_passes=False)
    if "use_tc_tiling_on_sc" in fields:
        cp = dataclasses.replace(cp, use_tc_tiling_on_sc=False)
    return cp


def _sc_edges(h2, a_src, a_dst, src, dst):
    mesh = plsc.VectorSubcoreMesh(core_axis_name="c", subcore_axis_name="s")

    @functools.partial(
        pl.kernel,
        compiler_params=_sc_compiler_params(),
        out_type=[
            jax.ShapeDtypeStruct((NC, N, DH), jnp.float32),
            jax.ShapeDtypeStruct((NC * NS, N), jnp.float32),
        ],
        mesh=mesh,
        scratch_types=[
            pltpu.VMEM((EPS,), jnp.int32),
            pltpu.VMEM((EPS,), jnp.int32),
            pltpu.VMEM((N,), jnp.float32),
            pltpu.VMEM((N,), jnp.float32),
            pltpu.VMEM((N,), jnp.float32),
            pltpu.VMEM((BLK, DH), jnp.float32),
            pltpu.VMEM((BLK, DH), jnp.float32),
            pltpu.VMEM((BLK,), jnp.float32),
            pltpu.VMEM((80, DH), jnp.float32),
            pltpu.VMEM_SHARED((N, DH), jnp.float32),
            pltpu.SemaphoreType.DMA,
            pltpu.SemaphoreType.DMA,
            pltpu.SemaphoreType.DMA,
        ],
    )
    def body(h_hbm, asrc_hbm, adst_hbm, src_hbm, dst_hbm,
             acc_hbm, den_hbm,
             src_v, dst_v, asrc_v, adst_v, den_v,
             rows_a, rows_b, p_v, zbuf, acc_sh, sem_a, sem_b, sem_s):
        cid = lax.axis_index("c")
        sid = lax.axis_index("s")
        wid = cid * NS + sid
        ebase = sid * EPS
        zero16 = jnp.zeros((L,), jnp.float32)

        stage = [
            pltpu.async_copy(asrc_hbm, asrc_v, sem_s),
            pltpu.async_copy(adst_hbm, adst_v, sem_s),
            pltpu.async_copy(src_hbm.at[pl.ds(ebase, EPS)], src_v, sem_s),
            pltpu.async_copy(dst_hbm.at[pl.ds(ebase, EPS)], dst_v, sem_s),
        ]

        @pl.loop(0, 80)
        def _(i):
            for j in range(DH // L):
                zbuf[i, pl.ds(j * L, L)] = zero16

        @pl.loop(0, 8)
        def _(g):
            t = g * NS + sid

            @pl.when(t < N // 80)
            def _():
                pltpu.sync_copy(zbuf, acc_sh.at[pl.ds(t * 80, 80)])

        @pl.loop(0, N, step=L)
        def _(i):
            den_v[pl.ds(i, L)] = zero16

        for d in stage:
            d.wait()

        plsc.subcore_barrier()

        def issue(b, rows_ref, sem):
            k = b * BLK
            for g in range(BLK // GSUB):
                pltpu.async_copy(
                    h_hbm.at[cid].at[
                        src_v.at[pl.ds(k + g * GSUB, GSUB)]],
                    rows_ref.at[pl.ds(g * GSUB, GSUB)], sem)

        def process(b, rows_ref, sem):
            k = b * BLK
            for g in range(BLK // GSUB):
                pltpu.make_async_copy(
                    h_hbm.at[cid].at[
                        src_v.at[pl.ds(k + g * GSUB, GSUB)]],
                    rows_ref.at[pl.ds(g * GSUB, GSUB)], sem).wait()
            d16s = []
            for r in range(BLK // L):
                s16 = src_v[pl.ds(k + r * L, L)]
                d16 = dst_v[pl.ds(k + r * L, L)]
                a_s = plsc.load_gather(asrc_v, [s16])
                a_d = plsc.load_gather(adst_v, [d16])
                a_sd = plsc.load_gather(asrc_v, [d16])
                e = a_s + a_d
                e = jnp.maximum(e, 0.2 * e)
                c_d = a_sd + a_d
                c_d = jnp.maximum(c_d, 0.2 * c_d)
                p = jnp.exp(e - c_d)
                plsc.addupdate_scatter(den_v, [d16], p)
                p_v[pl.ds(r * L, L)] = p
                d16s.append(d16)

            @pl.loop(0, BLK, unroll=4)
            def _(i):
                bp = plsc.load_gather(p_v, [jnp.full((L,), i, jnp.int32)])
                for j in range(DH // L):
                    rows_ref[i, pl.ds(j * L, L)] = (
                        rows_ref[i, pl.ds(j * L, L)] * bp)

            descs = [
                pltpu.async_copy(rows_ref.at[pl.ds(r * L, L)],
                                 acc_sh.at[d16s[r]], sem_s, add=True)
                for r in range(BLK // L)
            ]
            for d in descs:
                d.wait()

        issue(0, rows_a, sem_a)
        issue(1, rows_b, sem_b)

        @pl.loop(0, NBLK - 2, step=2)
        def _(i):
            process(i, rows_a, sem_a)
            issue(i + 2, rows_a, sem_a)
            process(i + 1, rows_b, sem_b)
            issue(i + 3, rows_b, sem_b)

        process(NBLK - 2, rows_a, sem_a)
        process(NBLK - 1, rows_b, sem_b)

        pltpu.sync_copy(den_v, den_hbm.at[wid])

        plsc.subcore_barrier()

        @pl.when(sid < NS - 1)
        def _():
            base = sid * RLO
            pltpu.sync_copy(acc_sh.at[pl.ds(base, RLO)],
                            acc_hbm.at[cid].at[pl.ds(base, RLO)])

        @pl.when(sid == NS - 1)
        def _():
            base = (NS - 1) * RLO
            pltpu.sync_copy(acc_sh.at[pl.ds(base, RHI)],
                            acc_hbm.at[cid].at[pl.ds(base, RHI)])

    return body(h2, a_src, a_dst, src, dst)


def _post_body(acc_ref, den_ref, h_ref, bias_ref, o_ref):
    den = (jnp.sum(den_ref[...], axis=0) * jnp.float32(0.5)
           + jnp.float32(1.0))
    s = jnp.concatenate([acc_ref[0], acc_ref[1]], axis=1) + h_ref[...]
    o_ref[...] = jnp.maximum(s / den[:, None] + bias_ref[...], 0.0)


def _post(acc, den, h, bias2):
    return pl.pallas_call(
        _post_body,
        out_shape=jax.ShapeDtypeStruct((N, D), jnp.float32),
    )(acc, den, h, bias2)


def kernel(x, edge_index, edge_attr, W, att_src, att_dst, bias):
    src = edge_index[0].astype(jnp.int32)
    dst = edge_index[1].astype(jnp.int32)
    att = jnp.stack([att_src, att_dst])
    h, h2, ab = _precompute(x, W, att)
    acc, den = _sc_edges(h2, ab[0], ab[1], src, dst)
    return _post(acc, den, h, bias.reshape(1, D))

# --- scband reference (transcript-rebuilt; emitter-appended) ---
"""Pipeline reference for scband-gatencoder-84421877170206 (READ-ONLY COPY).

The authoritative reference and input builder live on the scoring server;
editing this copy changes nothing except your own understanding.
"""

import jax, jax.numpy as jnp
import numpy as np

N_NODES = 10000
N_EDGES = 320000
D_IN = 128
D_OUT = 128


def setup_inputs(seed: int = 0) -> dict:
    key = jax.random.key(seed)
    k1, k2, k3, k4, k5, k6 = jax.random.split(key, 6)
    x = jax.random.normal(k1, (N_NODES, D_IN), dtype=jnp.float32)
    edge_index = jax.random.randint(k2, (2, N_EDGES), 0, N_NODES, dtype=jnp.int64)
    edge_attr = jax.random.normal(k3, (N_EDGES, 4), dtype=jnp.float32)
    # GATConv parameters (single head, as in torch_geometric defaults with heads=1)
    W = jax.random.normal(k4, (D_IN, D_OUT), dtype=jnp.float32) * (1.0 / np.sqrt(D_IN))
    att_src = jax.random.normal(k5, (D_OUT,), dtype=jnp.float32) * 0.1
    att_dst = jax.random.normal(k6, (D_OUT,), dtype=jnp.float32) * 0.1
    bias = jnp.zeros((D_OUT,), dtype=jnp.float32)
    return {"x": x, "edge_index": edge_index, "edge_attr": edge_attr,
            "W": W, "att_src": att_src, "att_dst": att_dst, "bias": bias}


def _gat_conv(x, edge_index, W, att_src, att_dst, bias):
    N = x.shape[0]
    # add self loops (GATConv default add_self_loops=True)
    loop = jnp.arange(N, dtype=edge_index.dtype)
    src = jnp.concatenate([edge_index[0], loop])
    dst = jnp.concatenate([edge_index[1], loop])
    h = x @ W  # [N, D_OUT], lin has no bias
    a_src = (h * att_src[None, :]).sum(-1)  # [N]
    a_dst = (h * att_dst[None, :]).sum(-1)  # [N]
    e = a_src[src] + a_dst[dst]             # gather per edge
    e = jax.nn.leaky_relu(e, negative_slope=0.2)
    # softmax over incoming edges of each dst node
    e_max = jax.ops.segment_max(e, dst, num_segments=N)
    e_exp = jnp.exp(e - e_max[dst])
    denom = jax.ops.segment_sum(e_exp, dst, num_segments=N)
    alpha = e_exp / (denom[dst] + 1e-16)
    out = jax.ops.segment_sum(h[src] * alpha[:, None], dst, num_segments=N)
    return out + bias[None, :]


def reference(x, edge_index, edge_attr, W, att_src, att_dst, bias):
    # GATEncoder.forward in eval mode: dropout is identity; edge_attr is
    # unpacked from data but never passed to GATConv (faithful to source).
    h = x
    h = _gat_conv(h, edge_index, W, att_src, att_dst, bias)
    h = jax.nn.relu(h)
    return h

if __name__ == "__main__":
    import jax
    _d = setup_inputs()
    print(jax.jit(kernel)(*tuple(_d.values())))

</pallas_src>

<mosaic_0001>
#map = affine_map<(d0, d1) -> (0, 0, 0)>
#map1 = affine_map<(d0, d1) -> (0)>
#map2 = affine_map<(d0, d1) -> (0, 0)>
module attributes {stable_mosaic.version = 14 : i64} {
  func.func @body(%arg0: i32, %arg1: i32, %arg2: memref<2x10000x64xf32, #tpu.memory_space<hbm>>, %arg3: memref<10000xf32, #tpu.memory_space<hbm>>, %arg4: memref<10000xf32, #tpu.memory_space<hbm>>, %arg5: memref<320000xi32, #tpu.memory_space<hbm>>, %arg6: memref<320000xi32, #tpu.memory_space<hbm>>, %arg7: memref<2x10000x64xf32, #tpu.memory_space<hbm>>, %arg8: memref<32x10000xf32, #tpu.memory_space<hbm>>, %arg9: memref<20000xi32, #tpu.memory_space<vmem>>, %arg10: memref<20000xi32, #tpu.memory_space<vmem>>, %arg11: memref<10000xf32, #tpu.memory_space<vmem>>, %arg12: memref<10000xf32, #tpu.memory_space<vmem>>, %arg13: memref<10000xf32, #tpu.memory_space<vmem>>, %arg14: memref<80x64xf32, #tpu.memory_space<vmem>>, %arg15: memref<80x64xf32, #tpu.memory_space<vmem>>, %arg16: memref<80xf32, #tpu.memory_space<vmem>>, %arg17: memref<80x64xf32, #tpu.memory_space<vmem>>, %arg18: memref<10000x64xf32, #tpu.memory_space<vmem_shared>>, %arg19: memref<!tpu.dma_semaphore, #tpu.memory_space<semaphore_mem>>, %arg20: memref<!tpu.dma_semaphore, #tpu.memory_space<semaphore_mem>>, %arg21: memref<!tpu.dma_semaphore, #tpu.memory_space<semaphore_mem>>) attributes {dimension_semantics = [#tpu.dimension_semantics<core_parallel>, #tpu.dimension_semantics<subcore_parallel>], iteration_bounds = array<i64: 2, 16>, scalar_prefetch = 0 : i64, scratch_operands = 13 : i64, tpu.core_type = #tpu.core_type<sc_vector_subcore>, window_params = [{transform_indices = #map}, {transform_indices = #map1}, {transform_indices = #map1}, {transform_indices = #map1}, {transform_indices = #map1}, {transform_indices = #map}, {transform_indices = #map2}]} {
    %mul3A = arith.constant 16 : i32
    %mul3A_0 = arith.muli %arg0, %mul3A : i32
    %add3A = arith.addi %mul3A_0, %arg1 : i32
    %mul3A_1 = arith.constant 20000 : i32
    %mul3A_2 = arith.muli %arg1, %mul3A_1 : i32
    %broadcast_in_dim3A = arith.constant 0.000000e+00 : f32
    %broadcast_in_dim3A_3 = vector.broadcast %broadcast_in_dim3A : f32 to vector<16xf32>
    tpu.enqueue_dma source(%arg3 : memref<10000xf32, #tpu.memory_space<hbm>>) target(%arg11 : memref<10000xf32, #tpu.memory_space<vmem>>) target_semaphore(%arg21 : memref<!tpu.dma_semaphore, #tpu.memory_space<semaphore_mem>>)
    tpu.enqueue_dma source(%arg4 : memref<10000xf32, #tpu.memory_space<hbm>>) target(%arg12 : memref<10000xf32, #tpu.memory_space<vmem>>) target_semaphore(%arg21 : memref<!tpu.dma_semaphore, #tpu.memory_space<semaphore_mem>>)
    %dma_start3A = tpu.memref_slice %arg5[%mul3A_2] : memref<320000xi32, #tpu.memory_space<hbm>> -> memref<20000xi32, #tpu.memory_space<hbm>>
    %dma_start3A_4 = tpu.memref_slice %arg5[%mul3A_2] : memref<320000xi32, #tpu.memory_space<hbm>> -> memref<20000xi32, #tpu.memory_space<hbm>>
    tpu.enqueue_dma source(%dma_start3A_4 : memref<20000xi32, #tpu.memory_space<hbm>>) target(%arg9 : memref<20000xi32, #tpu.memory_space<vmem>>) target_semaphore(%arg21 : memref<!tpu.dma_semaphore, #tpu.memory_space<semaphore_mem>>)
    %dma_start3A_5 = tpu.memref_slice %arg6[%mul3A_2] : memref<320000xi32, #tpu.memory_space<hbm>> -> memref<20000xi32, #tpu.memory_space<hbm>>
    %dma_start3A_6 = tpu.memref_slice %arg6[%mul3A_2] : memref<320000xi32, #tpu.memory_space<hbm>> -> memref<20000xi32, #tpu.memory_space<hbm>>
    tpu.enqueue_dma source(%dma_start3A_6 : memref<20000xi32, #tpu.memory_space<hbm>>) target(%arg10 : memref<20000xi32, #tpu.memory_space<vmem>>) target_semaphore(%arg21 : memref<!tpu.dma_semaphore, #tpu.memory_space<semaphore_mem>>)
    %scan3A = arith.constant 0 : i32
    %scan3A_7 = arith.constant 80 : i32
    %scan3A_8 = arith.addi %scan3A, %scan3A_7 : i32
    %scan3A_9 = arith.constant 1 : i32
    scf.for %scan3A_418 = %scan3A to %scan3A_8 step %scan3A_9  : i32 {
      %mul3A_419 = arith.constant 1 : i32
      %mul3A_420 = arith.muli %scan3A_418, %mul3A_419 : i32
      %add3A_421 = arith.constant 0 : i32
      %add3A_422 = arith.addi %add3A_421, %mul3A_420 : i32
      %swap3A_423 = arith.index_cast %add3A_422 : i32 to index
      %swap3A_424 = arith.constant 0 : index
      %swap3A_425 = tpu.vector_load %arg17[%swap3A_423, %swap3A_424] {strides = array<i32>} : memref<80x64xf32, #tpu.memory_space<vmem>>, vector<16xf32>,
      tpu.vector_store %arg17[%swap3A_423, %swap3A_424], %broadcast_in_dim3A_3 {strides = array<i32>} : memref<80x64xf32, #tpu.memory_space<vmem>>, vector<16xf32>,
      %swap3A_426 = arith.index_cast %add3A_422 : i32 to index
      %swap3A_427 = arith.constant 16 : index
      %swap3A_428 = tpu.vector_load %arg17[%swap3A_426, %swap3A_427] {strides = array<i32>} : memref<80x64xf32, #tpu.memory_space<vmem>>, vector<16xf32>,
      tpu.vector_store %arg17[%swap3A_426, %swap3A_427], %broadcast_in_dim3A_3 {strides = array<i32>} : memref<80x64xf32, #tpu.memory_space<vmem>>, vector<16xf32>,
      %swap3A_429 = arith.index_cast %add3A_422 : i32 to index
      %swap3A_430 = arith.constant 32 : index
      %swap3A_431 = tpu.vector_load %arg17[%swap3A_429, %swap3A_430] {strides = array<i32>} : memref<80x64xf32, #tpu.memory_space<vmem>>, vector<16xf32>,
      tpu.vector_store %arg17[%swap3A_429, %swap3A_430], %broadcast_in_dim3A_3 {strides = array<i32>} : memref<80x64xf32, #tpu.memory_space<vmem>>, vector<16xf32>,
      %swap3A_432 = arith.index_cast %add3A_422 : i32 to index
      %swap3A_433 = arith.constant 48 : index
      %swap3A_434 = tpu.vector_load %arg17[%swap3A_432, %swap3A_433] {strides = array<i32>} : memref<80x64xf32, #tpu.memory_space<vmem>>, vector<16xf32>,
      tpu.vector_store %arg17[%swap3A_432, %swap3A_433], %broadcast_in_dim3A_3 {strides = array<i32>} : memref<80x64xf32, #tpu.memory_space<vmem>>, vector<16xf32>,
    }
    %scan3A_10 = arith.constant 80 : i32
    %scan3A_11 = arith.constant 0 : i32
    %scan3A_12 = arith.constant 8 : i32
    %scan3A_13 = arith.addi %scan3A_11, %scan3A_12 : i32
    %scan3A_14 = arith.constant 1 : i32
    scf.for %scan3A_418 = %scan3A_11 to %scan3A_13 step %scan3A_14  : i32 {
      %mul3A_419 = arith.constant 1 : i32
      %mul3A_420 = arith.muli %scan3A_418, %mul3A_419 : i32
      %add3A_421 = arith.constant 0 : i32
      %add3A_422 = arith.addi %add3A_421, %mul3A_420 : i32
      %mul3A_423 = arith.constant 16 : i32
      %mul3A_424 = arith.muli %add3A_422, %mul3A_423 : i32
      %add3A_425 = arith.addi %mul3A_424, %arg1 : i32
      %lt3A_426 = arith.constant 125 : i32
      %lt3A_427 = arith.cmpi slt, %add3A_425, %lt3A_426 : i32
      %convert_element_type3A_428 = arith.extui %lt3A_427 : i1 to i32
      %cond3A_429 = arith.constant 0 : i32
      %cond3A_430 = arith.cmpi ne, %convert_element_type3A_428, %cond3A_429 : i32
      scf.if %cond3A_430 {
        %mul3A_431 = arith.constant 80 : i32
        %mul3A_432 = arith.muli %add3A_425, %mul3A_431 : i32
        "tpu.region"() ({
          %run_scoped3A = tpu.sem_alloc : memref<!tpu.dma_semaphore, #tpu.memory_space<semaphore_mem>>
          %dma_start3A_433 = arith.constant 0 : i32
          %dma_start3A_434 = tpu.memref_slice %arg18[%mul3A_432, %dma_start3A_433] : memref<10000x64xf32, #tpu.memory_space<vmem_shared>> -> memref<80x64xf32, #tpu.memory_space<vmem_shared>>
          %dma_start3A_435 = arith.constant 0 : i32
          %dma_start3A_436 = tpu.memref_slice %arg18[%mul3A_432, %dma_start3A_435] : memref<10000x64xf32, #tpu.memory_space<vmem_shared>> -> memref<80x64xf32, #tpu.memory_space<vmem_shared>>
          tpu.enqueue_dma source(%arg17 : memref<80x64xf32, #tpu.memory_space<vmem>>) target(%dma_start3A_436 : memref<80x64xf32, #tpu.memory_space<vmem_shared>>) target_semaphore(%run_scoped3A : memref<!tpu.dma_semaphore, #tpu.memory_space<semaphore_mem>>)
          %dma_wait3A_437 = arith.constant 0 : i32
          %dma_wait3A_438 = tpu.memref_slice %arg18[%mul3A_432, %dma_wait3A_437] : memref<10000x64xf32, #tpu.memory_space<vmem_shared>> -> memref<80x64xf32, #tpu.memory_space<vmem_shared>>
          %dma_wait3A_439 = arith.constant 0 : i32
          %dma_wait3A_440 = tpu.memref_slice %arg18[%mul3A_432, %dma_wait3A_439] : memref<10000x64xf32, #tpu.memory_space<vmem_shared>> -> memref<80x64xf32, #tpu.memory_space<vmem_shared>>
          tpu.wait_dma2 semaphore(%run_scoped3A : memref<!tpu.dma_semaphore, #tpu.memory_space<semaphore_mem>>) src(%arg17 : memref<80x64xf32, #tpu.memory_space<vmem>>) dst(%dma_wait3A_440 : memref<80x64xf32, #tpu.memory_space<vmem_shared>>)
          tpu.yield
        }) : () -> ()
      } else {
      }
    }
    %scan3A_15 = arith.constant 8 : i32
    %scan3A_16 = arith.constant 0 : i32
    %scan3A_17 = arith.constant 625 : i32
    %scan3A_18 = arith.addi %scan3A_16, %scan3A_17 : i32
    %scan3A_19 = arith.constant 1 : i32
    scf.for %scan3A_418 = %scan3A_16 to %scan3A_18 step %scan3A_19  : i32 {
      %mul3A_419 = arith.constant 16 : i32
      %mul3A_420 = arith.muli %scan3A_418, %mul3A_419 : i32
      %add3A_421 = arith.constant 0 : i32
      %add3A_422 = arith.addi %add3A_421, %mul3A_420 : i32
      %swap3A_423 = arith.index_cast %add3A_422 : i32 to index
      %swap3A_424 = tpu.vector_load %arg13[%swap3A_423] {strides = array<i32>} : memref<10000xf32, #tpu.memory_space<vmem>>, vector<16xf32>,
      tpu.vector_store %arg13[%swap3A_423], %broadcast_in_dim3A_3 {strides = array<i32>} : memref<10000xf32, #tpu.memory_space<vmem>>, vector<16xf32>,
    }
    %scan3A_20 = arith.constant 625 : i32
    tpu.wait_dma2 semaphore(%arg21 : memref<!tpu.dma_semaphore, #tpu.memory_space<semaphore_mem>>) src(%arg3 : memref<10000xf32, #tpu.memory_space<hbm>>) dst(%arg11 : memref<10000xf32, #tpu.memory_space<vmem>>)
    tpu.wait_dma2 semaphore(%arg21 : memref<!tpu.dma_semaphore, #tpu.memory_space<semaphore_mem>>) src(%arg4 : memref<10000xf32, #tpu.memory_space<hbm>>) dst(%arg12 : memref<10000xf32, #tpu.memory_space<vmem>>)
    %dma_wait3A = tpu.memref_slice %arg5[%mul3A_2] : memref<320000xi32, #tpu.memory_space<hbm>> -> memref<20000xi32, #tpu.memory_space<hbm>>
    %dma_wait3A_21 = tpu.memref_slice %arg5[%mul3A_2] : memref<320000xi32, #tpu.memory_space<hbm>> -> memref<20000xi32, #tpu.memory_space<hbm>>
    tpu.wait_dma2 semaphore(%arg21 : memref<!tpu.dma_semaphore, #tpu.memory_space<semaphore_mem>>) src(%dma_wait3A_21 : memref<20000xi32, #tpu.memory_space<hbm>>) dst(%arg9 : memref<20000xi32, #tpu.memory_space<vmem>>)
    %dma_wait3A_22 = tpu.memref_slice %arg6[%mul3A_2] : memref<320000xi32, #tpu.memory_space<hbm>> -> memref<20000xi32, #tpu.memory_space<hbm>>
    %dma_wait3A_23 = tpu.memref_slice %arg6[%mul3A_2] : memref<320000xi32, #tpu.memory_space<hbm>> -> memref<20000xi32, #tpu.memory_space<hbm>>
    tpu.wait_dma2 semaphore(%arg21 : memref<!tpu.dma_semaphore, #tpu.memory_space<semaphore_mem>>) src(%dma_wait3A_23 : memref<20000xi32, #tpu.memory_space<hbm>>) dst(%arg10 : memref<20000xi32, #tpu.memory_space<vmem>>)
    %barrier3A = arith.constant 0 : index
    tpu.barrier barrier_id(%barrier3A)
    %dma_start3A_24 = arith.constant 0 : i32
    %dma_start3A_25 = arith.constant 0 : i32
    %dma_start3A_26 = tpu.memref_slice %arg14[%dma_start3A_24, %dma_start3A_25] : memref<80x64xf32, #tpu.memory_space<vmem>> -> memref<80x64xf32, #tpu.memory_space<vmem>>
    %dma_start3A_27 = arith.constant 0 : i32
    %dma_start3A_28 = tpu.memref_slice %arg9[%dma_start3A_27] : memref<20000xi32, #tpu.memory_space<vmem>> -> memref<80xi32, #tpu.memory_space<vmem>>
    %dma_start3A_29 = arith.constant 0 : i32
    %dma_start3A_30 = arith.constant 0 : i32
    %dma_start3A_31 = tpu.memref_slice %arg2[%arg0, %dma_start3A_29, %dma_start3A_30] : memref<2x10000x64xf32, #tpu.memory_space<hbm>> -> memref<1x10000x64xf32, #tpu.memory_space<hbm>>
    %dma_start3A_32 = tpu.memref_squeeze %dma_start3A_31 : memref<1x10000x64xf32, #tpu.memory_space<hbm>> -> memref<10000x64xf32, #tpu.memory_space<hbm>>
    %dma_start3A_33 = arith.constant 0 : i32
    %dma_start3A_34 = arith.constant 0 : i32
    %dma_start3A_35 = tpu.memref_slice %dma_start3A_32[%dma_start3A_33, %dma_start3A_34] : memref<10000x64xf32, #tpu.memory_space<hbm>> -> memref<10000x64xf32, #tpu.memory_space<hbm>>
    tpu.enqueue_indirect_dma source(%dma_start3A_35 : memref<10000x64xf32, #tpu.memory_space<hbm>>) target(%dma_start3A_26 : memref<80x64xf32, #tpu.memory_space<vmem>>) offsets(%dma_start3A_28 : memref<80xi32, #tpu.memory_space<vmem>>) semaphore(%arg19 : memref<!tpu.dma_semaphore, #tpu.memory_space<semaphore_mem>>)
    %dma_start3A_36 = arith.constant 0 : i32
    %dma_start3A_37 = arith.constant 0 : i32
    %dma_start3A_38 = tpu.memref_slice %arg15[%dma_start3A_36, %dma_start3A_37] : memref<80x64xf32, #tpu.memory_space<vmem>> -> memref<80x64xf32, #tpu.memory_space<vmem>>
    %dma_start3A_39 = arith.constant 80 : i32
    %dma_start3A_40 = tpu.memref_slice %arg9[%dma_start3A_39] : memref<20000xi32, #tpu.memory_space<vmem>> -> memref<80xi32, #tpu.memory_space<vmem>>
    %dma_start3A_41 = arith.constant 0 : i32
    %dma_start3A_42 = arith.constant 0 : i32
    %dma_start3A_43 = tpu.memref_slice %arg2[%arg0, %dma_start3A_41, %dma_start3A_42] : memref<2x10000x64xf32, #tpu.memory_space<hbm>> -> memref<1x10000x64xf32, #tpu.memory_space<hbm>>
    %dma_start3A_44 = tpu.memref_squeeze %dma_start3A_43 : memref<1x10000x64xf32, #tpu.memory_space<hbm>> -> memref<10000x64xf32, #tpu.memory_space<hbm>>
    %dma_start3A_45 = arith.constant 0 : i32
    %dma_start3A_46 = arith.constant 0 : i32
    %dma_start3A_47 = tpu.memref_slice %dma_start3A_44[%dma_start3A_45, %dma_start3A_46] : memref<10000x64xf32, #tpu.memory_space<hbm>> -> memref<10000x64xf32, #tpu.memory_space<hbm>>
    tpu.enqueue_indirect_dma source(%dma_start3A_47 : memref<10000x64xf32, #tpu.memory_space<hbm>>) target(%dma_start3A_38 : memref<80x64xf32, #tpu.memory_space<vmem>>) offsets(%dma_start3A_40 : memref<80xi32, #tpu.memory_space<vmem>>) semaphore(%arg20 : memref<!tpu.dma_semaphore, #tpu.memory_space<semaphore_mem>>)
    %scan3A_48 = arith.constant 0 : i32
    %scan3A_49 = arith.constant 124 : i32
    %scan3A_50 = arith.addi %scan3A_48, %scan3A_49 : i32
    %scan3A_51 = arith.constant 1 : i32
    scf.for %scan3A_418 = %scan3A_48 to %scan3A_50 step %scan3A_51  : i32 {
      %mul3A_419 = arith.constant 2 : i32
      %mul3A_420 = arith.muli %scan3A_418, %mul3A_419 : i32
      %add3A_421 = arith.constant 0 : i32
      %add3A_422 = arith.addi %add3A_421, %mul3A_420 : i32
      %mul3A_423 = arith.constant 80 : i32
      %mul3A_424 = arith.muli %add3A_422, %mul3A_423 : i32
      %add3A_425 = arith.constant 0 : i32
      %add3A_426 = arith.addi %mul3A_424, %add3A_425 : i32
      %dma_wait3A_427 = arith.constant 0 : i32
      %dma_wait3A_428 = arith.constant 0 : i32
      %dma_wait3A_429 = tpu.memref_slice %arg14[%dma_wait3A_427, %dma_wait3A_428] : memref<80x64xf32, #tpu.memory_space<vmem>> -> memref<80x64xf32, #tpu.memory_space<vmem>>
      %dma_wait3A_430 = tpu.memref_slice %arg9[%add3A_426] : memref<20000xi32, #tpu.memory_space<vmem>> -> memref<80xi32, #tpu.memory_space<vmem>>
      %dma_wait3A_431 = arith.constant 0 : i32
      %dma_wait3A_432 = arith.constant 0 : i32
      %dma_wait3A_433 = tpu.memref_slice %arg2[%arg0, %dma_wait3A_431, %dma_wait3A_432] : memref<2x10000x64xf32, #tpu.memory_space<hbm>> -> memref<1x10000x64xf32, #tpu.memory_space<hbm>>
      %dma_wait3A_434 = tpu.memref_squeeze %dma_wait3A_433 : memref<1x10000x64xf32, #tpu.memory_space<hbm>> -> memref<10000x64xf32, #tpu.memory_space<hbm>>
      %dma_wait3A_435 = arith.constant 0 : i32
      %dma_wait3A_436 = arith.constant 0 : i32
      %dma_wait3A_437 = tpu.memref_slice %dma_wait3A_434[%dma_wait3A_435, %dma_wait3A_436] : memref<10000x64xf32, #tpu.memory_space<hbm>> -> memref<10000x64xf32, #tpu.memory_space<hbm>>
      tpu.wait_indirect_dma semaphore(%arg19 : memref<!tpu.dma_semaphore, #tpu.memory_space<semaphore_mem>>) src(%dma_wait3A_437 : memref<10000x64xf32, #tpu.memory_space<hbm>>) dst(%dma_wait3A_429 : memref<80x64xf32, #tpu.memory_space<vmem>>)
      %add3A_438 = arith.constant 0 : i32
      %add3A_439 = arith.addi %mul3A_424, %add3A_438 : i32
      %get3A_440 = arith.index_cast %add3A_439 : i32 to index
      %get3A_441 = tpu.vector_load %arg9[%get3A_440] {strides = array<i32>} : memref<20000xi32, #tpu.memory_space<vmem>>, vector<16xi32>,
      %add3A_442 = arith.constant 0 : i32
      %add3A_443 = arith.addi %mul3A_424, %add3A_442 : i32
      %get3A_444 = arith.index_cast %add3A_443 : i32 to index
      %get3A_445 = tpu.vector_load %arg10[%get3A_444] {strides = array<i32>} : memref<20000xi32, #tpu.memory_space<vmem>>, vector<16xi32>,
      %gather3A_446 = tpu.vector_load_idx %arg11[%get3A_441] : memref<10000xf32, #tpu.memory_space<vmem>>[vector<16xi32>], vector<16xf32>,
      %gather3A_447 = tpu.vector_load_idx %arg12[%get3A_445] : memref<10000xf32, #tpu.memory_space<vmem>>[vector<16xi32>], vector<16xf32>,
      %gather3A_448 = tpu.vector_load_idx %arg11[%get3A_445] : memref<10000xf32, #tpu.memory_space<vmem>>[vector<16xi32>], vector<16xf32>,
      %add3A_449 = arith.addf %gather3A_446, %gather3A_447 : vector<16xf32>
      %mul3A_450 = arith.constant 2.000000e-01 : f32
      %mul3A_451 = vector.broadcast %mul3A_450 : f32 to vector<16xf32>
      %mul3A_452 = arith.mulf %mul3A_451, %add3A_449 : vector<16xf32>
      %max3A_453 = arith.maximumf %add3A_449, %mul3A_452 : vector<16xf32>
      %add3A_454 = arith.addf %gather3A_448, %gather3A_447 : vector<16xf32>
      %mul3A_455 = arith.constant 2.000000e-01 : f32
      %mul3A_456 = vector.broadcast %mul3A_455 : f32 to vector<16xf32>
      %mul3A_457 = arith.mulf %mul3A_456, %add3A_454 : vector<16xf32>
      %max3A_458 = arith.maximumf %add3A_454, %mul3A_457 : vector<16xf32>
      %sub3A_459 = arith.subf %max3A_453, %max3A_458 : vector<16xf32>
      %exp3A_460 = math.exp %sub3A_459 : vector<16xf32>
      tpu.vector_store_idx %arg13[%get3A_445], %exp3A_460 {add = true} : memref<10000xf32, #tpu.memory_space<vmem>>[vector<16xi32>], vector<16xf32>,
      %swap3A_461 = arith.constant 0 : index
      %swap3A_462 = tpu.vector_load %arg16[%swap3A_461] {strides = array<i32>} : memref<80xf32, #tpu.memory_space<vmem>>, vector<16xf32>,
      tpu.vector_store %arg16[%swap3A_461], %exp3A_460 {strides = array<i32>} : memref<80xf32, #tpu.memory_space<vmem>>, vector<16xf32>,
      %add3A_463 = arith.constant 16 : i32
      %add3A_464 = arith.addi %mul3A_424, %add3A_463 : i32
      %get3A_465 = arith.index_cast %add3A_464 : i32 to index
      %get3A_466 = tpu.vector_load %arg9[%get3A_465] {strides = array<i32>} : memref<20000xi32, #tpu.memory_space<vmem>>, vector<16xi32>,
      %add3A_467 = arith.constant 16 : i32
      %add3A_468 = arith.addi %mul3A_424, %add3A_467 : i32
      %get3A_469 = arith.index_cast %add3A_468 : i32 to index
      %get3A_470 = tpu.vector_load %arg10[%get3A_469] {strides = array<i32>} : memref<20000xi32, #tpu.memory_space<vmem>>, vector<16xi32>,
      %gather3A_471 = tpu.vector_load_idx %arg11[%get3A_466] : memref<10000xf32, #tpu.memory_space<vmem>>[vector<16xi32>], vector<16xf32>,
      %gather3A_472 = tpu.vector_load_idx %arg12[%get3A_470] : memref<10000xf32, #tpu.memory_space<vmem>>[vector<16xi32>], vector<16xf32>,
      %gather3A_473 = tpu.vector_load_idx %arg11[%get3A_470] : memref<10000xf32, #tpu.memory_space<vmem>>[vector<16xi32>], vector<16xf32>,
      %add3A_474 = arith.addf %gather3A_471, %gather3A_472 : vector<16xf32>
      %mul3A_475 = arith.constant 2.000000e-01 : f32
      %mul3A_476 = vector.broadcast %mul3A_475 : f32 to vector<16xf32>
      %mul3A_477 = arith.mulf %mul3A_476, %add3A_474 : vector<16xf32>
      %max3A_478 = arith.maximumf %add3A_474, %mul3A_477 : vector<16xf32>
      %add3A_479 = arith.addf %gather3A_473, %gather3A_472 : vector<16xf32>
      %mul3A_480 = arith.constant 2.000000e-01 : f32
      %mul3A_481 = vector.broadcast %mul3A_480 : f32 to vector<16xf32>
      %mul3A_482 = arith.mulf %mul3A_481, %add3A_479 : vector<16xf32>
      %max3A_483 = arith.maximumf %add3A_479, %mul3A_482 : vector<16xf32>
      %sub3A_484 = arith.subf %max3A_478, %max3A_483 : vector<16xf32>
      %exp3A_485 = math.exp %sub3A_484 : vector<16xf32>
      tpu.vector_store_idx %arg13[%get3A_470], %exp3A_485 {add = true} : memref<10000xf32, #tpu.memory_space<vmem>>[vector<16xi32>], vector<16xf32>,
      %swap3A_486 = arith.constant 16 : index
      %swap3A_487 = tpu.vector_load %arg16[%swap3A_486] {strides = array<i32>} : memref<80xf32, #tpu.memory_space<vmem>>, vector<16xf32>,
      tpu.vector_store %arg16[%swap3A_486], %exp3A_485 {strides = array<i32>} : memref<80xf32, #tpu.memory_space<vmem>>, vector<16xf32>,
      %add3A_488 = arith.constant 32 : i32
      %add3A_489 = arith.addi %mul3A_424, %add3A_488 : i32
      %get3A_490 = arith.index_cast %add3A_489 : i32 to index
      %get3A_491 = tpu.vector_load %arg9[%get3A_490] {strides = array<i32>} : memref<20000xi32, #tpu.memory_space<vmem>>, vector<16xi32>,
      %add3A_492 = arith.constant 32 : i32
      %add3A_493 = arith.addi %mul3A_424, %add3A_492 : i32
      %get3A_494 = arith.index_cast %add3A_493 : i32 to index
      %get3A_495 = tpu.vector_load %arg10[%get3A_494] {strides = array<i32>} : memref<20000xi32, #tpu.memory_space<vmem>>, vector<16xi32>,
      %gather3A_496 = tpu.vector_load_idx %arg11[%get3A_491] : memref<10000xf32, #tpu.memory_space<vmem>>[vector<16xi32>], vector<16xf32>,
      %gather3A_497 = tpu.vector_load_idx %arg12[%get3A_495] : memref<10000xf32, #tpu.memory_space<vmem>>[vector<16xi32>], vector<16xf32>,
      %gather3A_498 = tpu.vector_load_idx %arg11[%get3A_495] : memref<10000xf32, #tpu.memory_space<vmem>>[vector<16xi32>], vector<16xf32>,
      %add3A_499 = arith.addf %gather3A_496, %gather3A_497 : vector<16xf32>
      %mul3A_500 = arith.constant 2.000000e-01 : f32
      %mul3A_501 = vector.broadcast %mul3A_500 : f32 to vector<16xf32>
      %mul3A_502 = arith.mulf %mul3A_501, %add3A_499 : vector<16xf32>
      %max3A_503 = arith.maximumf %add3A_499, %mul3A_502 : vector<16xf32>
      %add3A_504 = arith.addf %gather3A_498, %gather3A_497 : vector<16xf32>
      %mul3A_505 = arith.constant 2.000000e-01 : f32
      %mul3A_506 = vector.broadcast %mul3A_505 : f32 to vector<16xf32>
      %mul3A_507 = arith.mulf %mul3A_506, %add3A_504 : vector<16xf32>
      %max3A_508 = arith.maximumf %add3A_504, %mul3A_507 : vector<16xf32>
      %sub3A_509 = arith.subf %max3A_503, %max3A_508 : vector<16xf32>
      %exp3A_510 = math.exp %sub3A_509 : vector<16xf32>
      tpu.vector_store_idx %arg13[%get3A_495], %exp3A_510 {add = true} : memref<10000xf32, #tpu.memory_space<vmem>>[vector<16xi32>], vector<16xf32>,
      %swap3A_511 = arith.constant 32 : index
      %swap3A_512 = tpu.vector_load %arg16[%swap3A_511] {strides = array<i32>} : memref<80xf32, #tpu.memory_space<vmem>>, vector<16xf32>,
      tpu.vector_store %arg16[%swap3A_511], %exp3A_510 {strides = array<i32>} : memref<80xf32, #tpu.memory_space<vmem>>, vector<16xf32>,
      %add3A_513 = arith.constant 48 : i32
      %add3A_514 = arith.addi %mul3A_424, %add3A_513 : i32
      %get3A_515 = arith.index_cast %add3A_514 : i32 to index
      %get3A_516 = tpu.vector_load %arg9[%get3A_515] {strides = array<i32>} : memref<20000xi32, #tpu.memory_space<vmem>>, vector<16xi32>,
      %add3A_517 = arith.constant 48 : i32
      %add3A_518 = arith.addi %mul3A_424, %add3A_517 : i32
      %get3A_519 = arith.index_cast %add3A_518 : i32 to index
      %get3A_520 = tpu.vector_load %arg10[%get3A_519] {strides = array<i32>} : memref<20000xi32, #tpu.memory_space<vmem>>, vector<16xi32>,
      %gather3A_521 = tpu.vector_load_idx %arg11[%get3A_516] : memref<10000xf32, #tpu.memory_space<vmem>>[vector<16xi32>], vector<16xf32>,
      %gather3A_522 = tpu.vector_load_idx %arg12[%get3A_520] : memref<10000xf32, #tpu.memory_space<vmem>>[vector<16xi32>], vector<16xf32>,
      %gather3A_523 = tpu.vector_load_idx %arg11[%get3A_520] : memref<10000xf32, #tpu.memory_space<vmem>>[vector<16xi32>], vector<16xf32>,
      %add3A_524 = arith.addf %gather3A_521, %gather3A_522 : vector<16xf32>
      %mul3A_525 = arith.constant 2.000000e-01 : f32
      %mul3A_526 = vector.broadcast %mul3A_525 : f32 to vector<16xf32>
      %mul3A_527 = arith.mulf %mul3A_526, %add3A_524 : vector<16xf32>
      %max3A_528 = arith.maximumf %add3A_524, %mul3A_527 : vector<16xf32>
      %add3A_529 = arith.addf %gather3A_523, %gather3A_522 : vector<16xf32>
      %mul3A_530 = arith.constant 2.000000e-01 : f32
      %mul3A_531 = vector.broadcast %mul3A_530 : f32 to vector<16xf32>
      %mul3A_532 = arith.mulf %mul3A_531, %add3A_529 : vector<16xf32>
      %max3A_533 = arith.maximumf %add3A_529, %mul3A_532 : vector<16xf32>
      %sub3A_534 = arith.subf %max3A_528, %max3A_533 : vector<16xf32>
      %exp3A_535 = math.exp %sub3A_534 : vector<16xf32>
      tpu.vector_store_idx %arg13[%get3A_520], %exp3A_535 {add = true} : memref<10000xf32, #tpu.memory_space<vmem>>[vector<16xi32>], vector<16xf32>,
      %swap3A_536 = arith.constant 48 : index
      %swap3A_537 = tpu.vector_load %arg16[%swap3A_536] {strides = array<i32>} : memref<80xf32, #tpu.memory_space<vmem>>, vector<16xf32>,
      tpu.vector_store %arg16[%swap3A_536], %exp3A_535 {strides = array<i32>} : memref<80xf32, #tpu.memory_space<vmem>>, vector<16xf32>,
      %add3A_538 = arith.constant 64 : i32
      %add3A_539 = arith.addi %mul3A_424, %add3A_538 : i32
      %get3A_540 = arith.index_cast %add3A_539 : i32 to index
      %get3A_541 = tpu.vector_load %arg9[%get3A_540] {strides = array<i32>} : memref<20000xi32, #tpu.memory_space<vmem>>, vector<16xi32>,
      %add3A_542 = arith.constant 64 : i32
      %add3A_543 = arith.addi %mul3A_424, %add3A_542 : i32
      %get3A_544 = arith.index_cast %add3A_543 : i32 to index
      %get3A_545 = tpu.vector_load %arg10[%get3A_544] {strides = array<i32>} : memref<20000xi32, #tpu.memory_space<vmem>>, vector<16xi32>,
      %gather3A_546 = tpu.vector_load_idx %arg11[%get3A_541] : memref<10000xf32, #tpu.memory_space<vmem>>[vector<16xi32>], vector<16xf32>,
      %gather3A_547 = tpu.vector_load_idx %arg12[%get3A_545] : memref<10000xf32, #tpu.memory_space<vmem>>[vector<16xi32>], vector<16xf32>,
      %gather3A_548 = tpu.vector_load_idx %arg11[%get3A_545] : memref<10000xf32, #tpu.memory_space<vmem>>[vector<16xi32>], vector<16xf32>,
      %add3A_549 = arith.addf %gather3A_546, %gather3A_547 : vector<16xf32>
      %mul3A_550 = arith.constant 2.000000e-01 : f32
      %mul3A_551 = vector.broadcast %mul3A_550 : f32 to vector<16xf32>
      %mul3A_552 = arith.mulf %mul3A_551, %add3A_549 : vector<16xf32>
      %max3A_553 = arith.maximumf %add3A_549, %mul3A_552 : vector<16xf32>
      %add3A_554 = arith.addf %gather3A_548, %gather3A_547 : vector<16xf32>
      %mul3A_555 = arith.constant 2.000000e-01 : f32
      %mul3A_556 = vector.broadcast %mul3A_555 : f32 to vector<16xf32>
      %mul3A_557 = arith.mulf %mul3A_556, %add3A_554 : vector<16xf32>
      %max3A_558 = arith.maximumf %add3A_554, %mul3A_557 : vector<16xf32>
      %sub3A_559 = arith.subf %max3A_553, %max3A_558 : vector<16xf32>
      %exp3A_560 = math.exp %sub3A_559 : vector<16xf32>
      tpu.vector_store_idx %arg13[%get3A_545], %exp3A_560 {add = true} : memref<10000xf32, #tpu.memory_space<vmem>>[vector<16xi32>], vector<16xf32>,
      %swap3A_561 = arith.constant 64 : index
      %swap3A_562 = tpu.vector_load %arg16[%swap3A_561] {strides = array<i32>} : memref<80xf32, #tpu.memory_space<vmem>>, vector<16xf32>,
      tpu.vector_store %arg16[%swap3A_561], %exp3A_560 {strides = array<i32>} : memref<80xf32, #tpu.memory_space<vmem>>, vector<16xf32>,
      %scan3A_563 = arith.constant 0 : i32
      %scan3A_564 = arith.constant 80 : i32
      %scan3A_565 = arith.addi %scan3A_563, %scan3A_564 : i32
      %scan3A_566 = arith.constant 4 : i32
      scf.for %scan3A_869 = %scan3A_563 to %scan3A_565 step %scan3A_566  : i32 {
        %mul3A_870 = arith.constant 1 : i32
        %mul3A_871 = arith.muli %scan3A_869, %mul3A_870 : i32
        %add3A_872 = arith.constant 0 : i32
        %add3A_873 = arith.addi %add3A_872, %mul3A_871 : i32
        %broadcast_in_dim3A_874 = vector.broadcast %add3A_873 : i32 to vector<16xi32>
        %gather3A_875 = tpu.vector_load_idx %arg16[%broadcast_in_dim3A_874] : memref<80xf32, #tpu.memory_space<vmem>>[vector<16xi32>], vector<16xf32>,
        %get3A_876 = arith.index_cast %add3A_873 : i32 to index
        %get3A_877 = arith.constant 0 : index
        %get3A_878 = tpu.vector_load %arg14[%get3A_876, %get3A_877] {strides = array<i32>} : memref<80x64xf32, #tpu.memory_space<vmem>>, vector<16xf32>,
        %mul3A_879 = arith.mulf %get3A_878, %gather3A_875 : vector<16xf32>
        %swap3A_880 = arith.index_cast %add3A_873 : i32 to index
        %swap3A_881 = arith.constant 0 : index
        %swap3A_882 = tpu.vector_load %arg14[%swap3A_880, %swap3A_881] {strides = array<i32>} : memref<80x64xf32, #tpu.memory_space<vmem>>, vector<16xf32>,
        tpu.vector_store %arg14[%swap3A_880, %swap3A_881], %mul3A_879 {strides = array<i32>} : memref<80x64xf32, #tpu.memory_space<vmem>>, vector<16xf32>,
        %get3A_883 = arith.index_cast %add3A_873 : i32 to index
        %get3A_884 = arith.constant 16 : index
        %get3A_885 = tpu.vector_load %arg14[%get3A_883, %get3A_884] {strides = array<i32>} : memref<80x64xf32, #tpu.memory_space<vmem>>, vector<16xf32>,
        %mul3A_886 = arith.mulf %get3A_885, %gather3A_875 : vector<16xf32>
        %swap3A_887 = arith.index_cast %add3A_873 : i32 to index
        %swap3A_888 = arith.constant 16 : index
        %swap3A_889 = tpu.vector_load %arg14[%swap3A_887, %swap3A_888] {strides = array<i32>} : memref<80x64xf32, #tpu.memory_space<vmem>>, vector<16xf32>,
        tpu.vector_store %arg14[%swap3A_887, %swap3A_888], %mul3A_886 {strides = array<i32>} : memref<80x64xf32, #tpu.memory_space<vmem>>, vector<16xf32>,
        %get3A_890 = arith.index_cast %add3A_873 : i32 to index
        %get3A_891 = arith.constant 32 : index
        %get3A_892 = tpu.vector_load %arg14[%get3A_890, %get3A_891] {strides = array<i32>} : memref<80x64xf32, #tpu.memory_space<vmem>>, vector<16xf32>,
        %mul3A_893 = arith.mulf %get3A_892, %gather3A_875 : vector<16xf32>
        %swap3A_894 = arith.index_cast %add3A_873 : i32 to index
        %swap3A_895 = arith.constant 32 : index
        %swap3A_896 = tpu.vector_load %arg14[%swap3A_894, %swap3A_895] {strides = array<i32>} : memref<80x64xf32, #tpu.memory_space<vmem>>, vector<16xf32>,
        tpu.vector_store %arg14[%swap3A_894, %swap3A_895], %mul3A_893 {strides = array<i32>} : memref<80x64xf32, #tpu.memory_space<vmem>>, vector<16xf32>,
        %get3A_897 = arith.index_cast %add3A_873 : i32 to index
        %get3A_898 = arith.constant 48 : index
        %get3A_899 = tpu.vector_load %arg14[%get3A_897, %get3A_898] {strides = array<i32>} : memref<80x64xf32, #tpu.memory_space<vmem>>, vector<16xf32>,
        %mul3A_900 = arith.mulf %get3A_899, %gather3A_875 : vector<16xf32>
        %swap3A_901 = arith.index_cast %add3A_873 : i32 to index
        %swap3A_902 = arith.constant 48 : index
        %swap3A_903 = tpu.vector_load %arg14[%swap3A_901, %swap3A_902] {strides = array<i32>} : memref<80x64xf32, #tpu.memory_space<vmem>>, vector<16xf32>,
        tpu.vector_store %arg14[%swap3A_901, %swap3A_902], %mul3A_900 {strides = array<i32>} : memref<80x64xf32, #tpu.memory_space<vmem>>, vector<16xf32>,
        %scan3A_904 = arith.constant 1 : i32
        %scan3A_905 = arith.addi %scan3A_869, %scan3A_904 : i32
        %mul3A_906 = arith.constant 1 : i32
        %mul3A_907 = arith.muli %scan3A_905, %mul3A_906 : i32
        %add3A_908 = arith.constant 0 : i32
        %add3A_909 = arith.addi %add3A_908, %mul3A_907 : i32
        %broadcast_in_dim3A_910 = vector.broadcast %add3A_909 : i32 to vector<16xi32>
        %gather3A_911 = tpu.vector_load_idx %arg16[%broadcast_in_dim3A_910] : memref<80xf32, #tpu.memory_space<vmem>>[vector<16xi32>], vector<16xf32>,
        %get3A_912 = arith.index_cast %add3A_909 : i32 to index
        %get3A_913 = arith.constant 0 : index
        %get3A_914 = tpu.vector_load %arg14[%get3A_912, %get3A_913] {strides = array<i32>} : memref<80x64xf32, #tpu.memory_space<vmem>>, vector<16xf32>,
        %mul3A_915 = arith.mulf %get3A_914, %gather3A_911 : vector<16xf32>
        %swap3A_916 = arith.index_cast %add3A_909 : i32 to index
        %swap3A_917 = arith.constant 0 : index
        %swap3A_918 = tpu.vector_load %arg14[%swap3A_916, %swap3A_917] {strides = array<i32>} : memref<80x64xf32, #tpu.memory_space<vmem>>, vector<16xf32>,
        tpu.vector_store %arg14[%swap3A_916, %swap3A_917], %mul3A_915 {strides = array<i32>} : memref<80x64xf32, #tpu.memory_space<vmem>>, vector<16xf32>,
        %get3A_919 = arith.index_cast %add3A_909 : i32 to index
        %get3A_920 = arith.constant 16 : index
        %get3A_921 = tpu.vector_load %arg14[%get3A_919, %get3A_920] {strides = array<i32>} : memref<80x64xf32, #tpu.memory_space<vmem>>, vector<16xf32>,
        %mul3A_922 = arith.mulf %get3A_921, %gather3A_911 : vector<16xf32>
        %swap3A_923 = arith.index_cast %add3A_909 : i32 to index
        %swap3A_924 = arith.constant 16 : index
        %swap3A_925 = tpu.vector_load %arg14[%swap3A_923, %swap3A_924] {strides = array<i32>} : memref<80x64xf32, #tpu.memory_space<vmem>>, vector<16xf32>,
        tpu.vector_store %arg14[%swap3A_923, %swap3A_924], %mul3A_922 {strides = array<i32>} : memref<80x64xf32, #tpu.memory_space<vmem>>, vector<16xf32>,
        %get3A_926 = arith.index_cast %add3A_909 : i32 to index
        %get3A_927 = arith.constant 32 : index
        %get3A_928 = tpu.vector_load %arg14[%get3A_926, %get3A_927] {strides = array<i32>} : memref<80x64xf32, #tpu.memory_space<vmem>>, vector<16xf32>,
        %mul3A_929 = arith.mulf %get3A_928, %gather3A_911 : vector<16xf32>
        %swap3A_930 = arith.index_cast %add3A_909 : i32 to index
        %swap3A_931 = arith.constant 32 : index
        %swap3A_932 = tpu.vector_load %arg14[%swap3A_930, %swap3A_931] {strides = array<i32>} : memref<80x64xf32, #tpu.memory_space<vmem>>, vector<16xf32>,
        tpu.vector_store %arg14[%swap3A_930, %swap3A_931], %mul3A_929 {strides = array<i32>} : memref<80x64xf32, #tpu.memory_space<vmem>>, vector<16xf32>,
        %get3A_933 = arith.index_cast %add3A_909 : i32 to index
        %get3A_934 = arith.constant 48 : index
        %get3A_935 = tpu.vector_load %arg14[%get3A_933, %get3A_934] {strides = array<i32>} : memref<80x64xf32, #tpu.memory_space<vmem>>, vector<16xf32>,
        %mul3A_936 = arith.mulf %get3A_935, %gather3A_911 : vector<16xf32>
        %swap3A_937 = arith.index_cast %add3A_909 : i32 to index
        %swap3A_938 = arith.constant 48 : index
        %swap3A_939 = tpu.vector_load %arg14[%swap3A_937, %swap3A_938] {strides = array<i32>} : memref<80x64xf32, #tpu.memory_space<vmem>>, vector<16xf32>,
        tpu.vector_store %arg14[%swap3A_937, %swap3A_938], %mul3A_936 {strides = array<i32>} : memref<80x64xf32, #tpu.memory_space<vmem>>, vector<16xf32>,
        %scan3A_940 = arith.constant 2 : i32
        %scan3A_941 = arith.addi %scan3A_869, %scan3A_940 : i32
        %mul3A_942 = arith.constant 1 : i32
        %mul3A_943 = arith.muli %scan3A_941, %mul3A_942 : i32
        %add3A_944 = arith.constant 0 : i32
        %add3A_945 = arith.addi %add3A_944, %mul3A_943 : i32
        %broadcast_in_dim3A_946 = vector.broadcast %add3A_945 : i32 to vector<16xi32>
        %gather3A_947 = tpu.vector_load_idx %arg16[%broadcast_in_dim3A_946] : memref<80xf32, #tpu.memory_space<vmem>>[vector<16xi32>], vector<16xf32>,
        %get3A_948 = arith.index_cast %add3A_945 : i32 to index
        %get3A_949 = arith.constant 0 : index
        %get3A_950 = tpu.vector_load %arg14[%get3A_948, %get3A_949] {strides = array<i32>} : memref<80x64xf32, #tpu.memory_space<vmem>>, vector<16xf32>,
        %mul3A_951 = arith.mulf %get3A_950, %gather3A_947 : vector<16xf32>
        %swap3A_952 = arith.index_cast %add3A_945 : i32 to index
        %swap3A_953 = arith.constant 0 : index
        %swap3A_954 = tpu.vector_load %arg14[%swap3A_952, %swap3A_953] {strides = array<i32>} : memref<80x64xf32, #tpu.memory_space<vmem>>, vector<16xf32>,
        tpu.vector_store %arg14[%swap3A_952, %swap3A_953], %mul3A_951 {strides = array<i32>} : memref<80x64xf32, #tpu.memory_space<vmem>>, vector<16xf32>,
        %get3A_955 = arith.index_cast %add3A_945 : i32 to index
        %get3A_956 = arith.constant 16 : index
        %get3A_957 = tpu.vector_load %arg14[%get3A_955, %get3A_956] {strides = array<i32>} : memref<80x64xf32, #tpu.memory_space<vmem>>, vector<16xf32>,
        %mul3A_958 = arith.mulf %get3A_957, %gather3A_947 : vector<16xf32>
        %swap3A_959 = arith.index_cast %add3A_945 : i32 to index
        %swap3A_960 = arith.constant 16 : index
        %swap3A_961 = tpu.vector_load %arg14[%swap3A_959, %swap3A_960] {strides = array<i32>} : memref<80x64xf32, #tpu.memory_space<vmem>>, vector<16xf32>,
        tpu.vector_store %arg14[%swap3A_959, %swap3A_960], %mul3A_958 {strides = array<i32>} : memref<80x64xf32, #tpu.memory_space<vmem>>, vector<16xf32>,
        %get3A_962 = arith.index_cast %add3A_945 : i32 to index
        %get3A_963 = arith.constant 32 : index
        %get3A_964 = tpu.vector_load %arg14[%get3A_962, %get3A_963] {strides = array<i32>} : memref<80x64xf32, #tpu.memory_space<vmem>>, vector<16xf32>,
        %mul3A_965 = arith.mulf %get3A_964, %gather3A_947 : vector<16xf32>
        %swap3A_966 = arith.index_cast %add3A_945 : i32 to index
        %swap3A_967 = arith.constant 32 : index
        %swap3A_968 = tpu.vector_load %arg14[%swap3A_966, %swap3A_967] {strides = array<i32>} : memref<80x64xf32, #tpu.memory_space<vmem>>, vector<16xf32>,
        tpu.vector_store %arg14[%swap3A_966, %swap3A_967], %mul3A_965 {strides = array<i32>} : memref<80x64xf32, #tpu.memory_space<vmem>>, vector<16xf32>,
        %get3A_969 = arith.index_cast %add3A_945 : i32 to index
        %get3A_970 = arith.constant 48 : index
        %get3A_971 = tpu.vector_load %arg14[%get3A_969, %get3A_970] {strides = array<i32>} : memref<80x64xf32, #tpu.memory_space<vmem>>, vector<16xf32>,
        %mul3A_972 = arith.mulf %get3A_971, %gather3A_947 : vector<16xf32>
        %swap3A_973 = arith.index_cast %add3A_945 : i32 to index
        %swap3A_974 = arith.constant 48 : index
        %swap3A_975 = tpu.vector_load %arg14[%swap3A_973, %swap3A_974] {strides = array<i32>} : memref<80x64xf32, #tpu.memory_space<vmem>>, vector<16xf32>,
        tpu.vector_store %arg14[%swap3A_973, %swap3A_974], %mul3A_972 {strides = array<i32>} : memref<80x64xf32, #tpu.memory_space<vmem>>, vector<16xf32>,
        %scan3A_976 = arith.constant 3 : i32
        %scan3A_977 = arith.addi %scan3A_869, %scan3A_976 : i32
        %mul3A_978 = arith.constant 1 : i32
        %mul3A_979 = arith.muli %scan3A_977, %mul3A_978 : i32
        %add3A_980 = arith.constant 0 : i32
        %add3A_981 = arith.addi %add3A_980, %mul3A_979 : i32
        %broadcast_in_dim3A_982 = vector.broadcast %add3A_981 : i32 to vector<16xi32>
        %gather3A_983 = tpu.vector_load_idx %arg16[%broadcast_in_dim3A_982] : memref<80xf32, #tpu.memory_space<vmem>>[vector<16xi32>], vector<16xf32>,
        %get3A_984 = arith.index_cast %add3A_981 : i32 to index
        %get3A_985 = arith.constant 0 : index
        %get3A_986 = tpu.vector_load %arg14[%get3A_984, %get3A_985] {strides = array<i32>} : memref<80x64xf32, #tpu.memory_space<vmem>>, vector<16xf32>,
        %mul3A_987 = arith.mulf %get3A_986, %gather3A_983 : vector<16xf32>
        %swap3A_988 = arith.index_cast %add3A_981 : i32 to index
        %swap3A_989 = arith.constant 0 : index
        %swap3A_990 = tpu.vector_load %arg14[%swap3A_988, %swap3A_989] {strides = array<i32>} : memref<80x64xf32, #tpu.memory_space<vmem>>, vector<16xf32>,
        tpu.vector_store %arg14[%swap3A_988, %swap3A_989], %mul3A_987 {strides = array<i32>} : memref<80x64xf32, #tpu.memory_space<vmem>>, vector<16xf32>,
        %get3A_991 = arith.index_cast %add3A_981 : i32 to index
        %get3A_992 = arith.constant 16 : index
        %get3A_993 = tpu.vector_load %arg14[%get3A_991, %get3A_992] {strides = array<i32>} : memref<80x64xf32, #tpu.memory_space<vmem>>, vector<16xf32>,
        %mul3A_994 = arith.mulf %get3A_993, %gather3A_983 : vector<16xf32>
        %swap3A_995 = arith.index_cast %add3A_981 : i32 to index
        %swap3A_996 = arith.constant 16 : index
        %swap3A_997 = tpu.vector_load %arg14[%swap3A_995, %swap3A_996] {strides = array<i32>} : memref<80x64xf32, #tpu.memory_space<vmem>>, vector<16xf32>,
        tpu.vector_store %arg14[%swap3A_995, %swap3A_996], %mul3A_994 {strides = array<i32>} : memref<80x64xf32, #tpu.memory_space<vmem>>, vector<16xf32>,
        %get3A_998 = arith.index_cast %add3A_981 : i32 to index
        %get3A_999 = arith.constant 32 : index
        %get3A_1000 = tpu.vector_load %arg14[%get3A_998, %get3A_999] {strides = array<i32>} : memref<80x64xf32, #tpu.memory_space<vmem>>, vector<16xf32>,
        %mul3A_1001 = arith.mulf %get3A_1000, %gather3A_983 : vector<16xf32>
        %swap3A_1002 = arith.index_cast %add3A_981 : i32 to index
        %swap3A_1003 = arith.constant 32 : index
        %swap3A_1004 = tpu.vector_load %arg14[%swap3A_1002, %swap3A_1003] {strides = array<i32>} : memref<80x64xf32, #tpu.memory_space<vmem>>, vector<16xf32>,
        tpu.vector_store %arg14[%swap3A_1002, %swap3A_1003], %mul3A_1001 {strides = array<i32>} : memref<80x64xf32, #tpu.memory_space<vmem>>, vector<16xf32>,
        %get3A_1005 = arith.index_cast %add3A_981 : i32 to index
        %get3A_1006 = arith.constant 48 : index
        %get3A_1007 = tpu.vector_load %arg14[%get3A_1005, %get3A_1006] {strides = array<i32>} : memref<80x64xf32, #tpu.memory_space<vmem>>, vector<16xf32>,
        %mul3A_1008 = arith.mulf %get3A_1007, %gather3A_983 : vector<16xf32>
        %swap3A_1009 = arith.index_cast %add3A_981 : i32 to index
        %swap3A_1010 = arith.constant 48 : index
        %swap3A_1011 = tpu.vector_load %arg14[%swap3A_1009, %swap3A_1010] {strides = array<i32>} : memref<80x64xf32, #tpu.memory_space<vmem>>, vector<16xf32>,
        tpu.vector_store %arg14[%swap3A_1009, %swap3A_1010], %mul3A_1008 {strides = array<i32>} : memref<80x64xf32, #tpu.memory_space<vmem>>, vector<16xf32>,
      }
      %scan3A_567 = arith.constant 80 : i32
      %dma_start3A_568 = arith.constant 0 : i32
      %dma_start3A_569 = arith.constant 0 : i32
      %dma_start3A_570 = tpu.memref_slice %arg14[%dma_start3A_568, %dma_start3A_569] : memref<80x64xf32, #tpu.memory_space<vmem>> -> memref<16x64xf32, #tpu.memory_space<vmem>>
      %dma_start3A_571 = arith.constant 0 : i32
      %dma_start3A_572 = arith.constant 0 : i32
      %dma_start3A_573 = tpu.memref_slice %arg18[%dma_start3A_571, %dma_start3A_572] : memref<10000x64xf32, #tpu.memory_space<vmem_shared>> -> memref<10000x64xf32, #tpu.memory_space<vmem_shared>>
      tpu.enqueue_indirect_dma source(%dma_start3A_570 : memref<16x64xf32, #tpu.memory_space<vmem>>) target(%dma_start3A_573 : memref<10000x64xf32, #tpu.memory_space<vmem_shared>>) offsets(%get3A_445 : vector<16xi32>) semaphore(%arg21 : memref<!tpu.dma_semaphore, #tpu.memory_space<semaphore_mem>>) {add = true}
      %dma_start3A_574 = arith.constant 16 : i32
      %dma_start3A_575 = arith.constant 0 : i32
      %dma_start3A_576 = tpu.memref_slice %arg14[%dma_start3A_574, %dma_start3A_575] : memref<80x64xf32, #tpu.memory_space<vmem>> -> memref<16x64xf32, #tpu.memory_space<vmem>>
      %dma_start3A_577 = arith.constant 0 : i32
      %dma_start3A_578 = arith.constant 0 : i32
      %dma_start3A_579 = tpu.memref_slice %arg18[%dma_start3A_577, %dma_start3A_578] : memref<10000x64xf32, #tpu.memory_space<vmem_shared>> -> memref<10000x64xf32, #tpu.memory_space<vmem_shared>>
      tpu.enqueue_indirect_dma source(%dma_start3A_576 : memref<16x64xf32, #tpu.memory_space<vmem>>) target(%dma_start3A_579 : memref<10000x64xf32, #tpu.memory_space<vmem_shared>>) offsets(%get3A_470 : vector<16xi32>) semaphore(%arg21 : memref<!tpu.dma_semaphore, #tpu.memory_space<semaphore_mem>>) {add = true}
      %dma_start3A_580 = arith.constant 32 : i32
      %dma_start3A_581 = arith.constant 0 : i32
      %dma_start3A_582 = tpu.memref_slice %arg14[%dma_start3A_580, %dma_start3A_581] : memref<80x64xf32, #tpu.memory_space<vmem>> -> memref<16x64xf32, #tpu.memory_space<vmem>>
      %dma_start3A_583 = arith.constant 0 : i32
      %dma_start3A_584 = arith.constant 0 : i32
      %dma_start3A_585 = tpu.memref_slice %arg18[%dma_start3A_583, %dma_start3A_584] : memref<10000x64xf32, #tpu.memory_space<vmem_shared>> -> memref<10000x64xf32, #tpu.memory_space<vmem_shared>>
      tpu.enqueue_indirect_dma source(%dma_start3A_582 : memref<16x64xf32, #tpu.memory_space<vmem>>) target(%dma_start3A_585 : memref<10000x64xf32, #tpu.memory_space<vmem_shared>>) offsets(%get3A_495 : vector<16xi32>) semaphore(%arg21 : memref<!tpu.dma_semaphore, #tpu.memory_space<semaphore_mem>>) {add = true}
      %dma_start3A_586 = arith.constant 48 : i32
      %dma_start3A_587 = arith.constant 0 : i32
      %dma_start3A_588 = tpu.memref_slice %arg14[%dma_start3A_586, %dma_start3A_587] : memref<80x64xf32, #tpu.memory_space<vmem>> -> memref<16x64xf32, #tpu.memory_space<vmem>>
      %dma_start3A_589 = arith.constant 0 : i32
      %dma_start3A_590 = arith.constant 0 : i32
      %dma_start3A_591 = tpu.memref_slice %arg18[%dma_start3A_589, %dma_start3A_590] : memref<10000x64xf32, #tpu.memory_space<vmem_shared>> -> memref<10000x64xf32, #tpu.memory_space<vmem_shared>>
      tpu.enqueue_indirect_dma source(%dma_start3A_588 : memref<16x64xf32, #tpu.memory_space<vmem>>) target(%dma_start3A_591 : memref<10000x64xf32, #tpu.memory_space<vmem_shared>>) offsets(%get3A_520 : vector<16xi32>) semaphore(%arg21 : memref<!tpu.dma_semaphore, #tpu.memory_space<semaphore_mem>>) {add = true}
      %dma_start3A_592 = arith.constant 64 : i32
      %dma_start3A_593 = arith.constant 0 : i32
      %dma_start3A_594 = tpu.memref_slice %arg14[%dma_start3A_592, %dma_start3A_593] : memref<80x64xf32, #tpu.memory_space<vmem>> -> memref<16x64xf32, #tpu.memory_space<vmem>>
      %dma_start3A_595 = arith.constant 0 : i32
      %dma_start3A_596 = arith.constant 0 : i32
      %dma_start3A_597 = tpu.memref_slice %arg18[%dma_start3A_595, %dma_start3A_596] : memref<10000x64xf32, #tpu.memory_space<vmem_shared>> -> memref<10000x64xf32, #tpu.memory_space<vmem_shared>>
      tpu.enqueue_indirect_dma source(%dma_start3A_594 : memref<16x64xf32, #tpu.memory_space<vmem>>) target(%dma_start3A_597 : memref<10000x64xf32, #tpu.memory_space<vmem_shared>>) offsets(%get3A_545 : vector<16xi32>) semaphore(%arg21 : memref<!tpu.dma_semaphore, #tpu.memory_space<semaphore_mem>>) {add = true}
      %dma_wait3A_598 = arith.constant 0 : i32
      %dma_wait3A_599 = arith.constant 0 : i32
      %dma_wait3A_600 = tpu.memref_slice %arg14[%dma_wait3A_598, %dma_wait3A_599] : memref<80x64xf32, #tpu.memory_space<vmem>> -> memref<16x64xf32, #tpu.memory_space<vmem>>
      %dma_wait3A_601 = arith.constant 0 : i32
      %dma_wait3A_602 = arith.constant 0 : i32
      %dma_wait3A_603 = tpu.memref_slice %arg18[%dma_wait3A_601, %dma_wait3A_602] : memref<10000x64xf32, #tpu.memory_space<vmem_shared>> -> memref<10000x64xf32, #tpu.memory_space<vmem_shared>>
      tpu.wait_indirect_dma semaphore(%arg21 : memref<!tpu.dma_semaphore, #tpu.memory_space<semaphore_mem>>) src(%dma_wait3A_600 : memref<16x64xf32, #tpu.memory_space<vmem>>) dst(%dma_wait3A_603 : memref<10000x64xf32, #tpu.memory_space<vmem_shared>>)
      %dma_wait3A_604 = arith.constant 16 : i32
      %dma_wait3A_605 = arith.constant 0 : i32
      %dma_wait3A_606 = tpu.memref_slice %arg14[%dma_wait3A_604, %dma_wait3A_605] : memref<80x64xf32, #tpu.memory_space<vmem>> -> memref<16x64xf32, #tpu.memory_space<vmem>>
      %dma_wait3A_607 = arith.constant 0 : i32
      %dma_wait3A_608 = arith.constant 0 : i32
      %dma_wait3A_609 = tpu.memref_slice %arg18[%dma_wait3A_607, %dma_wait3A_608] : memref<10000x64xf32, #tpu.memory_space<vmem_shared>> -> memref<10000x64xf32, #tpu.memory_space<vmem_shared>>
      tpu.wait_indirect_dma semaphore(%arg21 : memref<!tpu.dma_semaphore, #tpu.memory_space<semaphore_mem>>) src(%dma_wait3A_606 : memref<16x64xf32, #tpu.memory_space<vmem>>) dst(%dma_wait3A_609 : memref<10000x64xf32, #tpu.memory_space<vmem_shared>>)
      %dma_wait3A_610 = arith.constant 32 : i32
      %dma_wait3A_611 = arith.constant 0 : i32
      %dma_wait3A_612 = tpu.memref_slice %arg14[%dma_wait3A_610, %dma_wait3A_611] : memref<80x64xf32, #tpu.memory_space<vmem>> -> memref<16x64xf32, #tpu.memory_space<vmem>>
      %dma_wait3A_613 = arith.constant 0 : i32
      %dma_wait3A_614 = arith.constant 0 : i32
      %dma_wait3A_615 = tpu.memref_slice %arg18[%dma_wait3A_613, %dma_wait3A_614] : memref<10000x64xf32, #tpu.memory_space<vmem_shared>> -> memref<10000x64xf32, #tpu.memory_space<vmem_shared>>
      tpu.wait_indirect_dma semaphore(%arg21 : memref<!tpu.dma_semaphore, #tpu.memory_space<semaphore_mem>>) src(%dma_wait3A_612 : memref<16x64xf32, #tpu.memory_space<vmem>>) dst(%dma_wait3A_615 : memref<10000x64xf32, #tpu.memory_space<vmem_shared>>)
      %dma_wait3A_616 = arith.constant 48 : i32
      %dma_wait3A_617 = arith.constant 0 : i32
      %dma_wait3A_618 = tpu.memref_slice %arg14[%dma_wait3A_616, %dma_wait3A_617] : memref<80x64xf32, #tpu.memory_space<vmem>> -> memref<16x64xf32, #tpu.memory_space<vmem>>
      %dma_wait3A_619 = arith.constant 0 : i32
      %dma_wait3A_620 = arith.constant 0 : i32
      %dma_wait3A_621 = tpu.memref_slice %arg18[%dma_wait3A_619, %dma_wait3A_620] : memref<10000x64xf32, #tpu.memory_space<vmem_shared>> -> memref<10000x64xf32, #tpu.memory_space<vmem_shared>>
      tpu.wait_indirect_dma semaphore(%arg21 : memref<!tpu.dma_semaphore, #tpu.memory_space<semaphore_mem>>) src(%dma_wait3A_618 : memref<16x64xf32, #tpu.memory_space<vmem>>) dst(%dma_wait3A_621 : memref<10000x64xf32, #tpu.memory_space<vmem_shared>>)
      %dma_wait3A_622 = arith.constant 64 : i32
      %dma_wait3A_623 = arith.constant 0 : i32
      %dma_wait3A_624 = tpu.memref_slice %arg14[%dma_wait3A_622, %dma_wait3A_623] : memref<80x64xf32, #tpu.memory_space<vmem>> -> memref<16x64xf32, #tpu.memory_space<vmem>>
      %dma_wait3A_625 = arith.constant 0 : i32
      %dma_wait3A_626 = arith.constant 0 : i32
      %dma_wait3A_627 = tpu.memref_slice %arg18[%dma_wait3A_625, %dma_wait3A_626] : memref<10000x64xf32, #tpu.memory_space<vmem_shared>> -> memref<10000x64xf32, #tpu.memory_space<vmem_shared>>
      tpu.wait_indirect_dma semaphore(%arg21 : memref<!tpu.dma_semaphore, #tpu.memory_space<semaphore_mem>>) src(%dma_wait3A_624 : memref<16x64xf32, #tpu.memory_space<vmem>>) dst(%dma_wait3A_627 : memref<10000x64xf32, #tpu.memory_space<vmem_shared>>)
      %add3A_628 = arith.constant 2 : i32
      %add3A_629 = arith.addi %add3A_422, %add3A_628 : i32
      %mul3A_630 = arith.constant 80 : i32
      %mul3A_631 = arith.muli %add3A_629, %mul3A_630 : i32
      %add3A_632 = arith.constant 0 : i32
      %add3A_633 = arith.addi %mul3A_631, %add3A_632 : i32
      %dma_start3A_634 = arith.constant 0 : i32
      %dma_start3A_635 = arith.constant 0 : i32
      %dma_start3A_636 = tpu.memref_slice %arg14[%dma_start3A_634, %dma_start3A_635] : memref<80x64xf32, #tpu.memory_space<vmem>> -> memref<80x64xf32, #tpu.memory_space<vmem>>
      %dma_start3A_637 = tpu.memref_slice %arg9[%add3A_633] : memref<20000xi32, #tpu.memory_space<vmem>> -> memref<80xi32, #tpu.memory_space<vmem>>
      %dma_start3A_638 = arith.constant 0 : i32
      %dma_start3A_639 = arith.constant 0 : i32
      %dma_start3A_640 = tpu.memref_slice %arg2[%arg0, %dma_start3A_638, %dma_start3A_639] : memref<2x10000x64xf32, #tpu.memory_space<hbm>> -> memref<1x10000x64xf32, #tpu.memory_space<hbm>>
      %dma_start3A_641 = tpu.memref_squeeze %dma_start3A_640 : memref<1x10000x64xf32, #tpu.memory_space<hbm>> -> memref<10000x64xf32, #tpu.memory_space<hbm>>
      %dma_start3A_642 = arith.constant 0 : i32
      %dma_start3A_643 = arith.constant 0 : i32
      %dma_start3A_644 = tpu.memref_slice %dma_start3A_641[%dma_start3A_642, %dma_start3A_643] : memref<10000x64xf32, #tpu.memory_space<hbm>> -> memref<10000x64xf32, #tpu.memory_space<hbm>>
      tpu.enqueue_indirect_dma source(%dma_start3A_644 : memref<10000x64xf32, #tpu.memory_space<hbm>>) target(%dma_start3A_636 : memref<80x64xf32, #tpu.memory_space<vmem>>) offsets(%dma_start3A_637 : memref<80xi32, #tpu.memory_space<vmem>>) semaphore(%arg19 : memref<!tpu.dma_semaphore, #tpu.memory_space<semaphore_mem>>)
      %add3A_645 = arith.constant 1 : i32
      %add3A_646 = arith.addi %add3A_422, %add3A_645 : i32
      %mul3A_647 = arith.constant 80 : i32
      %mul3A_648 = arith.muli %add3A_646, %mul3A_647 : i32
      %add3A_649 = arith.constant 0 : i32
      %add3A_650 = arith.addi %mul3A_648, %add3A_649 : i32
      %dma_wait3A_651 = arith.constant 0 : i32
      %dma_wait3A_652 = arith.constant 0 : i32
      %dma_wait3A_653 = tpu.memref_slice %arg15[%dma_wait3A_651, %dma_wait3A_652] : memref<80x64xf32, #tpu.memory_space<vmem>> -> memref<80x64xf32, #tpu.memory_space<vmem>>
      %dma_wait3A_654 = tpu.memref_slice %arg9[%add3A_650] : memref<20000xi32, #tpu.memory_space<vmem>> -> memref<80xi32, #tpu.memory_space<vmem>>
      %dma_wait3A_655 = arith.constant 0 : i32
      %dma_wait3A_656 = arith.constant 0 : i32
      %dma_wait3A_657 = tpu.memref_slice %arg2[%arg0, %dma_wait3A_655, %dma_wait3A_656] : memref<2x10000x64xf32, #tpu.memory_space<hbm>> -> memref<1x10000x64xf32, #tpu.memory_space<hbm>>
      %dma_wait3A_658 = tpu.memref_squeeze %dma_wait3A_657 : memref<1x10000x64xf32, #tpu.memory_space<hbm>> -> memref<10000x64xf32, #tpu.memory_space<hbm>>
      %dma_wait3A_659 = arith.constant 0 : i32
      %dma_wait3A_660 = arith.constant 0 : i32
      %dma_wait3A_661 = tpu.memref_slice %dma_wait3A_658[%dma_wait3A_659, %dma_wait3A_660] : memref<10000x64xf32, #tpu.memory_space<hbm>> -> memref<10000x64xf32, #tpu.memory_space<hbm>>
      tpu.wait_indirect_dma semaphore(%arg20 : memref<!tpu.dma_semaphore, #tpu.memory_space<semaphore_mem>>) src(%dma_wait3A_661 : memref<10000x64xf32, #tpu.memory_space<hbm>>) dst(%dma_wait3A_653 : memref<80x64xf32, #tpu.memory_space<vmem>>)
      %add3A_662 = arith.constant 0 : i32
      %add3A_663 = arith.addi %mul3A_648, %add3A_662 : i32
      %get3A_664 = arith.index_cast %add3A_663 : i32 to index
      %get3A_665 = tpu.vector_load %arg9[%get3A_664] {strides = array<i32>} : memref<20000xi32, #tpu.memory_space<vmem>>, vector<16xi32>,
      %add3A_666 = arith.constant 0 : i32
      %add3A_667 = arith.addi %mul3A_648, %add3A_666 : i32
      %get3A_668 = arith.index_cast %add3A_667 : i32 to index
      %get3A_669 = tpu.vector_load %arg10[%get3A_668] {strides = array<i32>} : memref<20000xi32, #tpu.memory_space<vmem>>, vector<16xi32>,
      %gather3A_670 = tpu.vector_load_idx %arg11[%get3A_665] : memref<10000xf32, #tpu.memory_space<vmem>>[vector<16xi32>], vector<16xf32>,
      %gather3A_671 = tpu.vector_load_idx %arg12[%get3A_669] : memref<10000xf32, #tpu.memory_space<vmem>>[vector<16xi32>], vector<16xf32>,
      %gather3A_672 = tpu.vector_load_idx %arg11[%get3A_669] : memref<10000xf32, #tpu.memory_space<vmem>>[vector<16xi32>], vector<16xf32>,
      %add3A_673 = arith.addf %gather3A_670, %gather3A_671 : vector<16xf32>
      %mul3A_674 = arith.constant 2.000000e-01 : f32
      %mul3A_675 = vector.broadcast %mul3A_674 : f32 to vector<16xf32>
      %mul3A_676 = arith.mulf %mul3A_675, %add3A_673 : vector<16xf32>
      %max3A_677 = arith.maximumf %add3A_673, %mul3A_676 : vector<16xf32>
      %add3A_678 = arith.addf %gather3A_672, %gather3A_671 : vector<16xf32>
      %mul3A_679 = arith.constant 2.000000e-01 : f32
      %mul3A_680 = vector.broadcast %mul3A_679 : f32 to vector<16xf32>
      %mul3A_681 = arith.mulf %mul3A_680, %add3A_678 : vector<16xf32>
      %max3A_682 = arith.maximumf %add3A_678, %mul3A_681 : vector<16xf32>
      %sub3A_683 = arith.subf %max3A_677, %max3A_682 : vector<16xf32>
      %exp3A_684 = math.exp %sub3A_683 : vector<16xf32>
      tpu.vector_store_idx %arg13[%get3A_669], %exp3A_684 {add = true} : memref<10000xf32, #tpu.memory_space<vmem>>[vector<16xi32>], vector<16xf32>,
      %swap3A_685 = arith.constant 0 : index
      %swap3A_686 = tpu.vector_load %arg16[%swap3A_685] {strides = array<i32>} : memref<80xf32, #tpu.memory_space<vmem>>, vector<16xf32>,
      tpu.vector_store %arg16[%swap3A_685], %exp3A_684 {strides = array<i32>} : memref<80xf32, #tpu.memory_space<vmem>>, vector<16xf32>,
      %add3A_687 = arith.constant 16 : i32
      %add3A_688 = arith.addi %mul3A_648, %add3A_687 : i32
      %get3A_689 = arith.index_cast %add3A_688 : i32 to index
      %get3A_690 = tpu.vector_load %arg9[%get3A_689] {strides = array<i32>} : memref<20000xi32, #tpu.memory_space<vmem>>, vector<16xi32>,
      %add3A_691 = arith.constant 16 : i32
      %add3A_692 = arith.addi %mul3A_648, %add3A_691 : i32
      %get3A_693 = arith.index_cast %add3A_692 : i32 to index
      %get3A_694 = tpu.vector_load %arg10[%get3A_693] {strides = array<i32>} : memref<20000xi32, #tpu.memory_space<vmem>>, vector<16xi32>,
      %gather3A_695 = tpu.vector_load_idx %arg11[%get3A_690] : memref<10000xf32, #tpu.memory_space<vmem>>[vector<16xi32>], vector<16xf32>,
      %gather3A_696 = tpu.vector_load_idx %arg12[%get3A_694] : memref<10000xf32, #tpu.memory_space<vmem>>[vector<16xi32>], vector<16xf32>,
      %gather3A_697 = tpu.vector_load_idx %arg11[%get3A_694] : memref<10000xf32, #tpu.memory_space<vmem>>[vector<16xi32>], vector<16xf32>,
      %add3A_698 = arith.addf %gather3A_695, %gather3A_696 : vector<16xf32>
      %mul3A_699 = arith.constant 2.000000e-01 : f32
      %mul3A_700 = vector.broadcast %mul3A_699 : f32 to vector<16xf32>
      %mul3A_701 = arith.mulf %mul3A_700, %add3A_698 : vector<16xf32>
      %max3A_702 = arith.maximumf %add3A_698, %mul3A_701 : vector<16xf32>
      %add3A_703 = arith.addf %gather3A_697, %gather3A_696 : vector<16xf32>
      %mul3A_704 = arith.constant 2.000000e-01 : f32
      %mul3A_705 = vector.broadcast %mul3A_704 : f32 to vector<16xf32>
      %mul3A_706 = arith.mulf %mul3A_705, %add3A_703 : vector<16xf32>
      %max3A_707 = arith.maximumf %add3A_703, %mul3A_706 : vector<16xf32>
      %sub3A_708 = arith.subf %max3A_702, %max3A_707 : vector<16xf32>
      %exp3A_709 = math.exp %sub3A_708 : vector<16xf32>
      tpu.vector_store_idx %arg13[%get3A_694], %exp3A_709 {add = true} : memref<10000xf32, #tpu.memory_space<vmem>>[vector<16xi32>], vector<16xf32>,
      %swap3A_710 = arith.constant 16 : index
      %swap3A_711 = tpu.vector_load %arg16[%swap3A_710] {strides = array<i32>} : memref<80xf32, #tpu.memory_space<vmem>>, vector<16xf32>,
      tpu.vector_store %arg16[%swap3A_710], %exp3A_709 {strides = array<i32>} : memref<80xf32, #tpu.memory_space<vmem>>, vector<16xf32>,
      %add3A_712 = arith.constant 32 : i32
      %add3A_713 = arith.addi %mul3A_648, %add3A_712 : i32
      %get3A_714 = arith.index_cast %add3A_713 : i32 to index
      %get3A_715 = tpu.vector_load %arg9[%get3A_714] {strides = array<i32>} : memref<20000xi32, #tpu.memory_space<vmem>>, vector<16xi32>,
      %add3A_716 = arith.constant 32 : i32
      %add3A_717 = arith.addi %mul3A_648, %add3A_716 : i32
      %get3A_718 = arith.index_cast %add3A_717 : i32 to index
      %get3A_719 = tpu.vector_load %arg10[%get3A_718] {strides = array<i32>} : memref<20000xi32, #tpu.memory_space<vmem>>, vector<16xi32>,
      %gather3A_720 = tpu.vector_load_idx %arg11[%get3A_715] : memref<10000xf32, #tpu.memory_space<vmem>>[vector<16xi32>], vector<16xf32>,
      %gather3A_721 = tpu.vector_load_idx %arg12[%get3A_719] : memref<10000xf32, #tpu.memory_space<vmem>>[vector<16xi32>], vector<16xf32>,
      %gather3A_722 = tpu.vector_load_idx %arg11[%get3A_719] : memref<10000xf32, #tpu.memory_space<vmem>>[vector<16xi32>], vector<16xf32>,
      %add3A_723 = arith.addf %gather3A_720, %gather3A_721 : vector<16xf32>
      %mul3A_724 = arith.constant 2.000000e-01 : f32
      %mul3A_725 = vector.broadcast %mul3A_724 : f32 to vector<16xf32>
      %mul3A_726 = arith.mulf %mul3A_725, %add3A_723 : vector<16xf32>
      %max3A_727 = arith.maximumf %add3A_723, %mul3A_726 : vector<16xf32>
      %add3A_728 = arith.addf %gather3A_722, %gather3A_721 : vector<16xf32>
      %mul3A_729 = arith.constant 2.000000e-01 : f32
      %mul3A_730 = vector.broadcast %mul3A_729 : f32 to vector<16xf32>
      %mul3A_731 = arith.mulf %mul3A_730, %add3A_728 : vector<16xf32>
      %max3A_732 = arith.maximumf %add3A_728, %mul3A_731 : vector<16xf32>
      %sub3A_733 = arith.subf %max3A_727, %max3A_732 : vector<16xf32>
      %exp3A_734 = math.exp %sub3A_733 : vector<16xf32>
      tpu.vector_store_idx %arg13[%get3A_719], %exp3A_734 {add = true} : memref<10000xf32, #tpu.memory_space<vmem>>[vector<16xi32>], vector<16xf32>,
      %swap3A_735 = arith.constant 32 : index
      %swap3A_736 = tpu.vector_load %arg16[%swap3A_735] {strides = array<i32>} : memref<80xf32, #tpu.memory_space<vmem>>, vector<16xf32>,
      tpu.vector_store %arg16[%swap3A_735], %exp3A_734 {strides = array<i32>} : memref<80xf32, #tpu.memory_space<vmem>>, vector<16xf32>,
      %add3A_737 = arith.constant 48 : i32
      %add3A_738 = arith.addi %mul3A_648, %add3A_737 : i32
      %get3A_739 = arith.index_cast %add3A_738 : i32 to index
      %get3A_740 = tpu.vector_load %arg9[%get3A_739] {strides = array<i32>} : memref<20000xi32, #tpu.memory_space<vmem>>, vector<16xi32>,
      %add3A_741 = arith.constant 48 : i32
      %add3A_742 = arith.addi %mul3A_648, %add3A_741 : i32
      %get3A_743 = arith.index_cast %add3A_742 : i32 to index
      %get3A_744 = tpu.vector_load %arg10[%get3A_743] {strides = array<i32>} : memref<20000xi32, #tpu.memory_space<vmem>>, vector<16xi32>,
      %gather3A_745 = tpu.vector_load_idx %arg11[%get3A_740] : memref<10000xf32, #tpu.memory_space<vmem>>[vector<16xi32>], vector<16xf32>,
      %gather3A_746 = tpu.vector_load_idx %arg12[%get3A_744] : memref<10000xf32, #tpu.memory_space<vmem>>[vector<16xi32>], vector<16xf32>,
      %gather3A_747 = tpu.vector_load_idx %arg11[%get3A_744] : memref<10000xf32, #tpu.memory_space<vmem>>[vector<16xi32>], vector<16xf32>,
      %add3A_748 = arith.addf %gather3A_745, %gather3A_746 : vector<16xf32>
      %mul3A_749 = arith.constant 2.000000e-01 : f32
      %mul3A_750 = vector.broadcast %mul3A_749 : f32 to vector<16xf32>
      %mul3A_751 = arith.mulf %mul3A_750, %add3A_748 : vector<16xf32>
      %max3A_752 = arith.maximumf %add3A_748, %mul3A_751 : vector<16xf32>
      %add3A_753 = arith.addf %gather3A_747, %gather3A_746 : vector<16xf32>
      %mul3A_754 = arith.constant 2.000000e-01 : f32
      %mul3A_755 = vector.broadcast %mul3A_754 : f32 to vector<16xf32>
      %mul3A_756 = arith.mulf %mul3A_755, %add3A_753 : vector<16xf32>
      %max3A_757 = arith.maximumf %add3A_753, %mul3A_756 : vector<16xf32>
      %sub3A_758 = arith.subf %max3A_752, %max3A_757 : vector<16xf32>
      %exp3A_759 = math.exp %sub3A_758 : vector<16xf32>
      tpu.vector_store_idx %arg13[%get3A_744], %exp3A_759 {add = true} : memref<10000xf32, #tpu.memory_space<vmem>>[vector<16xi32>], vector<16xf32>,
      %swap3A_760 = arith.constant 48 : index
      %swap3A_761 = tpu.vector_load %arg16[%swap3A_760] {strides = array<i32>} : memref<80xf32, #tpu.memory_space<vmem>>, vector<16xf32>,
      tpu.vector_store %arg16[%swap3A_760], %exp3A_759 {strides = array<i32>} : memref<80xf32, #tpu.memory_space<vmem>>, vector<16xf32>,
      %add3A_762 = arith.constant 64 : i32
      %add3A_763 = arith.addi %mul3A_648, %add3A_762 : i32
      %get3A_764 = arith.index_cast %add3A_763 : i32 to index
      %get3A_765 = tpu.vector_load %arg9[%get3A_764] {strides = array<i32>} : memref<20000xi32, #tpu.memory_space<vmem>>, vector<16xi32>,
      %add3A_766 = arith.constant 64 : i32
      %add3A_767 = arith.addi %mul3A_648, %add3A_766 : i32
      %get3A_768 = arith.index_cast %add3A_767 : i32 to index
      %get3A_769 = tpu.vector_load %arg10[%get3A_768] {strides = array<i32>} : memref<20000xi32, #tpu.memory_space<vmem>>, vector<16xi32>,
      %gather3A_770 = tpu.vector_load_idx %arg11[%get3A_765] : memref<10000xf32, #tpu.memory_space<vmem>>[vector<16xi32>], vector<16xf32>,
      %gather3A_771 = tpu.vector_load_idx %arg12[%get3A_769] : memref<10000xf32, #tpu.memory_space<vmem>>[vector<16xi32>], vector<16xf32>,
      %gather3A_772 = tpu.vector_load_idx %arg11[%get3A_769] : memref<10000xf32, #tpu.memory_space<vmem>>[vector<16xi32>], vector<16xf32>,
      %add3A_773 = arith.addf %gather3A_770, %gather3A_771 : vector<16xf32>
      %mul3A_774 = arith.constant 2.000000e-01 : f32
      %mul3A_775 = vector.broadcast %mul3A_774 : f32 to vector<16xf32>
      %mul3A_776 = arith.mulf %mul3A_775, %add3A_773 : vector<16xf32>
      %max3A_777 = arith.maximumf %add3A_773, %mul3A_776 : vector<16xf32>
      %add3A_778 = arith.addf %gather3A_772, %gather3A_771 : vector<16xf32>
      %mul3A_779 = arith.constant 2.000000e-01 : f32
      %mul3A_780 = vector.broadcast %mul3A_779 : f32 to vector<16xf32>
      %mul3A_781 = arith.mulf %mul3A_780, %add3A_778 : vector<16xf32>
      %max3A_782 = arith.maximumf %add3A_778, %mul3A_781 : vector<16xf32>
      %sub3A_783 = arith.subf %max3A_777, %max3A_782 : vector<16xf32>
      %exp3A_784 = math.exp %sub3A_783 : vector<16xf32>
      tpu.vector_store_idx %arg13[%get3A_769], %exp3A_784 {add = true} : memref<10000xf32, #tpu.memory_space<vmem>>[vector<16xi32>], vector<16xf32>,
      %swap3A_785 = arith.constant 64 : index
      %swap3A_786 = tpu.vector_load %arg16[%swap3A_785] {strides = array<i32>} : memref<80xf32, #tpu.memory_space<vmem>>, vector<16xf32>,
      tpu.vector_store %arg16[%swap3A_785], %exp3A_784 {strides = array<i32>} : memref<80xf32, #tpu.memory_space<vmem>>, vector<16xf32>,
      %scan3A_787 = arith.constant 0 : i32
      %scan3A_788 = arith.constant 80 : i32
      %scan3A_789 = arith.addi %scan3A_787, %scan3A_788 : i32
      %scan3A_790 = arith.constant 4 : i32
      scf.for %scan3A_869 = %scan3A_787 to %scan3A_789 step %scan3A_790  : i32 {
        %mul3A_870 = arith.constant 1 : i32
        %mul3A_871 = arith.muli %scan3A_869, %mul3A_870 : i32
        %add3A_872 = arith.constant 0 : i32
        %add3A_873 = arith.addi %add3A_872, %mul3A_871 : i32
        %broadcast_in_dim3A_874 = vector.broadcast %add3A_873 : i32 to vector<16xi32>
        %gather3A_875 = tpu.vector_load_idx %arg16[%broadcast_in_dim3A_874] : memref<80xf32, #tpu.memory_space<vmem>>[vector<16xi32>], vector<16xf32>,
        %get3A_876 = arith.index_cast %add3A_873 : i32 to index
        %get3A_877 = arith.constant 0 : index
        %get3A_878 = tpu.vector_load %arg15[%get3A_876, %get3A_877] {strides = array<i32>} : memref<80x64xf32, #tpu.memory_space<vmem>>, vector<16xf32>,
        %mul3A_879 = arith.mulf %get3A_878, %gather3A_875 : vector<16xf32>
        %swap3A_880 = arith.index_cast %add3A_873 : i32 to index
        %swap3A_881 = arith.constant 0 : index
        %swap3A_882 = tpu.vector_load %arg15[%swap3A_880, %swap3A_881] {strides = array<i32>} : memref<80x64xf32, #tpu.memory_space<vmem>>, vector<16xf32>,
        tpu.vector_store %arg15[%swap3A_880, %swap3A_881], %mul3A_879 {strides = array<i32>} : memref<80x64xf32, #tpu.memory_space<vmem>>, vector<16xf32>,
        %get3A_883 = arith.index_cast %add3A_873 : i32 to index
        %get3A_884 = arith.constant 16 : index
        %get3A_885 = tpu.vector_load %arg15[%get3A_883, %get3A_884] {strides = array<i32>} : memref<80x64xf32, #tpu.memory_space<vmem>>, vector<16xf32>,
        %mul3A_886 = arith.mulf %get3A_885, %gather3A_875 : vector<16xf32>
        %swap3A_887 = arith.index_cast %add3A_873 : i32 to index
        %swap3A_888 = arith.constant 16 : index
        %swap3A_889 = tpu.vector_load %arg15[%swap3A_887, %swap3A_888] {strides = array<i32>} : memref<80x64xf32, #tpu.memory_space<vmem>>, vector<16xf32>,
        tpu.vector_store %arg15[%swap3A_887, %swap3A_888], %mul3A_886 {strides = array<i32>} : memref<80x64xf32, #tpu.memory_space<vmem>>, vector<16xf32>,
        %get3A_890 = arith.index_cast %add3A_873 : i32 to index
        %get3A_891 = arith.constant 32 : index
        %get3A_892 = tpu.vector_load %arg15[%get3A_890, %get3A_891] {strides = array<i32>} : memref<80x64xf32, #tpu.memory_space<vmem>>, vector<16xf32>,
        %mul3A_893 = arith.mulf %get3A_892, %gather3A_875 : vector<16xf32>
        %swap3A_894 = arith.index_cast %add3A_873 : i32 to index
        %swap3A_895 = arith.constant 32 : index
        %swap3A_896 = tpu.vector_load %arg15[%swap3A_894, %swap3A_895] {strides = array<i32>} : memref<80x64xf32, #tpu.memory_space<vmem>>, vector<16xf32>,
        tpu.vector_store %arg15[%swap3A_894, %swap3A_895], %mul3A_893 {strides = array<i32>} : memref<80x64xf32, #tpu.memory_space<vmem>>, vector<16xf32>,
        %get3A_897 = arith.index_cast %add3A_873 : i32 to index
        %get3A_898 = arith.constant 48 : index
        %get3A_899 = tpu.vector_load %arg15[%get3A_897, %get3A_898] {strides = array<i32>} : memref<80x64xf32, #tpu.memory_space<vmem>>, vector<16xf32>,
        %mul3A_900 = arith.mulf %get3A_899, %gather3A_875 : vector<16xf32>
        %swap3A_901 = arith.index_cast %add3A_873 : i32 to index
        %swap3A_902 = arith.constant 48 : index
        %swap3A_903 = tpu.vector_load %arg15[%swap3A_901, %swap3A_902] {strides = array<i32>} : memref<80x64xf32, #tpu.memory_space<vmem>>, vector<16xf32>,
        tpu.vector_store %arg15[%swap3A_901, %swap3A_902], %mul3A_900 {strides = array<i32>} : memref<80x64xf32, #tpu.memory_space<vmem>>, vector<16xf32>,
        %scan3A_904 = arith.constant 1 : i32
        %scan3A_905 = arith.addi %scan3A_869, %scan3A_904 : i32
        %mul3A_906 = arith.constant 1 : i32
        %mul3A_907 = arith.muli %scan3A_905, %mul3A_906 : i32
        %add3A_908 = arith.constant 0 : i32
        %add3A_909 = arith.addi %add3A_908, %mul3A_907 : i32
        %broadcast_in_dim3A_910 = vector.broadcast %add3A_909 : i32 to vector<16xi32>
        %gather3A_911 = tpu.vector_load_idx %arg16[%broadcast_in_dim3A_910] : memref<80xf32, #tpu.memory_space<vmem>>[vector<16xi32>], vector<16xf32>,
        %get3A_912 = arith.index_cast %add3A_909 : i32 to index
        %get3A_913 = arith.constant 0 : index
        %get3A_914 = tpu.vector_load %arg15[%get3A_912, %get3A_913] {strides = array<i32>} : memref<80x64xf32, #tpu.memory_space<vmem>>, vector<16xf32>,
        %mul3A_915 = arith.mulf %get3A_914, %gather3A_911 : vector<16xf32>
        %swap3A_916 = arith.index_cast %add3A_909 : i32 to index
        %swap3A_917 = arith.constant 0 : index
        %swap3A_918 = tpu.vector_load %arg15[%swap3A_916, %swap3A_917] {strides = array<i32>} : memref<80x64xf32, #tpu.memory_space<vmem>>, vector<16xf32>,
        tpu.vector_store %arg15[%swap3A_916, %swap3A_917], %mul3A_915 {strides = array<i32>} : memref<80x64xf32, #tpu.memory_space<vmem>>, vector<16xf32>,
        %get3A_919 = arith.index_cast %add3A_909 : i32 to index
        %get3A_920 = arith.constant 16 : index
        %get3A_921 = tpu.vector_load %arg15[%get3A_919, %get3A_920] {strides = array<i32>} : memref<80x64xf32, #tpu.memory_space<vmem>>, vector<16xf32>,
        %mul3A_922 = arith.mulf %get3A_921, %gather3A_911 : vector<16xf32>
        %swap3A_923 = arith.index_cast %add3A_909 : i32 to index
        %swap3A_924 = arith.constant 16 : index
        %swap3A_925 = tpu.vector_load %arg15[%swap3A_923, %swap3A_924] {strides = array<i32>} : memref<80x64xf32, #tpu.memory_space<vmem>>, vector<16xf32>,
        tpu.vector_store %arg15[%swap3A_923, %swap3A_924], %mul3A_922 {strides = array<i32>} : memref<80x64xf32, #tpu.memory_space<vmem>>, vector<16xf32>,
        %get3A_926 = arith.index_cast %add3A_909 : i32 to index
        %get3A_927 = arith.constant 32 : index
        %get3A_928 = tpu.vector_load %arg15[%get3A_926, %get3A_927] {strides = array<i32>} : memref<80x64xf32, #tpu.memory_space<vmem>>, vector<16xf32>,
        %mul3A_929 = arith.mulf %get3A_928, %gather3A_911 : vector<16xf32>
        %swap3A_930 = arith.index_cast %add3A_909 : i32 to index
        %swap3A_931 = arith.constant 32 : index
        %swap3A_932 = tpu.vector_load %arg15[%swap3A_930, %swap3A_931] {strides = array<i32>} : memref<80x64xf32, #tpu.memory_space<vmem>>, vector<16xf32>,
        tpu.vector_store %arg15[%swap3A_930, %swap3A_931], %mul3A_929 {strides = array<i32>} : memref<80x64xf32, #tpu.memory_space<vmem>>, vector<16xf32>,
        %get3A_933 = arith.index_cast %add3A_909 : i32 to index
        %get3A_934 = arith.constant 48 : index
        %get3A_935 = tpu.vector_load %arg15[%get3A_933, %get3A_934] {strides = array<i32>} : memref<80x64xf32, #tpu.memory_space<vmem>>, vector<16xf32>,
        %mul3A_936 = arith.mulf %get3A_935, %gather3A_911 : vector<16xf32>
        %swap3A_937 = arith.index_cast %add3A_909 : i32 to index
        %swap3A_938 = arith.constant 48 : index
        %swap3A_939 = tpu.vector_load %arg15[%swap3A_937, %swap3A_938] {strides = array<i32>} : memref<80x64xf32, #tpu.memory_space<vmem>>, vector<16xf32>,
        tpu.vector_store %arg15[%swap3A_937, %swap3A_938], %mul3A_936 {strides = array<i32>} : memref<80x64xf32, #tpu.memory_space<vmem>>, vector<16xf32>,
        %scan3A_940 = arith.constant 2 : i32
        %scan3A_941 = arith.addi %scan3A_869, %scan3A_940 : i32
        %mul3A_942 = arith.constant 1 : i32
        %mul3A_943 = arith.muli %scan3A_941, %mul3A_942 : i32
        %add3A_944 = arith.constant 0 : i32
        %add3A_945 = arith.addi %add3A_944, %mul3A_943 : i32
        %broadcast_in_dim3A_946 = vector.broadcast %add3A_945 : i32 to vector<16xi32>
        %gather3A_947 = tpu.vector_load_idx %arg16[%broadcast_in_dim3A_946] : memref<80xf32, #tpu.memory_space<vmem>>[vector<16xi32>], vector<16xf32>,
        %get3A_948 = arith.index_cast %add3A_945 : i32 to index
        %get3A_949 = arith.constant 0 : index
        %get3A_950 = tpu.vector_load %arg15[%get3A_948, %get3A_949] {strides = array<i32>} : memref<80x64xf32, #tpu.memory_space<vmem>>, vector<16xf32>,
        %mul3A_951 = arith.mulf %get3A_950, %gather3A_947 : vector<16xf32>
        %swap3A_952 = arith.index_cast %add3A_945 : i32 to index
        %swap3A_953 = arith.constant 0 : index
        %swap3A_954 = tpu.vector_load %arg15[%swap3A_952, %swap3A_953] {strides = array<i32>} : memref<80x64xf32, #tpu.memory_space<vmem>>, vector<16xf32>,
        tpu.vector_store %arg15[%swap3A_952, %swap3A_953], %mul3A_951 {strides = array<i32>} : memref<80x64xf32, #tpu.memory_space<vmem>>, vector<16xf32>,
        %get3A_955 = arith.index_cast %add3A_945 : i32 to index
        %get3A_956 = arith.constant 16 : index
        %get3A_957 = tpu.vector_load %arg15[%get3A_955, %get3A_956] {strides = array<i32>} : memref<80x64xf32, #tpu.memory_space<vmem>>, vector<16xf32>,
        %mul3A_958 = arith.mulf %get3A_957, %gather3A_947 : vector<16xf32>
        %swap3A_959 = arith.index_cast %add3A_945 : i32 to index
        %swap3A_960 = arith.constant 16 : index
        %swap3A_961 = tpu.vector_load %arg15[%swap3A_959, %swap3A_960] {strides = array<i32>} : memref<80x64xf32, #tpu.memory_space<vmem>>, vector<16xf32>,
        tpu.vector_store %arg15[%swap3A_959, %swap3A_960], %mul3A_958 {strides = array<i32>} : memref<80x64xf32, #tpu.memory_space<vmem>>, vector<16xf32>,
        %get3A_962 = arith.index_cast %add3A_945 : i32 to index
        %get3A_963 = arith.constant 32 : index
        %get3A_964 = tpu.vector_load %arg15[%get3A_962, %get3A_963] {strides = array<i32>} : memref<80x64xf32, #tpu.memory_space<vmem>>, vector<16xf32>,
        %mul3A_965 = arith.mulf %get3A_964, %gather3A_947 : vector<16xf32>
        %swap3A_966 = arith.index_cast %add3A_945 : i32 to index
        %swap3A_967 = arith.constant 32 : index
        %swap3A_968 = tpu.vector_load %arg15[%swap3A_966, %swap3A_967] {strides = array<i32>} : memref<80x64xf32, #tpu.memory_space<vmem>>, vector<16xf32>,
        tpu.vector_store %arg15[%swap3A_966, %swap3A_967], %mul3A_965 {strides = array<i32>} : memref<80x64xf32, #tpu.memory_space<vmem>>, vector<16xf32>,
        %get3A_969 = arith.index_cast %add3A_945 : i32 to index
        %get3A_970 = arith.constant 48 : index
        %get3A_971 = tpu.vector_load %arg15[%get3A_969, %get3A_970] {strides = array<i32>} : memref<80x64xf32, #tpu.memory_space<vmem>>, vector<16xf32>,
        %mul3A_972 = arith.mulf %get3A_971, %gather3A_947 : vector<16xf32>
        %swap3A_973 = arith.index_cast %add3A_945 : i32 to index
        %swap3A_974 = arith.constant 48 : index
        %swap3A_975 = tpu.vector_load %arg15[%swap3A_973, %swap3A_974] {strides = array<i32>} : memref<80x64xf32, #tpu.memory_space<vmem>>, vector<16xf32>,
        tpu.vector_store %arg15[%swap3A_973, %swap3A_974], %mul3A_972 {strides = array<i32>} : memref<80x64xf32, #tpu.memory_space<vmem>>, vector<16xf32>,
        %scan3A_976 = arith.constant 3 : i32
        %scan3A_977 = arith.addi %scan3A_869, %scan3A_976 : i32
        %mul3A_978 = arith.constant 1 : i32
        %mul3A_979 = arith.muli %scan3A_977, %mul3A_978 : i32
        %add3A_980 = arith.constant 0 : i32
        %add3A_981 = arith.addi %add3A_980, %mul3A_979 : i32
        %broadcast_in_dim3A_982 = vector.broadcast %add3A_981 : i32 to vector<16xi32>
        %gather3A_983 = tpu.vector_load_idx %arg16[%broadcast_in_dim3A_982] : memref<80xf32, #tpu.memory_space<vmem>>[vector<16xi32>], vector<16xf32>,
        %get3A_984 = arith.index_cast %add3A_981 : i32 to index
        %get3A_985 = arith.constant 0 : index
        %get3A_986 = tpu.vector_load %arg15[%get3A_984, %get3A_985] {strides = array<i32>} : memref<80x64xf32, #tpu.memory_space<vmem>>, vector<16xf32>,
        %mul3A_987 = arith.mulf %get3A_986, %gather3A_983 : vector<16xf32>
        %swap3A_988 = arith.index_cast %add3A_981 : i32 to index
        %swap3A_989 = arith.constant 0 : index
        %swap3A_990 = tpu.vector_load %arg15[%swap3A_988, %swap3A_989] {strides = array<i32>} : memref<80x64xf32, #tpu.memory_space<vmem>>, vector<16xf32>,
        tpu.vector_store %arg15[%swap3A_988, %swap3A_989], %mul3A_987 {strides = array<i32>} : memref<80x64xf32, #tpu.memory_space<vmem>>, vector<16xf32>,
        %get3A_991 = arith.index_cast %add3A_981 : i32 to index
        %get3A_992 = arith.constant 16 : index
        %get3A_993 = tpu.vector_load %arg15[%get3A_991, %get3A_992] {strides = array<i32>} : memref<80x64xf32, #tpu.memory_space<vmem>>, vector<16xf32>,
        %mul3A_994 = arith.mulf %get3A_993, %gather3A_983 : vector<16xf32>
        %swap3A_995 = arith.index_cast %add3A_981 : i32 to index
        %swap3A_996 = arith.constant 16 : index
        %swap3A_997 = tpu.vector_load %arg15[%swap3A_995, %swap3A_996] {strides = array<i32>} : memref<80x64xf32, #tpu.memory_space<vmem>>, vector<16xf32>,
        tpu.vector_store %arg15[%swap3A_995, %swap3A_996], %mul3A_994 {strides = array<i32>} : memref<80x64xf32, #tpu.memory_space<vmem>>, vector<16xf32>,
        %get3A_998 = arith.index_cast %add3A_981 : i32 to index
        %get3A_999 = arith.constant 32 : index
        %get3A_1000 = tpu.vector_load %arg15[%get3A_998, %get3A_999] {strides = array<i32>} : memref<80x64xf32, #tpu.memory_space<vmem>>, vector<16xf32>,
        %mul3A_1001 = arith.mulf %get3A_1000, %gather3A_983 : vector<16xf32>
        %swap3A_1002 = arith.index_cast %add3A_981 : i32 to index
        %swap3A_1003 = arith.constant 32 : index
        %swap3A_1004 = tpu.vector_load %arg15[%swap3A_1002, %swap3A_1003] {strides = array<i32>} : memref<80x64xf32, #tpu.memory_space<vmem>>, vector<16xf32>,
        tpu.vector_store %arg15[%swap3A_1002, %swap3A_1003], %mul3A_1001 {strides = array<i32>} : memref<80x64xf32, #tpu.memory_space<vmem>>, vector<16xf32>,
        %get3A_1005 = arith.index_cast %add3A_981 : i32 to index
        %get3A_1006 = arith.constant 48 : index
        %get3A_1007 = tpu.vector_load %arg15[%get3A_1005, %get3A_1006] {strides = array<i32>} : memref<80x64xf32, #tpu.memory_space<vmem>>, vector<16xf32>,
        %mul3A_1008 = arith.mulf %get3A_1007, %gather3A_983 : vector<16xf32>
        %swap3A_1009 = arith.index_cast %add3A_981 : i32 to index
        %swap3A_1010 = arith.constant 48 : index
        %swap3A_1011 = tpu.vector_load %arg15[%swap3A_1009, %swap3A_1010] {strides = array<i32>} : memref<80x64xf32, #tpu.memory_space<vmem>>, vector<16xf32>,
        tpu.vector_store %arg15[%swap3A_1009, %swap3A_1010], %mul3A_1008 {strides = array<i32>} : memref<80x64xf32, #tpu.memory_space<vmem>>, vector<16xf32>,
      }
      %scan3A_791 = arith.constant 80 : i32
      %dma_start3A_792 = arith.constant 0 : i32
      %dma_start3A_793 = arith.constant 0 : i32
      %dma_start3A_794 = tpu.memref_slice %arg15[%dma_start3A_792, %dma_start3A_793] : memref<80x64xf32, #tpu.memory_space<vmem>> -> memref<16x64xf32, #tpu.memory_space<vmem>>
      %dma_start3A_795 = arith.constant 0 : i32
      %dma_start3A_796 = arith.constant 0 : i32
      %dma_start3A_797 = tpu.memref_slice %arg18[%dma_start3A_795, %dma_start3A_796] : memref<10000x64xf32, #tpu.memory_space<vmem_shared>> -> memref<10000x64xf32, #tpu.memory_space<vmem_shared>>
      tpu.enqueue_indirect_dma source(%dma_start3A_794 : memref<16x64xf32, #tpu.memory_space<vmem>>) target(%dma_start3A_797 : memref<10000x64xf32, #tpu.memory_space<vmem_shared>>) offsets(%get3A_669 : vector<16xi32>) semaphore(%arg21 : memref<!tpu.dma_semaphore, #tpu.memory_space<semaphore_mem>>) {add = true}
      %dma_start3A_798 = arith.constant 16 : i32
      %dma_start3A_799 = arith.constant 0 : i32
      %dma_start3A_800 = tpu.memref_slice %arg15[%dma_start3A_798, %dma_start3A_799] : memref<80x64xf32, #tpu.memory_space<vmem>> -> memref<16x64xf32, #tpu.memory_space<vmem>>
      %dma_start3A_801 = arith.constant 0 : i32
      %dma_start3A_802 = arith.constant 0 : i32
      %dma_start3A_803 = tpu.memref_slice %arg18[%dma_start3A_801, %dma_start3A_802] : memref<10000x64xf32, #tpu.memory_space<vmem_shared>> -> memref<10000x64xf32, #tpu.memory_space<vmem_shared>>
      tpu.enqueue_indirect_dma source(%dma_start3A_800 : memref<16x64xf32, #tpu.memory_space<vmem>>) target(%dma_start3A_803 : memref<10000x64xf32, #tpu.memory_space<vmem_shared>>) offsets(%get3A_694 : vector<16xi32>) semaphore(%arg21 : memref<!tpu.dma_semaphore, #tpu.memory_space<semaphore_mem>>) {add = true}
      %dma_start3A_804 = arith.constant 32 : i32
      %dma_start3A_805 = arith.constant 0 : i32
      %dma_start3A_806 = tpu.memref_slice %arg15[%dma_start3A_804, %dma_start3A_805] : memref<80x64xf32, #tpu.memory_space<vmem>> -> memref<16x64xf32, #tpu.memory_space<vmem>>
      %dma_start3A_807 = arith.constant 0 : i32
      %dma_start3A_808 = arith.constant 0 : i32
      %dma_start3A_809 = tpu.memref_slice %arg18[%dma_start3A_807, %dma_start3A_808] : memref<10000x64xf32, #tpu.memory_space<vmem_shared>> -> memref<10000x64xf32, #tpu.memory_space<vmem_shared>>
      tpu.enqueue_indirect_dma source(%dma_start3A_806 : memref<16x64xf32, #tpu.memory_space<vmem>>) target(%dma_start3A_809 : memref<10000x64xf32, #tpu.memory_space<vmem_shared>>) offsets(%get3A_719 : vector<16xi32>) semaphore(%arg21 : memref<!tpu.dma_semaphore, #tpu.memory_space<semaphore_mem>>) {add = true}
      %dma_start3A_810 = arith.constant 48 : i32
      %dma_start3A_811 = arith.constant 0 : i32
      %dma_start3A_812 = tpu.memref_slice %arg15[%dma_start3A_810, %dma_start3A_811] : memref<80x64xf32, #tpu.memory_space<vmem>> -> memref<16x64xf32, #tpu.memory_space<vmem>>
      %dma_start3A_813 = arith.constant 0 : i32
      %dma_start3A_814 = arith.constant 0 : i32
      %dma_start3A_815 = tpu.memref_slice %arg18[%dma_start3A_813, %dma_start3A_814] : memref<10000x64xf32, #tpu.memory_space<vmem_shared>> -> memref<10000x64xf32, #tpu.memory_space<vmem_shared>>
      tpu.enqueue_indirect_dma source(%dma_start3A_812 : memref<16x64xf32, #tpu.memory_space<vmem>>) target(%dma_start3A_815 : memref<10000x64xf32, #tpu.memory_space<vmem_shared>>) offsets(%get3A_744 : vector<16xi32>) semaphore(%arg21 : memref<!tpu.dma_semaphore, #tpu.memory_space<semaphore_mem>>) {add = true}
      %dma_start3A_816 = arith.constant 64 : i32
      %dma_start3A_817 = arith.constant 0 : i32
      %dma_start3A_818 = tpu.memref_slice %arg15[%dma_start3A_816, %dma_start3A_817] : memref<80x64xf32, #tpu.memory_space<vmem>> -> memref<16x64xf32, #tpu.memory_space<vmem>>
      %dma_start3A_819 = arith.constant 0 : i32
      %dma_start3A_820 = arith.constant 0 : i32
      %dma_start3A_821 = tpu.memref_slice %arg18[%dma_start3A_819, %dma_start3A_820] : memref<10000x64xf32, #tpu.memory_space<vmem_shared>> -> memref<10000x64xf32, #tpu.memory_space<vmem_shared>>
      tpu.enqueue_indirect_dma source(%dma_start3A_818 : memref<16x64xf32, #tpu.memory_space<vmem>>) target(%dma_start3A_821 : memref<10000x64xf32, #tpu.memory_space<vmem_shared>>) offsets(%get3A_769 : vector<16xi32>) semaphore(%arg21 : memref<!tpu.dma_semaphore, #tpu.memory_space<semaphore_mem>>) {add = true}
      %dma_wait3A_822 = arith.constant 0 : i32
      %dma_wait3A_823 = arith.constant 0 : i32
      %dma_wait3A_824 = tpu.memref_slice %arg15[%dma_wait3A_822, %dma_wait3A_823] : memref<80x64xf32, #tpu.memory_space<vmem>> -> memref<16x64xf32, #tpu.memory_space<vmem>>
      %dma_wait3A_825 = arith.constant 0 : i32
      %dma_wait3A_826 = arith.constant 0 : i32
      %dma_wait3A_827 = tpu.memref_slice %arg18[%dma_wait3A_825, %dma_wait3A_826] : memref<10000x64xf32, #tpu.memory_space<vmem_shared>> -> memref<10000x64xf32, #tpu.memory_space<vmem_shared>>
      tpu.wait_indirect_dma semaphore(%arg21 : memref<!tpu.dma_semaphore, #tpu.memory_space<semaphore_mem>>) src(%dma_wait3A_824 : memref<16x64xf32, #tpu.memory_space<vmem>>) dst(%dma_wait3A_827 : memref<10000x64xf32, #tpu.memory_space<vmem_shared>>)
      %dma_wait3A_828 = arith.constant 16 : i32
      %dma_wait3A_829 = arith.constant 0 : i32
      %dma_wait3A_830 = tpu.memref_slice %arg15[%dma_wait3A_828, %dma_wait3A_829] : memref<80x64xf32, #tpu.memory_space<vmem>> -> memref<16x64xf32, #tpu.memory_space<vmem>>
      %dma_wait3A_831 = arith.constant 0 : i32
      %dma_wait3A_832 = arith.constant 0 : i32
      %dma_wait3A_833 = tpu.memref_slice %arg18[%dma_wait3A_831, %dma_wait3A_832] : memref<10000x64xf32, #tpu.memory_space<vmem_shared>> -> memref<10000x64xf32, #tpu.memory_space<vmem_shared>>
      tpu.wait_indirect_dma semaphore(%arg21 : memref<!tpu.dma_semaphore, #tpu.memory_space<semaphore_mem>>) src(%dma_wait3A_830 : memref<16x64xf32, #tpu.memory_space<vmem>>) dst(%dma_wait3A_833 : memref<10000x64xf32, #tpu.memory_space<vmem_shared>>)
      %dma_wait3A_834 = arith.constant 32 : i32
      %dma_wait3A_835 = arith.constant 0 : i32
      %dma_wait3A_836 = tpu.memref_slice %arg15[%dma_wait3A_834, %dma_wait3A_835] : memref<80x64xf32, #tpu.memory_space<vmem>> -> memref<16x64xf32, #tpu.memory_space<vmem>>
      %dma_wait3A_837 = arith.constant 0 : i32
      %dma_wait3A_838 = arith.constant 0 : i32
      %dma_wait3A_839 = tpu.memref_slice %arg18[%dma_wait3A_837, %dma_wait3A_838] : memref<10000x64xf32, #tpu.memory_space<vmem_shared>> -> memref<10000x64xf32, #tpu.memory_space<vmem_shared>>
      tpu.wait_indirect_dma semaphore(%arg21 : memref<!tpu.dma_semaphore, #tpu.memory_space<semaphore_mem>>) src(%dma_wait3A_836 : memref<16x64xf32, #tpu.memory_space<vmem>>) dst(%dma_wait3A_839 : memref<10000x64xf32, #tpu.memory_space<vmem_shared>>)
      %dma_wait3A_840 = arith.constant 48 : i32
      %dma_wait3A_841 = arith.constant 0 : i32
      %dma_wait3A_842 = tpu.memref_slice %arg15[%dma_wait3A_840, %dma_wait3A_841] : memref<80x64xf32, #tpu.memory_space<vmem>> -> memref<16x64xf32, #tpu.memory_space<vmem>>
      %dma_wait3A_843 = arith.constant 0 : i32
      %dma_wait3A_844 = arith.constant 0 : i32
      %dma_wait3A_845 = tpu.memref_slice %arg18[%dma_wait3A_843, %dma_wait3A_844] : memref<10000x64xf32, #tpu.memory_space<vmem_shared>> -> memref<10000x64xf32, #tpu.memory_space<vmem_shared>>
      tpu.wait_indirect_dma semaphore(%arg21 : memref<!tpu.dma_semaphore, #tpu.memory_space<semaphore_mem>>) src(%dma_wait3A_842 : memref<16x64xf32, #tpu.memory_space<vmem>>) dst(%dma_wait3A_845 : memref<10000x64xf32, #tpu.memory_space<vmem_shared>>)
      %dma_wait3A_846 = arith.constant 64 : i32
      %dma_wait3A_847 = arith.constant 0 : i32
      %dma_wait3A_848 = tpu.memref_slice %arg15[%dma_wait3A_846, %dma_wait3A_847] : memref<80x64xf32, #tpu.memory_space<vmem>> -> memref<16x64xf32, #tpu.memory_space<vmem>>
      %dma_wait3A_849 = arith.constant 0 : i32
      %dma_wait3A_850 = arith.constant 0 : i32
      %dma_wait3A_851 = tpu.memref_slice %arg18[%dma_wait3A_849, %dma_wait3A_850] : memref<10000x64xf32, #tpu.memory_space<vmem_shared>> -> memref<10000x64xf32, #tpu.memory_space<vmem_shared>>
      tpu.wait_indirect_dma semaphore(%arg21 : memref<!tpu.dma_semaphore, #tpu.memory_space<semaphore_mem>>) src(%dma_wait3A_848 : memref<16x64xf32, #tpu.memory_space<vmem>>) dst(%dma_wait3A_851 : memref<10000x64xf32, #tpu.memory_space<vmem_shared>>)
      %add3A_852 = arith.constant 3 : i32
      %add3A_853 = arith.addi %add3A_422, %add3A_852 : i32
      %mul3A_854 = arith.constant 80 : i32
      %mul3A_855 = arith.muli %add3A_853, %mul3A_854 : i32
      %add3A_856 = arith.constant 0 : i32
      %add3A_857 = arith.addi %mul3A_855, %add3A_856 : i32
      %dma_start3A_858 = arith.constant 0 : i32
      %dma_start3A_859 = arith.constant 0 : i32
      %dma_start3A_860 = tpu.memref_slice %arg15[%dma_start3A_858, %dma_start3A_859] : memref<80x64xf32, #tpu.memory_space<vmem>> -> memref<80x64xf32, #tpu.memory_space<vmem>>
      %dma_start3A_861 = tpu.memref_slice %arg9[%add3A_857] : memref<20000xi32, #tpu.memory_space<vmem>> -> memref<80xi32, #tpu.memory_space<vmem>>
      %dma_start3A_862 = arith.constant 0 : i32
      %dma_start3A_863 = arith.constant 0 : i32
      %dma_start3A_864 = tpu.memref_slice %arg2[%arg0, %dma_start3A_862, %dma_start3A_863] : memref<2x10000x64xf32, #tpu.memory_space<hbm>> -> memref<1x10000x64xf32, #tpu.memory_space<hbm>>
      %dma_start3A_865 = tpu.memref_squeeze %dma_start3A_864 : memref<1x10000x64xf32, #tpu.memory_space<hbm>> -> memref<10000x64xf32, #tpu.memory_space<hbm>>
      %dma_start3A_866 = arith.constant 0 : i32
      %dma_start3A_867 = arith.constant 0 : i32
      %dma_start3A_868 = tpu.memref_slice %dma_start3A_865[%dma_start3A_866, %dma_start3A_867] : memref<10000x64xf32, #tpu.memory_space<hbm>> -> memref<10000x64xf32, #tpu.memory_space<hbm>>
      tpu.enqueue_indirect_dma source(%dma_start3A_868 : memref<10000x64xf32, #tpu.memory_space<hbm>>) target(%dma_start3A_860 : memref<80x64xf32, #tpu.memory_space<vmem>>) offsets(%dma_start3A_861 : memref<80xi32, #tpu.memory_space<vmem>>) semaphore(%arg20 : memref<!tpu.dma_semaphore, #tpu.memory_space<semaphore_mem>>)
    }
    %scan3A_52 = arith.constant 124 : i32
    %dma_wait3A_53 = arith.constant 0 : i32
    %dma_wait3A_54 = arith.constant 0 : i32
    %dma_wait3A_55 = tpu.memref_slice %arg14[%dma_wait3A_53, %dma_wait3A_54] : memref<80x64xf32, #tpu.memory_space<vmem>> -> memref<80x64xf32, #tpu.memory_space<vmem>>
    %dma_wait3A_56 = arith.constant 19840 : i32
    %dma_wait3A_57 = tpu.memref_slice %arg9[%dma_wait3A_56] : memref<20000xi32, #tpu.memory_space<vmem>> -> memref<80xi32, #tpu.memory_space<vmem>>
    %dma_wait3A_58 = arith.constant 0 : i32
    %dma_wait3A_59 = arith.constant 0 : i32
    %dma_wait3A_60 = tpu.memref_slice %arg2[%arg0, %dma_wait3A_58, %dma_wait3A_59] : memref<2x10000x64xf32, #tpu.memory_space<hbm>> -> memref<1x10000x64xf32, #tpu.memory_space<hbm>>
    %dma_wait3A_61 = tpu.memref_squeeze %dma_wait3A_60 : memref<1x10000x64xf32, #tpu.memory_space<hbm>> -> memref<10000x64xf32, #tpu.memory_space<hbm>>
    %dma_wait3A_62 = arith.constant 0 : i32
    %dma_wait3A_63 = arith.constant 0 : i32
    %dma_wait3A_64 = tpu.memref_slice %dma_wait3A_61[%dma_wait3A_62, %dma_wait3A_63] : memref<10000x64xf32, #tpu.memory_space<hbm>> -> memref<10000x64xf32, #tpu.memory_space<hbm>>
    tpu.wait_indirect_dma semaphore(%arg19 : memref<!tpu.dma_semaphore, #tpu.memory_space<semaphore_mem>>) src(%dma_wait3A_64 : memref<10000x64xf32, #tpu.memory_space<hbm>>) dst(%dma_wait3A_55 : memref<80x64xf32, #tpu.memory_space<vmem>>)
    %get3A = arith.constant 19840 : index
    %get3A_65 = tpu.vector_load %arg9[%get3A] {strides = array<i32>} : memref<20000xi32, #tpu.memory_space<vmem>>, vector<16xi32>,
    %get3A_66 = arith.constant 19840 : index
    %get3A_67 = tpu.vector_load %arg10[%get3A_66] {strides = array<i32>} : memref<20000xi32, #tpu.memory_space<vmem>>, vector<16xi32>,
    %gather3A = tpu.vector_load_idx %arg11[%get3A_65] : memref<10000xf32, #tpu.memory_space<vmem>>[vector<16xi32>], vector<16xf32>,
    %gather3A_68 = tpu.vector_load_idx %arg12[%get3A_67] : memref<10000xf32, #tpu.memory_space<vmem>>[vector<16xi32>], vector<16xf32>,
    %gather3A_69 = tpu.vector_load_idx %arg11[%get3A_67] : memref<10000xf32, #tpu.memory_space<vmem>>[vector<16xi32>], vector<16xf32>,
    %add3A_70 = arith.addf %gather3A, %gather3A_68 : vector<16xf32>
    %mul3A_71 = arith.constant 2.000000e-01 : f32
    %mul3A_72 = vector.broadcast %mul3A_71 : f32 to vector<16xf32>
    %mul3A_73 = arith.mulf %mul3A_72, %add3A_70 : vector<16xf32>
    %max3A = arith.maximumf %add3A_70, %mul3A_73 : vector<16xf32>
    %add3A_74 = arith.addf %gather3A_69, %gather3A_68 : vector<16xf32>
    %mul3A_75 = arith.constant 2.000000e-01 : f32
    %mul3A_76 = vector.broadcast %mul3A_75 : f32 to vector<16xf32>
    %mul3A_77 = arith.mulf %mul3A_76, %add3A_74 : vector<16xf32>
    %max3A_78 = arith.maximumf %add3A_74, %mul3A_77 : vector<16xf32>
    %sub3A = arith.subf %max3A, %max3A_78 : vector<16xf32>
    %exp3A = math.exp %sub3A : vector<16xf32>
    tpu.vector_store_idx %arg13[%get3A_67], %exp3A {add = true} : memref<10000xf32, #tpu.memory_space<vmem>>[vector<16xi32>], vector<16xf32>,
    %swap3A = arith.constant 0 : index
    %swap3A_79 = tpu.vector_load %arg16[%swap3A] {strides = array<i32>} : memref<80xf32, #tpu.memory_space<vmem>>, vector<16xf32>,
    tpu.vector_store %arg16[%swap3A], %exp3A {strides = array<i32>} : memref<80xf32, #tpu.memory_space<vmem>>, vector<16xf32>,
    %get3A_80 = arith.constant 19856 : index
    %get3A_81 = tpu.vector_load %arg9[%get3A_80] {strides = array<i32>} : memref<20000xi32, #tpu.memory_space<vmem>>, vector<16xi32>,
    %get3A_82 = arith.constant 19856 : index
    %get3A_83 = tpu.vector_load %arg10[%get3A_82] {strides = array<i32>} : memref<20000xi32, #tpu.memory_space<vmem>>, vector<16xi32>,
    %gather3A_84 = tpu.vector_load_idx %arg11[%get3A_81] : memref<10000xf32, #tpu.memory_space<vmem>>[vector<16xi32>], vector<16xf32>,
    %gather3A_85 = tpu.vector_load_idx %arg12[%get3A_83] : memref<10000xf32, #tpu.memory_space<vmem>>[vector<16xi32>], vector<16xf32>,
    %gather3A_86 = tpu.vector_load_idx %arg11[%get3A_83] : memref<10000xf32, #tpu.memory_space<vmem>>[vector<16xi32>], vector<16xf32>,
    %add3A_87 = arith.addf %gather3A_84, %gather3A_85 : vector<16xf32>
    %mul3A_88 = arith.constant 2.000000e-01 : f32
    %mul3A_89 = vector.broadcast %mul3A_88 : f32 to vector<16xf32>
    %mul3A_90 = arith.mulf %mul3A_89, %add3A_87 : vector<16xf32>
    %max3A_91 = arith.maximumf %add3A_87, %mul3A_90 : vector<16xf32>
    %add3A_92 = arith.addf %gather3A_86, %gather3A_85 : vector<16xf32>
    %mul3A_93 = arith.constant 2.000000e-01 : f32
    %mul3A_94 = vector.broadcast %mul3A_93 : f32 to vector<16xf32>
    %mul3A_95 = arith.mulf %mul3A_94, %add3A_92 : vector<16xf32>
    %max3A_96 = arith.maximumf %add3A_92, %mul3A_95 : vector<16xf32>
    %sub3A_97 = arith.subf %max3A_91, %max3A_96 : vector<16xf32>
    %exp3A_98 = math.exp %sub3A_97 : vector<16xf32>
    tpu.vector_store_idx %arg13[%get3A_83], %exp3A_98 {add = true} : memref<10000xf32, #tpu.memory_space<vmem>>[vector<16xi32>], vector<16xf32>,
    %swap3A_99 = arith.constant 16 : index
    %swap3A_100 = tpu.vector_load %arg16[%swap3A_99] {strides = array<i32>} : memref<80xf32, #tpu.memory_space<vmem>>, vector<16xf32>,
    tpu.vector_store %arg16[%swap3A_99], %exp3A_98 {strides = array<i32>} : memref<80xf32, #tpu.memory_space<vmem>>, vector<16xf32>,
    %get3A_101 = arith.constant 19872 : index
    %get3A_102 = tpu.vector_load %arg9[%get3A_101] {strides = array<i32>} : memref<20000xi32, #tpu.memory_space<vmem>>, vector<16xi32>,
    %get3A_103 = arith.constant 19872 : index
    %get3A_104 = tpu.vector_load %arg10[%get3A_103] {strides = array<i32>} : memref<20000xi32, #tpu.memory_space<vmem>>, vector<16xi32>,
    %gather3A_105 = tpu.vector_load_idx %arg11[%get3A_102] : memref<10000xf32, #tpu.memory_space<vmem>>[vector<16xi32>], vector<16xf32>,
    %gather3A_106 = tpu.vector_load_idx %arg12[%get3A_104] : memref<10000xf32, #tpu.memory_space<vmem>>[vector<16xi32>], vector<16xf32>,
    %gather3A_107 = tpu.vector_load_idx %arg11[%get3A_104] : memref<10000xf32, #tpu.memory_space<vmem>>[vector<16xi32>], vector<16xf32>,
    %add3A_108 = arith.addf %gather3A_105, %gather3A_106 : vector<16xf32>
    %mul3A_109 = arith.constant 2.000000e-01 : f32
    %mul3A_110 = vector.broadcast %mul3A_109 : f32 to vector<16xf32>
    %mul3A_111 = arith.mulf %mul3A_110, %add3A_108 : vector<16xf32>
    %max3A_112 = arith.maximumf %add3A_108, %mul3A_111 : vector<16xf32>
    %add3A_113 = arith.addf %gather3A_107, %gather3A_106 : vector<16xf32>
    %mul3A_114 = arith.constant 2.000000e-01 : f32
    %mul3A_115 = vector.broadcast %mul3A_114 : f32 to vector<16xf32>
    %mul3A_116 = arith.mulf %mul3A_115, %add3A_113 : vector<16xf32>
    %max3A_117 = arith.maximumf %add3A_113, %mul3A_116 : vector<16xf32>
    %sub3A_118 = arith.subf %max3A_112, %max3A_117 : vector<16xf32>
    %exp3A_119 = math.exp %sub3A_118 : vector<16xf32>
    tpu.vector_store_idx %arg13[%get3A_104], %exp3A_119 {add = true} : memref<10000xf32, #tpu.memory_space<vmem>>[vector<16xi32>], vector<16xf32>,
    %swap3A_120 = arith.constant 32 : index
    %swap3A_121 = tpu.vector_load %arg16[%swap3A_120] {strides = array<i32>} : memref<80xf32, #tpu.memory_space<vmem>>, vector<16xf32>,
    tpu.vector_store %arg16[%swap3A_120], %exp3A_119 {strides = array<i32>} : memref<80xf32, #tpu.memory_space<vmem>>, vector<16xf32>,
    %get3A_122 = arith.constant 19888 : index
    %get3A_123 = tpu.vector_load %arg9[%get3A_122] {strides = array<i32>} : memref<20000xi32, #tpu.memory_space<vmem>>, vector<16xi32>,
    %get3A_124 = arith.constant 19888 : index
    %get3A_125 = tpu.vector_load %arg10[%get3A_124] {strides = array<i32>} : memref<20000xi32, #tpu.memory_space<vmem>>, vector<16xi32>,
    %gather3A_126 = tpu.vector_load_idx %arg11[%get3A_123] : memref<10000xf32, #tpu.memory_space<vmem>>[vector<16xi32>], vector<16xf32>,
    %gather3A_127 = tpu.vector_load_idx %arg12[%get3A_125] : memref<10000xf32, #tpu.memory_space<vmem>>[vector<16xi32>], vector<16xf32>,
    %gather3A_128 = tpu.vector_load_idx %arg11[%get3A_125] : memref<10000xf32, #tpu.memory_space<vmem>>[vector<16xi32>], vector<16xf32>,
    %add3A_129 = arith.addf %gather3A_126, %gather3A_127 : vector<16xf32>
    %mul3A_130 = arith.constant 2.000000e-01 : f32
    %mul3A_131 = vector.broadcast %mul3A_130 : f32 to vector<16xf32>
    %mul3A_132 = arith.mulf %mul3A_131, %add3A_129 : vector<16xf32>
    %max3A_133 = arith.maximumf %add3A_129, %mul3A_132 : vector<16xf32>
    %add3A_134 = arith.addf %gather3A_128, %gather3A_127 : vector<16xf32>
    %mul3A_135 = arith.constant 2.000000e-01 : f32
    %mul3A_136 = vector.broadcast %mul3A_135 : f32 to vector<16xf32>
    %mul3A_137 = arith.mulf %mul3A_136, %add3A_134 : vector<16xf32>
    %max3A_138 = arith.maximumf %add3A_134, %mul3A_137 : vector<16xf32>
    %sub3A_139 = arith.subf %max3A_133, %max3A_138 : vector<16xf32>
    %exp3A_140 = math.exp %sub3A_139 : vector<16xf32>
    tpu.vector_store_idx %arg13[%get3A_125], %exp3A_140 {add = true} : memref<10000xf32, #tpu.memory_space<vmem>>[vector<16xi32>], vector<16xf32>,
    %swap3A_141 = arith.constant 48 : index
    %swap3A_142 = tpu.vector_load %arg16[%swap3A_141] {strides = array<i32>} : memref<80xf32, #tpu.memory_space<vmem>>, vector<16xf32>,
    tpu.vector_store %arg16[%swap3A_141], %exp3A_140 {strides = array<i32>} : memref<80xf32, #tpu.memory_space<vmem>>, vector<16xf32>,
    %get3A_143 = arith.constant 19904 : index
    %get3A_144 = tpu.vector_load %arg9[%get3A_143] {strides = array<i32>} : memref<20000xi32, #tpu.memory_space<vmem>>, vector<16xi32>,
    %get3A_145 = arith.constant 19904 : index
    %get3A_146 = tpu.vector_load %arg10[%get3A_145] {strides = array<i32>} : memref<20000xi32, #tpu.memory_space<vmem>>, vector<16xi32>,
    %gather3A_147 = tpu.vector_load_idx %arg11[%get3A_144] : memref<10000xf32, #tpu.memory_space<vmem>>[vector<16xi32>], vector<16xf32>,
    %gather3A_148 = tpu.vector_load_idx %arg12[%get3A_146] : memref<10000xf32, #tpu.memory_space<vmem>>[vector<16xi32>], vector<16xf32>,
    %gather3A_149 = tpu.vector_load_idx %arg11[%get3A_146] : memref<10000xf32, #tpu.memory_space<vmem>>[vector<16xi32>], vector<16xf32>,
    %add3A_150 = arith.addf %gather3A_147, %gather3A_148 : vector<16xf32>
    %mul3A_151 = arith.constant 2.000000e-01 : f32
    %mul3A_152 = vector.broadcast %mul3A_151 : f32 to vector<16xf32>
    %mul3A_153 = arith.mulf %mul3A_152, %add3A_150 : vector<16xf32>
    %max3A_154 = arith.maximumf %add3A_150, %mul3A_153 : vector<16xf32>
    %add3A_155 = arith.addf %gather3A_149, %gather3A_148 : vector<16xf32>
    %mul3A_156 = arith.constant 2.000000e-01 : f32
    %mul3A_157 = vector.broadcast %mul3A_156 : f32 to vector<16xf32>
    %mul3A_158 = arith.mulf %mul3A_157, %add3A_155 : vector<16xf32>
    %max3A_159 = arith.maximumf %add3A_155, %mul3A_158 : vector<16xf32>
    %sub3A_160 = arith.subf %max3A_154, %max3A_159 : vector<16xf32>
    %exp3A_161 = math.exp %sub3A_160 : vector<16xf32>
    tpu.vector_store_idx %arg13[%get3A_146], %exp3A_161 {add = true} : memref<10000xf32, #tpu.memory_space<vmem>>[vector<16xi32>], vector<16xf32>,
    %swap3A_162 = arith.constant 64 : index
    %swap3A_163 = tpu.vector_load %arg16[%swap3A_162] {strides = array<i32>} : memref<80xf32, #tpu.memory_space<vmem>>, vector<16xf32>,
    tpu.vector_store %arg16[%swap3A_162], %exp3A_161 {strides = array<i32>} : memref<80xf32, #tpu.memory_space<vmem>>, vector<16xf32>,
    %scan3A_164 = arith.constant 0 : i32
    %scan3A_165 = arith.constant 80 : i32
    %scan3A_166 = arith.addi %scan3A_164, %scan3A_165 : i32
    %scan3A_167 = arith.constant 4 : i32
    scf.for %scan3A_418 = %scan3A_164 to %scan3A_166 step %scan3A_167  : i32 {
      %mul3A_419 = arith.constant 1 : i32
      %mul3A_420 = arith.muli %scan3A_418, %mul3A_419 : i32
      %add3A_421 = arith.constant 0 : i32
      %add3A_422 = arith.addi %add3A_421, %mul3A_420 : i32
      %broadcast_in_dim3A_423 = vector.broadcast %add3A_422 : i32 to vector<16xi32>
      %gather3A_424 = tpu.vector_load_idx %arg16[%broadcast_in_dim3A_423] : memref<80xf32, #tpu.memory_space<vmem>>[vector<16xi32>], vector<16xf32>,
      %get3A_425 = arith.index_cast %add3A_422 : i32 to index
      %get3A_426 = arith.constant 0 : index
      %get3A_427 = tpu.vector_load %arg14[%get3A_425, %get3A_426] {strides = array<i32>} : memref<80x64xf32, #tpu.memory_space<vmem>>, vector<16xf32>,
      %mul3A_428 = arith.mulf %get3A_427, %gather3A_424 : vector<16xf32>
      %swap3A_429 = arith.index_cast %add3A_422 : i32 to index
      %swap3A_430 = arith.constant 0 : index
      %swap3A_431 = tpu.vector_load %arg14[%swap3A_429, %swap3A_430] {strides = array<i32>} : memref<80x64xf32, #tpu.memory_space<vmem>>, vector<16xf32>,
      tpu.vector_store %arg14[%swap3A_429, %swap3A_430], %mul3A_428 {strides = array<i32>} : memref<80x64xf32, #tpu.memory_space<vmem>>, vector<16xf32>,
      %get3A_432 = arith.index_cast %add3A_422 : i32 to index
      %get3A_433 = arith.constant 16 : index
      %get3A_434 = tpu.vector_load %arg14[%get3A_432, %get3A_433] {strides = array<i32>} : memref<80x64xf32, #tpu.memory_space<vmem>>, vector<16xf32>,
      %mul3A_435 = arith.mulf %get3A_434, %gather3A_424 : vector<16xf32>
      %swap3A_436 = arith.index_cast %add3A_422 : i32 to index
      %swap3A_437 = arith.constant 16 : index
      %swap3A_438 = tpu.vector_load %arg14[%swap3A_436, %swap3A_437] {strides = array<i32>} : memref<80x64xf32, #tpu.memory_space<vmem>>, vector<16xf32>,
      tpu.vector_store %arg14[%swap3A_436, %swap3A_437], %mul3A_435 {strides = array<i32>} : memref<80x64xf32, #tpu.memory_space<vmem>>, vector<16xf32>,
      %get3A_439 = arith.index_cast %add3A_422 : i32 to index
      %get3A_440 = arith.constant 32 : index
      %get3A_441 = tpu.vector_load %arg14[%get3A_439, %get3A_440] {strides = array<i32>} : memref<80x64xf32, #tpu.memory_space<vmem>>, vector<16xf32>,
      %mul3A_442 = arith.mulf %get3A_441, %gather3A_424 : vector<16xf32>
      %swap3A_443 = arith.index_cast %add3A_422 : i32 to index
      %swap3A_444 = arith.constant 32 : index
      %swap3A_445 = tpu.vector_load %arg14[%swap3A_443, %swap3A_444] {strides = array<i32>} : memref<80x64xf32, #tpu.memory_space<vmem>>, vector<16xf32>,
      tpu.vector_store %arg14[%swap3A_443, %swap3A_444], %mul3A_442 {strides = array<i32>} : memref<80x64xf32, #tpu.memory_space<vmem>>, vector<16xf32>,
      %get3A_446 = arith.index_cast %add3A_422 : i32 to index
      %get3A_447 = arith.constant 48 : index
      %get3A_448 = tpu.vector_load %arg14[%get3A_446, %get3A_447] {strides = array<i32>} : memref<80x64xf32, #tpu.memory_space<vmem>>, vector<16xf32>,
      %mul3A_449 = arith.mulf %get3A_448, %gather3A_424 : vector<16xf32>
      %swap3A_450 = arith.index_cast %add3A_422 : i32 to index
      %swap3A_451 = arith.constant 48 : index
      %swap3A_452 = tpu.vector_load %arg14[%swap3A_450, %swap3A_451] {strides = array<i32>} : memref<80x64xf32, #tpu.memory_space<vmem>>, vector<16xf32>,
      tpu.vector_store %arg14[%swap3A_450, %swap3A_451], %mul3A_449 {strides = array<i32>} : memref<80x64xf32, #tpu.memory_space<vmem>>, vector<16xf32>,
      %scan3A_453 = arith.constant 1 : i32
      %scan3A_454 = arith.addi %scan3A_418, %scan3A_453 : i32
      %mul3A_455 = arith.constant 1 : i32
      %mul3A_456 = arith.muli %scan3A_454, %mul3A_455 : i32
      %add3A_457 = arith.constant 0 : i32
      %add3A_458 = arith.addi %add3A_457, %mul3A_456 : i32
      %broadcast_in_dim3A_459 = vector.broadcast %add3A_458 : i32 to vector<16xi32>
      %gather3A_460 = tpu.vector_load_idx %arg16[%broadcast_in_dim3A_459] : memref<80xf32, #tpu.memory_space<vmem>>[vector<16xi32>], vector<16xf32>,
      %get3A_461 = arith.index_cast %add3A_458 : i32 to index
      %get3A_462 = arith.constant 0 : index
      %get3A_463 = tpu.vector_load %arg14[%get3A_461, %get3A_462] {strides = array<i32>} : memref<80x64xf32, #tpu.memory_space<vmem>>, vector<16xf32>,
      %mul3A_464 = arith.mulf %get3A_463, %gather3A_460 : vector<16xf32>
      %swap3A_465 = arith.index_cast %add3A_458 : i32 to index
      %swap3A_466 = arith.constant 0 : index
      %swap3A_467 = tpu.vector_load %arg14[%swap3A_465, %swap3A_466] {strides = array<i32>} : memref<80x64xf32, #tpu.memory_space<vmem>>, vector<16xf32>,
      tpu.vector_store %arg14[%swap3A_465, %swap3A_466], %mul3A_464 {strides = array<i32>} : memref<80x64xf32, #tpu.memory_space<vmem>>, vector<16xf32>,
      %get3A_468 = arith.index_cast %add3A_458 : i32 to index
      %get3A_469 = arith.constant 16 : index
      %get3A_470 = tpu.vector_load %arg14[%get3A_468, %get3A_469] {strides = array<i32>} : memref<80x64xf32, #tpu.memory_space<vmem>>, vector<16xf32>,
      %mul3A_471 = arith.mulf %get3A_470, %gather3A_460 : vector<16xf32>
      %swap3A_472 = arith.index_cast %add3A_458 : i32 to index
      %swap3A_473 = arith.constant 16 : index
      %swap3A_474 = tpu.vector_load %arg14[%swap3A_472, %swap3A_473] {strides = array<i32>} : memref<80x64xf32, #tpu.memory_space<vmem>>, vector<16xf32>,
      tpu.vector_store %arg14[%swap3A_472, %swap3A_473], %mul3A_471 {strides = array<i32>} : memref<80x64xf32, #tpu.memory_space<vmem>>, vector<16xf32>,
      %get3A_475 = arith.index_cast %add3A_458 : i32 to index
      %get3A_476 = arith.constant 32 : index
      %get3A_477 = tpu.vector_load %arg14[%get3A_475, %get3A_476] {strides = array<i32>} : memref<80x64xf32, #tpu.memory_space<vmem>>, vector<16xf32>,
      %mul3A_478 = arith.mulf %get3A_477, %gather3A_460 : vector<16xf32>
      %swap3A_479 = arith.index_cast %add3A_458 : i32 to index
      %swap3A_480 = arith.constant 32 : index
      %swap3A_481 = tpu.vector_load %arg14[%swap3A_479, %swap3A_480] {strides = array<i32>} : memref<80x64xf32, #tpu.memory_space<vmem>>, vector<16xf32>,
      tpu.vector_store %arg14[%swap3A_479, %swap3A_480], %mul3A_478 {strides = array<i32>} : memref<80x64xf32, #tpu.memory_space<vmem>>, vector<16xf32>,
      %get3A_482 = arith.index_cast %add3A_458 : i32 to index
      %get3A_483 = arith.constant 48 : index
      %get3A_484 = tpu.vector_load %arg14[%get3A_482, %get3A_483] {strides = array<i32>} : memref<80x64xf32, #tpu.memory_space<vmem>>, vector<16xf32>,
      %mul3A_485 = arith.mulf %get3A_484, %gather3A_460 : vector<16xf32>
      %swap3A_486 = arith.index_cast %add3A_458 : i32 to index
      %swap3A_487 = arith.constant 48 : index
      %swap3A_488 = tpu.vector_load %arg14[%swap3A_486, %swap3A_487] {strides = array<i32>} : memref<80x64xf32, #tpu.memory_space<vmem>>, vector<16xf32>,
      tpu.vector_store %arg14[%swap3A_486, %swap3A_487], %mul3A_485 {strides = array<i32>} : memref<80x64xf32, #tpu.memory_space<vmem>>, vector<16xf32>,
      %scan3A_489 = arith.constant 2 : i32
      %scan3A_490 = arith.addi %scan3A_418, %scan3A_489 : i32
      %mul3A_491 = arith.constant 1 : i32
      %mul3A_492 = arith.muli %scan3A_490, %mul3A_491 : i32
      %add3A_493 = arith.constant 0 : i32
      %add3A_494 = arith.addi %add3A_493, %mul3A_492 : i32
      %broadcast_in_dim3A_495 = vector.broadcast %add3A_494 : i32 to vector<16xi32>
      %gather3A_496 = tpu.vector_load_idx %arg16[%broadcast_in_dim3A_495] : memref<80xf32, #tpu.memory_space<vmem>>[vector<16xi32>], vector<16xf32>,
      %get3A_497 = arith.index_cast %add3A_494 : i32 to index
      %get3A_498 = arith.constant 0 : index
      %get3A_499 = tpu.vector_load %arg14[%get3A_497, %get3A_498] {strides = array<i32>} : memref<80x64xf32, #tpu.memory_space<vmem>>, vector<16xf32>,
      %mul3A_500 = arith.mulf %get3A_499, %gather3A_496 : vector<16xf32>
      %swap3A_501 = arith.index_cast %add3A_494 : i32 to index
      %swap3A_502 = arith.constant 0 : index
      %swap3A_503 = tpu.vector_load %arg14[%swap3A_501, %swap3A_502] {strides = array<i32>} : memref<80x64xf32, #tpu.memory_space<vmem>>, vector<16xf32>,
      tpu.vector_store %arg14[%swap3A_501, %swap3A_502], %mul3A_500 {strides = array<i32>} : memref<80x64xf32, #tpu.memory_space<vmem>>, vector<16xf32>,
      %get3A_504 = arith.index_cast %add3A_494 : i32 to index
      %get3A_505 = arith.constant 16 : index
      %get3A_506 = tpu.vector_load %arg14[%get3A_504, %get3A_505] {strides = array<i32>} : memref<80x64xf32, #tpu.memory_space<vmem>>, vector<16xf32>,
      %mul3A_507 = arith.mulf %get3A_506, %gather3A_496 : vector<16xf32>
      %swap3A_508 = arith.index_cast %add3A_494 : i32 to index
      %swap3A_509 = arith.constant 16 : index
      %swap3A_510 = tpu.vector_load %arg14[%swap3A_508, %swap3A_509] {strides = array<i32>} : memref<80x64xf32, #tpu.memory_space<vmem>>, vector<16xf32>,
      tpu.vector_store %arg14[%swap3A_508, %swap3A_509], %mul3A_507 {strides = array<i32>} : memref<80x64xf32, #tpu.memory_space<vmem>>, vector<16xf32>,
      %get3A_511 = arith.index_cast %add3A_494 : i32 to index
      %get3A_512 = arith.constant 32 : index
      %get3A_513 = tpu.vector_load %arg14[%get3A_511, %get3A_512] {strides = array<i32>} : memref<80x64xf32, #tpu.memory_space<vmem>>, vector<16xf32>,
      %mul3A_514 = arith.mulf %get3A_513, %gather3A_496 : vector<16xf32>
      %swap3A_515 = arith.index_cast %add3A_494 : i32 to index
      %swap3A_516 = arith.constant 32 : index
      %swap3A_517 = tpu.vector_load %arg14[%swap3A_515, %swap3A_516] {strides = array<i32>} : memref<80x64xf32, #tpu.memory_space<vmem>>, vector<16xf32>,
      tpu.vector_store %arg14[%swap3A_515, %swap3A_516], %mul3A_514 {strides = array<i32>} : memref<80x64xf32, #tpu.memory_space<vmem>>, vector<16xf32>,
      %get3A_518 = arith.index_cast %add3A_494 : i32 to index
      %get3A_519 = arith.constant 48 : index
      %get3A_520 = tpu.vector_load %arg14[%get3A_518, %get3A_519] {strides = array<i32>} : memref<80x64xf32, #tpu.memory_space<vmem>>, vector<16xf32>,
      %mul3A_521 = arith.mulf %get3A_520, %gather3A_496 : vector<16xf32>
      %swap3A_522 = arith.index_cast %add3A_494 : i32 to index
      %swap3A_523 = arith.constant 48 : index
      %swap3A_524 = tpu.vector_load %arg14[%swap3A_522, %swap3A_523] {strides = array<i32>} : memref<80x64xf32, #tpu.memory_space<vmem>>, vector<16xf32>,
      tpu.vector_store %arg14[%swap3A_522, %swap3A_523], %mul3A_521 {strides = array<i32>} : memref<80x64xf32, #tpu.memory_space<vmem>>, vector<16xf32>,
      %scan3A_525 = arith.constant 3 : i32
      %scan3A_526 = arith.addi %scan3A_418, %scan3A_525 : i32
      %mul3A_527 = arith.constant 1 : i32
      %mul3A_528 = arith.muli %scan3A_526, %mul3A_527 : i32
      %add3A_529 = arith.constant 0 : i32
      %add3A_530 = arith.addi %add3A_529, %mul3A_528 : i32
      %broadcast_in_dim3A_531 = vector.broadcast %add3A_530 : i32 to vector<16xi32>
      %gather3A_532 = tpu.vector_load_idx %arg16[%broadcast_in_dim3A_531] : memref<80xf32, #tpu.memory_space<vmem>>[vector<16xi32>], vector<16xf32>,
      %get3A_533 = arith.index_cast %add3A_530 : i32 to index
      %get3A_534 = arith.constant 0 : index
      %get3A_535 = tpu.vector_load %arg14[%get3A_533, %get3A_534] {strides = array<i32>} : memref<80x64xf32, #tpu.memory_space<vmem>>, vector<16xf32>,
      %mul3A_536 = arith.mulf %get3A_535, %gather3A_532 : vector<16xf32>
      %swap3A_537 = arith.index_cast %add3A_530 : i32 to index
      %swap3A_538 = arith.constant 0 : index
      %swap3A_539 = tpu.vector_load %arg14[%swap3A_537, %swap3A_538] {strides = array<i32>} : memref<80x64xf32, #tpu.memory_space<vmem>>, vector<16xf32>,
      tpu.vector_store %arg14[%swap3A_537, %swap3A_538], %mul3A_536 {strides = array<i32>} : memref<80x64xf32, #tpu.memory_space<vmem>>, vector<16xf32>,
      %get3A_540 = arith.index_cast %add3A_530 : i32 to index
      %get3A_541 = arith.constant 16 : index
      %get3A_542 = tpu.vector_load %arg14[%get3A_540, %get3A_541] {strides = array<i32>} : memref<80x64xf32, #tpu.memory_space<vmem>>, vector<16xf32>,
      %mul3A_543 = arith.mulf %get3A_542, %gather3A_532 : vector<16xf32>
      %swap3A_544 = arith.index_cast %add3A_530 : i32 to index
      %swap3A_545 = arith.constant 16 : index
      %swap3A_546 = tpu.vector_load %arg14[%swap3A_544, %swap3A_545] {strides = array<i32>} : memref<80x64xf32, #tpu.memory_space<vmem>>, vector<16xf32>,
      tpu.vector_store %arg14[%swap3A_544, %swap3A_545], %mul3A_543 {strides = array<i32>} : memref<80x64xf32, #tpu.memory_space<vmem>>, vector<16xf32>,
      %get3A_547 = arith.index_cast %add3A_530 : i32 to index
      %get3A_548 = arith.constant 32 : index
      %get3A_549 = tpu.vector_load %arg14[%get3A_547, %get3A_548] {strides = array<i32>} : memref<80x64xf32, #tpu.memory_space<vmem>>, vector<16xf32>,
      %mul3A_550 = arith.mulf %get3A_549, %gather3A_532 : vector<16xf32>
      %swap3A_551 = arith.index_cast %add3A_530 : i32 to index
      %swap3A_552 = arith.constant 32 : index
      %swap3A_553 = tpu.vector_load %arg14[%swap3A_551, %swap3A_552] {strides = array<i32>} : memref<80x64xf32, #tpu.memory_space<vmem>>, vector<16xf32>,
      tpu.vector_store %arg14[%swap3A_551, %swap3A_552], %mul3A_550 {strides = array<i32>} : memref<80x64xf32, #tpu.memory_space<vmem>>, vector<16xf32>,
      %get3A_554 = arith.index_cast %add3A_530 : i32 to index
      %get3A_555 = arith.constant 48 : index
      %get3A_556 = tpu.vector_load %arg14[%get3A_554, %get3A_555] {strides = array<i32>} : memref<80x64xf32, #tpu.memory_space<vmem>>, vector<16xf32>,
      %mul3A_557 = arith.mulf %get3A_556, %gather3A_532 : vector<16xf32>
      %swap3A_558 = arith.index_cast %add3A_530 : i32 to index
      %swap3A_559 = arith.constant 48 : index
      %swap3A_560 = tpu.vector_load %arg14[%swap3A_558, %swap3A_559] {strides = array<i32>} : memref<80x64xf32, #tpu.memory_space<vmem>>, vector<16xf32>,
      tpu.vector_store %arg14[%swap3A_558, %swap3A_559], %mul3A_557 {strides = array<i32>} : memref<80x64xf32, #tpu.memory_space<vmem>>, vector<16xf32>,
    }
    %scan3A_168 = arith.constant 80 : i32
    %dma_start3A_169 = arith.constant 0 : i32
    %dma_start3A_170 = arith.constant 0 : i32
    %dma_start3A_171 = tpu.memref_slice %arg14[%dma_start3A_169, %dma_start3A_170] : memref<80x64xf32, #tpu.memory_space<vmem>> -> memref<16x64xf32, #tpu.memory_space<vmem>>
    %dma_start3A_172 = arith.constant 0 : i32
    %dma_start3A_173 = arith.constant 0 : i32
    %dma_start3A_174 = tpu.memref_slice %arg18[%dma_start3A_172, %dma_start3A_173] : memref<10000x64xf32, #tpu.memory_space<vmem_shared>> -> memref<10000x64xf32, #tpu.memory_space<vmem_shared>>
    tpu.enqueue_indirect_dma source(%dma_start3A_171 : memref<16x64xf32, #tpu.memory_space<vmem>>) target(%dma_start3A_174 : memref<10000x64xf32, #tpu.memory_space<vmem_shared>>) offsets(%get3A_67 : vector<16xi32>) semaphore(%arg21 : memref<!tpu.dma_semaphore, #tpu.memory_space<semaphore_mem>>) {add = true}
    %dma_start3A_175 = arith.constant 16 : i32
    %dma_start3A_176 = arith.constant 0 : i32
    %dma_start3A_177 = tpu.memref_slice %arg14[%dma_start3A_175, %dma_start3A_176] : memref<80x64xf32, #tpu.memory_space<vmem>> -> memref<16x64xf32, #tpu.memory_space<vmem>>
    %dma_start3A_178 = arith.constant 0 : i32
    %dma_start3A_179 = arith.constant 0 : i32
    %dma_start3A_180 = tpu.memref_slice %arg18[%dma_start3A_178, %dma_start3A_179] : memref<10000x64xf32, #tpu.memory_space<vmem_shared>> -> memref<10000x64xf32, #tpu.memory_space<vmem_shared>>
    tpu.enqueue_indirect_dma source(%dma_start3A_177 : memref<16x64xf32, #tpu.memory_space<vmem>>) target(%dma_start3A_180 : memref<10000x64xf32, #tpu.memory_space<vmem_shared>>) offsets(%get3A_83 : vector<16xi32>) semaphore(%arg21 : memref<!tpu.dma_semaphore, #tpu.memory_space<semaphore_mem>>) {add = true}
    %dma_start3A_181 = arith.constant 32 : i32
    %dma_start3A_182 = arith.constant 0 : i32
    %dma_start3A_183 = tpu.memref_slice %arg14[%dma_start3A_181, %dma_start3A_182] : memref<80x64xf32, #tpu.memory_space<vmem>> -> memref<16x64xf32, #tpu.memory_space<vmem>>
    %dma_start3A_184 = arith.constant 0 : i32
    %dma_start3A_185 = arith.constant 0 : i32
    %dma_start3A_186 = tpu.memref_slice %arg18[%dma_start3A_184, %dma_start3A_185] : memref<10000x64xf32, #tpu.memory_space<vmem_shared>> -> memref<10000x64xf32, #tpu.memory_space<vmem_shared>>
    tpu.enqueue_indirect_dma source(%dma_start3A_183 : memref<16x64xf32, #tpu.memory_space<vmem>>) target(%dma_start3A_186 : memref<10000x64xf32, #tpu.memory_space<vmem_shared>>) offsets(%get3A_104 : vector<16xi32>) semaphore(%arg21 : memref<!tpu.dma_semaphore, #tpu.memory_space<semaphore_mem>>) {add = true}
    %dma_start3A_187 = arith.constant 48 : i32
    %dma_start3A_188 = arith.constant 0 : i32
    %dma_start3A_189 = tpu.memref_slice %arg14[%dma_start3A_187, %dma_start3A_188] : memref<80x64xf32, #tpu.memory_space<vmem>> -> memref<16x64xf32, #tpu.memory_space<vmem>>
    %dma_start3A_190 = arith.constant 0 : i32
    %dma_start3A_191 = arith.constant 0 : i32
    %dma_start3A_192 = tpu.memref_slice %arg18[%dma_start3A_190, %dma_start3A_191] : memref<10000x64xf32, #tpu.memory_space<vmem_shared>> -> memref<10000x64xf32, #tpu.memory_space<vmem_shared>>
    tpu.enqueue_indirect_dma source(%dma_start3A_189 : memref<16x64xf32, #tpu.memory_space<vmem>>) target(%dma_start3A_192 : memref<10000x64xf32, #tpu.memory_space<vmem_shared>>) offsets(%get3A_125 : vector<16xi32>) semaphore(%arg21 : memref<!tpu.dma_semaphore, #tpu.memory_space<semaphore_mem>>) {add = true}
    %dma_start3A_193 = arith.constant 64 : i32
    %dma_start3A_194 = arith.constant 0 : i32
    %dma_start3A_195 = tpu.memref_slice %arg14[%dma_start3A_193, %dma_start3A_194] : memref<80x64xf32, #tpu.memory_space<vmem>> -> memref<16x64xf32, #tpu.memory_space<vmem>>
    %dma_start3A_196 = arith.constant 0 : i32
    %dma_start3A_197 = arith.constant 0 : i32
    %dma_start3A_198 = tpu.memref_slice %arg18[%dma_start3A_196, %dma_start3A_197] : memref<10000x64xf32, #tpu.memory_space<vmem_shared>> -> memref<10000x64xf32, #tpu.memory_space<vmem_shared>>
    tpu.enqueue_indirect_dma source(%dma_start3A_195 : memref<16x64xf32, #tpu.memory_space<vmem>>) target(%dma_start3A_198 : memref<10000x64xf32, #tpu.memory_space<vmem_shared>>) offsets(%get3A_146 : vector<16xi32>) semaphore(%arg21 : memref<!tpu.dma_semaphore, #tpu.memory_space<semaphore_mem>>) {add = true}
    %dma_wait3A_199 = arith.constant 0 : i32
    %dma_wait3A_200 = arith.constant 0 : i32
    %dma_wait3A_201 = tpu.memref_slice %arg14[%dma_wait3A_199, %dma_wait3A_200] : memref<80x64xf32, #tpu.memory_space<vmem>> -> memref<16x64xf32, #tpu.memory_space<vmem>>
    %dma_wait3A_202 = arith.constant 0 : i32
    %dma_wait3A_203 = arith.constant 0 : i32
    %dma_wait3A_204 = tpu.memref_slice %arg18[%dma_wait3A_202, %dma_wait3A_203] : memref<10000x64xf32, #tpu.memory_space<vmem_shared>> -> memref<10000x64xf32, #tpu.memory_space<vmem_shared>>
    tpu.wait_indirect_dma semaphore(%arg21 : memref<!tpu.dma_semaphore, #tpu.memory_space<semaphore_mem>>) src(%dma_wait3A_201 : memref<16x64xf32, #tpu.memory_space<vmem>>) dst(%dma_wait3A_204 : memref<10000x64xf32, #tpu.memory_space<vmem_shared>>)
    %dma_wait3A_205 = arith.constant 16 : i32
    %dma_wait3A_206 = arith.constant 0 : i32
    %dma_wait3A_207 = tpu.memref_slice %arg14[%dma_wait3A_205, %dma_wait3A_206] : memref<80x64xf32, #tpu.memory_space<vmem>> -> memref<16x64xf32, #tpu.memory_space<vmem>>
    %dma_wait3A_208 = arith.constant 0 : i32
    %dma_wait3A_209 = arith.constant 0 : i32
    %dma_wait3A_210 = tpu.memref_slice %arg18[%dma_wait3A_208, %dma_wait3A_209] : memref<10000x64xf32, #tpu.memory_space<vmem_shared>> -> memref<10000x64xf32, #tpu.memory_space<vmem_shared>>
    tpu.wait_indirect_dma semaphore(%arg21 : memref<!tpu.dma_semaphore, #tpu.memory_space<semaphore_mem>>) src(%dma_wait3A_207 : memref<16x64xf32, #tpu.memory_space<vmem>>) dst(%dma_wait3A_210 : memref<10000x64xf32, #tpu.memory_space<vmem_shared>>)
    %dma_wait3A_211 = arith.constant 32 : i32
    %dma_wait3A_212 = arith.constant 0 : i32
    %dma_wait3A_213 = tpu.memref_slice %arg14[%dma_wait3A_211, %dma_wait3A_212] : memref<80x64xf32, #tpu.memory_space<vmem>> -> memref<16x64xf32, #tpu.memory_space<vmem>>
    %dma_wait3A_214 = arith.constant 0 : i32
    %dma_wait3A_215 = arith.constant 0 : i32
    %dma_wait3A_216 = tpu.memref_slice %arg18[%dma_wait3A_214, %dma_wait3A_215] : memref<10000x64xf32, #tpu.memory_space<vmem_shared>> -> memref<10000x64xf32, #tpu.memory_space<vmem_shared>>
    tpu.wait_indirect_dma semaphore(%arg21 : memref<!tpu.dma_semaphore, #tpu.memory_space<semaphore_mem>>) src(%dma_wait3A_213 : memref<16x64xf32, #tpu.memory_space<vmem>>) dst(%dma_wait3A_216 : memref<10000x64xf32, #tpu.memory_space<vmem_shared>>)
    %dma_wait3A_217 = arith.constant 48 : i32
    %dma_wait3A_218 = arith.constant 0 : i32
    %dma_wait3A_219 = tpu.memref_slice %arg14[%dma_wait3A_217, %dma_wait3A_218] : memref<80x64xf32, #tpu.memory_space<vmem>> -> memref<16x64xf32, #tpu.memory_space<vmem>>
    %dma_wait3A_220 = arith.constant 0 : i32
    %dma_wait3A_221 = arith.constant 0 : i32
    %dma_wait3A_222 = tpu.memref_slice %arg18[%dma_wait3A_220, %dma_wait3A_221] : memref<10000x64xf32, #tpu.memory_space<vmem_shared>> -> memref<10000x64xf32, #tpu.memory_space<vmem_shared>>
    tpu.wait_indirect_dma semaphore(%arg21 : memref<!tpu.dma_semaphore, #tpu.memory_space<semaphore_mem>>) src(%dma_wait3A_219 : memref<16x64xf32, #tpu.memory_space<vmem>>) dst(%dma_wait3A_222 : memref<10000x64xf32, #tpu.memory_space<vmem_shared>>)
    %dma_wait3A_223 = arith.constant 64 : i32
    %dma_wait3A_224 = arith.constant 0 : i32
    %dma_wait3A_225 = tpu.memref_slice %arg14[%dma_wait3A_223, %dma_wait3A_224] : memref<80x64xf32, #tpu.memory_space<vmem>> -> memref<16x64xf32, #tpu.memory_space<vmem>>
    %dma_wait3A_226 = arith.constant 0 : i32
    %dma_wait3A_227 = arith.constant 0 : i32
    %dma_wait3A_228 = tpu.memref_slice %arg18[%dma_wait3A_226, %dma_wait3A_227] : memref<10000x64xf32, #tpu.memory_space<vmem_shared>> -> memref<10000x64xf32, #tpu.memory_space<vmem_shared>>
    tpu.wait_indirect_dma semaphore(%arg21 : memref<!tpu.dma_semaphore, #tpu.memory_space<semaphore_mem>>) src(%dma_wait3A_225 : memref<16x64xf32, #tpu.memory_space<vmem>>) dst(%dma_wait3A_228 : memref<10000x64xf32, #tpu.memory_space<vmem_shared>>)
    %dma_wait3A_229 = arith.constant 0 : i32
    %dma_wait3A_230 = arith.constant 0 : i32
    %dma_wait3A_231 = tpu.memref_slice %arg15[%dma_wait3A_229, %dma_wait3A_230] : memref<80x64xf32, #tpu.memory_space<vmem>> -> memref<80x64xf32, #tpu.memory_space<vmem>>
    %dma_wait3A_232 = arith.constant 19920 : i32
    %dma_wait3A_233 = tpu.memref_slice %arg9[%dma_wait3A_232] : memref<20000xi32, #tpu.memory_space<vmem>> -> memref<80xi32, #tpu.memory_space<vmem>>
    %dma_wait3A_234 = arith.constant 0 : i32
    %dma_wait3A_235 = arith.constant 0 : i32
    %dma_wait3A_236 = tpu.memref_slice %arg2[%arg0, %dma_wait3A_234, %dma_wait3A_235] : memref<2x10000x64xf32, #tpu.memory_space<hbm>> -> memref<1x10000x64xf32, #tpu.memory_space<hbm>>
    %dma_wait3A_237 = tpu.memref_squeeze %dma_wait3A_236 : memref<1x10000x64xf32, #tpu.memory_space<hbm>> -> memref<10000x64xf32, #tpu.memory_space<hbm>>
    %dma_wait3A_238 = arith.constant 0 : i32
    %dma_wait3A_239 = arith.constant 0 : i32
    %dma_wait3A_240 = tpu.memref_slice %dma_wait3A_237[%dma_wait3A_238, %dma_wait3A_239] : memref<10000x64xf32, #tpu.memory_space<hbm>> -> memref<10000x64xf32, #tpu.memory_space<hbm>>
    tpu.wait_indirect_dma semaphore(%arg20 : memref<!tpu.dma_semaphore, #tpu.memory_space<semaphore_mem>>) src(%dma_wait3A_240 : memref<10000x64xf32, #tpu.memory_space<hbm>>) dst(%dma_wait3A_231 : memref<80x64xf32, #tpu.memory_space<vmem>>)
    %get3A_241 = arith.constant 19920 : index
    %get3A_242 = tpu.vector_load %arg9[%get3A_241] {strides = array<i32>} : memref<20000xi32, #tpu.memory_space<vmem>>, vector<16xi32>,
    %get3A_243 = arith.constant 19920 : index
    %get3A_244 = tpu.vector_load %arg10[%get3A_243] {strides = array<i32>} : memref<20000xi32, #tpu.memory_space<vmem>>, vector<16xi32>,
    %gather3A_245 = tpu.vector_load_idx %arg11[%get3A_242] : memref<10000xf32, #tpu.memory_space<vmem>>[vector<16xi32>], vector<16xf32>,
    %gather3A_246 = tpu.vector_load_idx %arg12[%get3A_244] : memref<10000xf32, #tpu.memory_space<vmem>>[vector<16xi32>], vector<16xf32>,
    %gather3A_247 = tpu.vector_load_idx %arg11[%get3A_244] : memref<10000xf32, #tpu.memory_space<vmem>>[vector<16xi32>], vector<16xf32>,
    %add3A_248 = arith.addf %gather3A_245, %gather3A_246 : vector<16xf32>
    %mul3A_249 = arith.constant 2.000000e-01 : f32
    %mul3A_250 = vector.broadcast %mul3A_249 : f32 to vector<16xf32>
    %mul3A_251 = arith.mulf %mul3A_250, %add3A_248 : vector<16xf32>
    %max3A_252 = arith.maximumf %add3A_248, %mul3A_251 : vector<16xf32>
    %add3A_253 = arith.addf %gather3A_247, %gather3A_246 : vector<16xf32>
    %mul3A_254 = arith.constant 2.000000e-01 : f32
    %mul3A_255 = vector.broadcast %mul3A_254 : f32 to vector<16xf32>
    %mul3A_256 = arith.mulf %mul3A_255, %add3A_253 : vector<16xf32>
    %max3A_257 = arith.maximumf %add3A_253, %mul3A_256 : vector<16xf32>
    %sub3A_258 = arith.subf %max3A_252, %max3A_257 : vector<16xf32>
    %exp3A_259 = math.exp %sub3A_258 : vector<16xf32>
    tpu.vector_store_idx %arg13[%get3A_244], %exp3A_259 {add = true} : memref<10000xf32, #tpu.memory_space<vmem>>[vector<16xi32>], vector<16xf32>,
    %swap3A_260 = arith.constant 0 : index
    %swap3A_261 = tpu.vector_load %arg16[%swap3A_260] {strides = array<i32>} : memref<80xf32, #tpu.memory_space<vmem>>, vector<16xf32>,
    tpu.vector_store %arg16[%swap3A_260], %exp3A_259 {strides = array<i32>} : memref<80xf32, #tpu.memory_space<vmem>>, vector<16xf32>,
    %get3A_262 = arith.constant 19936 : index
    %get3A_263 = tpu.vector_load %arg9[%get3A_262] {strides = array<i32>} : memref<20000xi32, #tpu.memory_space<vmem>>, vector<16xi32>,
    %get3A_264 = arith.constant 19936 : index
    %get3A_265 = tpu.vector_load %arg10[%get3A_264] {strides = array<i32>} : memref<20000xi32, #tpu.memory_space<vmem>>, vector<16xi32>,
    %gather3A_266 = tpu.vector_load_idx %arg11[%get3A_263] : memref<10000xf32, #tpu.memory_space<vmem>>[vector<16xi32>], vector<16xf32>,
    %gather3A_267 = tpu.vector_load_idx %arg12[%get3A_265] : memref<10000xf32, #tpu.memory_space<vmem>>[vector<16xi32>], vector<16xf32>,
    %gather3A_268 = tpu.vector_load_idx %arg11[%get3A_265] : memref<10000xf32, #tpu.memory_space<vmem>>[vector<16xi32>], vector<16xf32>,
    %add3A_269 = arith.addf %gather3A_266, %gather3A_267 : vector<16xf32>
    %mul3A_270 = arith.constant 2.000000e-01 : f32
    %mul3A_271 = vector.broadcast %mul3A_270 : f32 to vector<16xf32>
    %mul3A_272 = arith.mulf %mul3A_271, %add3A_269 : vector<16xf32>
    %max3A_273 = arith.maximumf %add3A_269, %mul3A_272 : vector<16xf32>
    %add3A_274 = arith.addf %gather3A_268, %gather3A_267 : vector<16xf32>
    %mul3A_275 = arith.constant 2.000000e-01 : f32
    %mul3A_276 = vector.broadcast %mul3A_275 : f32 to vector<16xf32>
    %mul3A_277 = arith.mulf %mul3A_276, %add3A_274 : vector<16xf32>
    %max3A_278 = arith.maximumf %add3A_274, %mul3A_277 : vector<16xf32>
    %sub3A_279 = arith.subf %max3A_273, %max3A_278 : vector<16xf32>
    %exp3A_280 = math.exp %sub3A_279 : vector<16xf32>
    tpu.vector_store_idx %arg13[%get3A_265], %exp3A_280 {add = true} : memref<10000xf32, #tpu.memory_space<vmem>>[vector<16xi32>], vector<16xf32>,
    %swap3A_281 = arith.constant 16 : index
    %swap3A_282 = tpu.vector_load %arg16[%swap3A_281] {strides = array<i32>} : memref<80xf32, #tpu.memory_space<vmem>>, vector<16xf32>,
    tpu.vector_store %arg16[%swap3A_281], %exp3A_280 {strides = array<i32>} : memref<80xf32, #tpu.memory_space<vmem>>, vector<16xf32>,
    %get3A_283 = arith.constant 19952 : index
    %get3A_284 = tpu.vector_load %arg9[%get3A_283] {strides = array<i32>} : memref<20000xi32, #tpu.memory_space<vmem>>, vector<16xi32>,
    %get3A_285 = arith.constant 19952 : index
    %get3A_286 = tpu.vector_load %arg10[%get3A_285] {strides = array<i32>} : memref<20000xi32, #tpu.memory_space<vmem>>, vector<16xi32>,
    %gather3A_287 = tpu.vector_load_idx %arg11[%get3A_284] : memref<10000xf32, #tpu.memory_space<vmem>>[vector<16xi32>], vector<16xf32>,
    %gather3A_288 = tpu.vector_load_idx %arg12[%get3A_286] : memref<10000xf32, #tpu.memory_space<vmem>>[vector<16xi32>], vector<16xf32>,
    %gather3A_289 = tpu.vector_load_idx %arg11[%get3A_286] : memref<10000xf32, #tpu.memory_space<vmem>>[vector<16xi32>], vector<16xf32>,
    %add3A_290 = arith.addf %gather3A_287, %gather3A_288 : vector<16xf32>
    %mul3A_291 = arith.constant 2.000000e-01 : f32
    %mul3A_292 = vector.broadcast %mul3A_291 : f32 to vector<16xf32>
    %mul3A_293 = arith.mulf %mul3A_292, %add3A_290 : vector<16xf32>
    %max3A_294 = arith.maximumf %add3A_290, %mul3A_293 : vector<16xf32>
    %add3A_295 = arith.addf %gather3A_289, %gather3A_288 : vector<16xf32>
    %mul3A_296 = arith.constant 2.000000e-01 : f32
    %mul3A_297 = vector.broadcast %mul3A_296 : f32 to vector<16xf32>
    %mul3A_298 = arith.mulf %mul3A_297, %add3A_295 : vector<16xf32>
    %max3A_299 = arith.maximumf %add3A_295, %mul3A_298 : vector<16xf32>
    %sub3A_300 = arith.subf %max3A_294, %max3A_299 : vector<16xf32>
    %exp3A_301 = math.exp %sub3A_300 : vector<16xf32>
    tpu.vector_store_idx %arg13[%get3A_286], %exp3A_301 {add = true} : memref<10000xf32, #tpu.memory_space<vmem>>[vector<16xi32>], vector<16xf32>,
    %swap3A_302 = arith.constant 32 : index
    %swap3A_303 = tpu.vector_load %arg16[%swap3A_302] {strides = array<i32>} : memref<80xf32, #tpu.memory_space<vmem>>, vector<16xf32>,
    tpu.vector_store %arg16[%swap3A_302], %exp3A_301 {strides = array<i32>} : memref<80xf32, #tpu.memory_space<vmem>>, vector<16xf32>,
    %get3A_304 = arith.constant 19968 : index
    %get3A_305 = tpu.vector_load %arg9[%get3A_304] {strides = array<i32>} : memref<20000xi32, #tpu.memory_space<vmem>>, vector<16xi32>,
    %get3A_306 = arith.constant 19968 : index
    %get3A_307 = tpu.vector_load %arg10[%get3A_306] {strides = array<i32>} : memref<20000xi32, #tpu.memory_space<vmem>>, vector<16xi32>,
    %gather3A_308 = tpu.vector_load_idx %arg11[%get3A_305] : memref<10000xf32, #tpu.memory_space<vmem>>[vector<16xi32>], vector<16xf32>,
    %gather3A_309 = tpu.vector_load_idx %arg12[%get3A_307] : memref<10000xf32, #tpu.memory_space<vmem>>[vector<16xi32>], vector<16xf32>,
    %gather3A_310 = tpu.vector_load_idx %arg11[%get3A_307] : memref<10000xf32, #tpu.memory_space<vmem>>[vector<16xi32>], vector<16xf32>,
    %add3A_311 = arith.addf %gather3A_308, %gather3A_309 : vector<16xf32>
    %mul3A_312 = arith.constant 2.000000e-01 : f32
    %mul3A_313 = vector.broadcast %mul3A_312 : f32 to vector<16xf32>
    %mul3A_314 = arith.mulf %mul3A_313, %add3A_311 : vector<16xf32>
    %max3A_315 = arith.maximumf %add3A_311, %mul3A_314 : vector<16xf32>
    %add3A_316 = arith.addf %gather3A_310, %gather3A_309 : vector<16xf32>
    %mul3A_317 = arith.constant 2.000000e-01 : f32
    %mul3A_318 = vector.broadcast %mul3A_317 : f32 to vector<16xf32>
    %mul3A_319 = arith.mulf %mul3A_318, %add3A_316 : vector<16xf32>
    %max3A_320 = arith.maximumf %add3A_316, %mul3A_319 : vector<16xf32>
    %sub3A_321 = arith.subf %max3A_315, %max3A_320 : vector<16xf32>
    %exp3A_322 = math.exp %sub3A_321 : vector<16xf32>
    tpu.vector_store_idx %arg13[%get3A_307], %exp3A_322 {add = true} : memref<10000xf32, #tpu.memory_space<vmem>>[vector<16xi32>], vector<16xf32>,
    %swap3A_323 = arith.constant 48 : index
    %swap3A_324 = tpu.vector_load %arg16[%swap3A_323] {strides = array<i32>} : memref<80xf32, #tpu.memory_space<vmem>>, vector<16xf32>,
    tpu.vector_store %arg16[%swap3A_323], %exp3A_322 {strides = array<i32>} : memref<80xf32, #tpu.memory_space<vmem>>, vector<16xf32>,
    %get3A_325 = arith.constant 19984 : index
    %get3A_326 = tpu.vector_load %arg9[%get3A_325] {strides = array<i32>} : memref<20000xi32, #tpu.memory_space<vmem>>, vector<16xi32>,
    %get3A_327 = arith.constant 19984 : index
    %get3A_328 = tpu.vector_load %arg10[%get3A_327] {strides = array<i32>} : memref<20000xi32, #tpu.memory_space<vmem>>, vector<16xi32>,
    %gather3A_329 = tpu.vector_load_idx %arg11[%get3A_326] : memref<10000xf32, #tpu.memory_space<vmem>>[vector<16xi32>], vector<16xf32>,
    %gather3A_330 = tpu.vector_load_idx %arg12[%get3A_328] : memref<10000xf32, #tpu.memory_space<vmem>>[vector<16xi32>], vector<16xf32>,
    %gather3A_331 = tpu.vector_load_idx %arg11[%get3A_328] : memref<10000xf32, #tpu.memory_space<vmem>>[vector<16xi32>], vector<16xf32>,
    %add3A_332 = arith.addf %gather3A_329, %gather3A_330 : vector<16xf32>
    %mul3A_333 = arith.constant 2.000000e-01 : f32
    %mul3A_334 = vector.broadcast %mul3A_333 : f32 to vector<16xf32>
    %mul3A_335 = arith.mulf %mul3A_334, %add3A_332 : vector<16xf32>
    %max3A_336 = arith.maximumf %add3A_332, %mul3A_335 : vector<16xf32>
    %add3A_337 = arith.addf %gather3A_331, %gather3A_330 : vector<16xf32>
    %mul3A_338 = arith.constant 2.000000e-01 : f32
    %mul3A_339 = vector.broadcast %mul3A_338 : f32 to vector<16xf32>
    %mul3A_340 = arith.mulf %mul3A_339, %add3A_337 : vector<16xf32>
    %max3A_341 = arith.maximumf %add3A_337, %mul3A_340 : vector<16xf32>
    %sub3A_342 = arith.subf %max3A_336, %max3A_341 : vector<16xf32>
    %exp3A_343 = math.exp %sub3A_342 : vector<16xf32>
    tpu.vector_store_idx %arg13[%get3A_328], %exp3A_343 {add = true} : memref<10000xf32, #tpu.memory_space<vmem>>[vector<16xi32>], vector<16xf32>,
    %swap3A_344 = arith.constant 64 : index
    %swap3A_345 = tpu.vector_load %arg16[%swap3A_344] {strides = array<i32>} : memref<80xf32, #tpu.memory_space<vmem>>, vector<16xf32>,
    tpu.vector_store %arg16[%swap3A_344], %exp3A_343 {strides = array<i32>} : memref<80xf32, #tpu.memory_space<vmem>>, vector<16xf32>,
    %scan3A_346 = arith.constant 0 : i32
    %scan3A_347 = arith.constant 80 : i32
    %scan3A_348 = arith.addi %scan3A_346, %scan3A_347 : i32
    %scan3A_349 = arith.constant 4 : i32
    scf.for %scan3A_418 = %scan3A_346 to %scan3A_348 step %scan3A_349  : i32 {
      %mul3A_419 = arith.constant 1 : i32
      %mul3A_420 = arith.muli %scan3A_418, %mul3A_419 : i32
      %add3A_421 = arith.constant 0 : i32
      %add3A_422 = arith.addi %add3A_421, %mul3A_420 : i32
      %broadcast_in_dim3A_423 = vector.broadcast %add3A_422 : i32 to vector<16xi32>
      %gather3A_424 = tpu.vector_load_idx %arg16[%broadcast_in_dim3A_423] : memref<80xf32, #tpu.memory_space<vmem>>[vector<16xi32>], vector<16xf32>,
      %get3A_425 = arith.index_cast %add3A_422 : i32 to index
      %get3A_426 = arith.constant 0 : index
      %get3A_427 = tpu.vector_load %arg15[%get3A_425, %get3A_426] {strides = array<i32>} : memref<80x64xf32, #tpu.memory_space<vmem>>, vector<16xf32>,
      %mul3A_428 = arith.mulf %get3A_427, %gather3A_424 : vector<16xf32>
      %swap3A_429 = arith.index_cast %add3A_422 : i32 to index
      %swap3A_430 = arith.constant 0 : index
      %swap3A_431 = tpu.vector_load %arg15[%swap3A_429, %swap3A_430] {strides = array<i32>} : memref<80x64xf32, #tpu.memory_space<vmem>>, vector<16xf32>,
      tpu.vector_store %arg15[%swap3A_429, %swap3A_430], %mul3A_428 {strides = array<i32>} : memref<80x64xf32, #tpu.memory_space<vmem>>, vector<16xf32>,
      %get3A_432 = arith.index_cast %add3A_422 : i32 to index
      %get3A_433 = arith.constant 16 : index
      %get3A_434 = tpu.vector_load %arg15[%get3A_432, %get3A_433] {strides = array<i32>} : memref<80x64xf32, #tpu.memory_space<vmem>>, vector<16xf32>,
      %mul3A_435 = arith.mulf %get3A_434, %gather3A_424 : vector<16xf32>
      %swap3A_436 = arith.index_cast %add3A_422 : i32 to index
      %swap3A_437 = arith.constant 16 : index
      %swap3A_438 = tpu.vector_load %arg15[%swap3A_436, %swap3A_437] {strides = array<i32>} : memref<80x64xf32, #tpu.memory_space<vmem>>, vector<16xf32>,
      tpu.vector_store %arg15[%swap3A_436, %swap3A_437], %mul3A_435 {strides = array<i32>} : memref<80x64xf32, #tpu.memory_space<vmem>>, vector<16xf32>,
      %get3A_439 = arith.index_cast %add3A_422 : i32 to index
      %get3A_440 = arith.constant 32 : index
      %get3A_441 = tpu.vector_load %arg15[%get3A_439, %get3A_440] {strides = array<i32>} : memref<80x64xf32, #tpu.memory_space<vmem>>, vector<16xf32>,
      %mul3A_442 = arith.mulf %get3A_441, %gather3A_424 : vector<16xf32>
      %swap3A_443 = arith.index_cast %add3A_422 : i32 to index
      %swap3A_444 = arith.constant 32 : index
      %swap3A_445 = tpu.vector_load %arg15[%swap3A_443, %swap3A_444] {strides = array<i32>} : memref<80x64xf32, #tpu.memory_space<vmem>>, vector<16xf32>,
      tpu.vector_store %arg15[%swap3A_443, %swap3A_444], %mul3A_442 {strides = array<i32>} : memref<80x64xf32, #tpu.memory_space<vmem>>, vector<16xf32>,
      %get3A_446 = arith.index_cast %add3A_422 : i32 to index
      %get3A_447 = arith.constant 48 : index
      %get3A_448 = tpu.vector_load %arg15[%get3A_446, %get3A_447] {strides = array<i32>} : memref<80x64xf32, #tpu.memory_space<vmem>>, vector<16xf32>,
      %mul3A_449 = arith.mulf %get3A_448, %gather3A_424 : vector<16xf32>
      %swap3A_450 = arith.index_cast %add3A_422 : i32 to index
      %swap3A_451 = arith.constant 48 : index
      %swap3A_452 = tpu.vector_load %arg15[%swap3A_450, %swap3A_451] {strides = array<i32>} : memref<80x64xf32, #tpu.memory_space<vmem>>, vector<16xf32>,
      tpu.vector_store %arg15[%swap3A_450, %swap3A_451], %mul3A_449 {strides = array<i32>} : memref<80x64xf32, #tpu.memory_space<vmem>>, vector<16xf32>,
      %scan3A_453 = arith.constant 1 : i32
      %scan3A_454 = arith.addi %scan3A_418, %scan3A_453 : i32
      %mul3A_455 = arith.constant 1 : i32
      %mul3A_456 = arith.muli %scan3A_454, %mul3A_455 : i32
      %add3A_457 = arith.constant 0 : i32
      %add3A_458 = arith.addi %add3A_457, %mul3A_456 : i32
      %broadcast_in_dim3A_459 = vector.broadcast %add3A_458 : i32 to vector<16xi32>
      %gather3A_460 = tpu.vector_load_idx %arg16[%broadcast_in_dim3A_459] : memref<80xf32, #tpu.memory_space<vmem>>[vector<16xi32>], vector<16xf32>,
      %get3A_461 = arith.index_cast %add3A_458 : i32 to index
      %get3A_462 = arith.constant 0 : index
      %get3A_463 = tpu.vector_load %arg15[%get3A_461, %get3A_462] {strides = array<i32>} : memref<80x64xf32, #tpu.memory_space<vmem>>, vector<16xf32>,
      %mul3A_464 = arith.mulf %get3A_463, %gather3A_460 : vector<16xf32>
      %swap3A_465 = arith.index_cast %add3A_458 : i32 to index
      %swap3A_466 = arith.constant 0 : index
      %swap3A_467 = tpu.vector_load %arg15[%swap3A_465, %swap3A_466] {strides = array<i32>} : memref<80x64xf32, #tpu.memory_space<vmem>>, vector<16xf32>,
      tpu.vector_store %arg15[%swap3A_465, %swap3A_466], %mul3A_464 {strides = array<i32>} : memref<80x64xf32, #tpu.memory_space<vmem>>, vector<16xf32>,
      %get3A_468 = arith.index_cast %add3A_458 : i32 to index
      %get3A_469 = arith.constant 16 : index
      %get3A_470 = tpu.vector_load %arg15[%get3A_468, %get3A_469] {strides = array<i32>} : memref<80x64xf32, #tpu.memory_space<vmem>>, vector<16xf32>,
      %mul3A_471 = arith.mulf %get3A_470, %gather3A_460 : vector<16xf32>
      %swap3A_472 = arith.index_cast %add3A_458 : i32 to index
      %swap3A_473 = arith.constant 16 : index
      %swap3A_474 = tpu.vector_load %arg15[%swap3A_472, %swap3A_473] {strides = array<i32>} : memref<80x64xf32, #tpu.memory_space<vmem>>, vector<16xf32>,
      tpu.vector_store %arg15[%swap3A_472, %swap3A_473], %mul3A_471 {strides = array<i32>} : memref<80x64xf32, #tpu.memory_space<vmem>>, vector<16xf32>,
      %get3A_475 = arith.index_cast %add3A_458 : i32 to index
      %get3A_476 = arith.constant 32 : index
      %get3A_477 = tpu.vector_load %arg15[%get3A_475, %get3A_476] {strides = array<i32>} : memref<80x64xf32, #tpu.memory_space<vmem>>, vector<16xf32>,
      %mul3A_478 = arith.mulf %get3A_477, %gather3A_460 : vector<16xf32>
      %swap3A_479 = arith.index_cast %add3A_458 : i32 to index
      %swap3A_480 = arith.constant 32 : index
      %swap3A_481 = tpu.vector_load %arg15[%swap3A_479, %swap3A_480] {strides = array<i32>} : memref<80x64xf32, #tpu.memory_space<vmem>>, vector<16xf32>,
      tpu.vector_store %arg15[%swap3A_479, %swap3A_480], %mul3A_478 {strides = array<i32>} : memref<80x64xf32, #tpu.memory_space<vmem>>, vector<16xf32>,
      %get3A_482 = arith.index_cast %add3A_458 : i32 to index
      %get3A_483 = arith.constant 48 : index
      %get3A_484 = tpu.vector_load %arg15[%get3A_482, %get3A_483] {strides = array<i32>} : memref<80x64xf32, #tpu.memory_space<vmem>>, vector<16xf32>,
      %mul3A_485 = arith.mulf %get3A_484, %gather3A_460 : vector<16xf32>
      %swap3A_486 = arith.index_cast %add3A_458 : i32 to index
      %swap3A_487 = arith.constant 48 : index
      %swap3A_488 = tpu.vector_load %arg15[%swap3A_486, %swap3A_487] {strides = array<i32>} : memref<80x64xf32, #tpu.memory_space<vmem>>, vector<16xf32>,
      tpu.vector_store %arg15[%swap3A_486, %swap3A_487], %mul3A_485 {strides = array<i32>} : memref<80x64xf32, #tpu.memory_space<vmem>>, vector<16xf32>,
      %scan3A_489 = arith.constant 2 : i32
      %scan3A_490 = arith.addi %scan3A_418, %scan3A_489 : i32
      %mul3A_491 = arith.constant 1 : i32
      %mul3A_492 = arith.muli %scan3A_490, %mul3A_491 : i32
      %add3A_493 = arith.constant 0 : i32
      %add3A_494 = arith.addi %add3A_493, %mul3A_492 : i32
      %broadcast_in_dim3A_495 = vector.broadcast %add3A_494 : i32 to vector<16xi32>
      %gather3A_496 = tpu.vector_load_idx %arg16[%broadcast_in_dim3A_495] : memref<80xf32, #tpu.memory_space<vmem>>[vector<16xi32>], vector<16xf32>,
      %get3A_497 = arith.index_cast %add3A_494 : i32 to index
      %get3A_498 = arith.constant 0 : index
      %get3A_499 = tpu.vector_load %arg15[%get3A_497, %get3A_498] {strides = array<i32>} : memref<80x64xf32, #tpu.memory_space<vmem>>, vector<16xf32>,
      %mul3A_500 = arith.mulf %get3A_499, %gather3A_496 : vector<16xf32>
      %swap3A_501 = arith.index_cast %add3A_494 : i32 to index
      %swap3A_502 = arith.constant 0 : index
      %swap3A_503 = tpu.vector_load %arg15[%swap3A_501, %swap3A_502] {strides = array<i32>} : memref<80x64xf32, #tpu.memory_space<vmem>>, vector<16xf32>,
      tpu.vector_store %arg15[%swap3A_501, %swap3A_502], %mul3A_500 {strides = array<i32>} : memref<80x64xf32, #tpu.memory_space<vmem>>, vector<16xf32>,
      %get3A_504 = arith.index_cast %add3A_494 : i32 to index
      %get3A_505 = arith.constant 16 : index
      %get3A_506 = tpu.vector_load %arg15[%get3A_504, %get3A_505] {strides = array<i32>} : memref<80x64xf32, #tpu.memory_space<vmem>>, vector<16xf32>,
      %mul3A_507 = arith.mulf %get3A_506, %gather3A_496 : vector<16xf32>
      %swap3A_508 = arith.index_cast %add3A_494 : i32 to index
      %swap3A_509 = arith.constant 16 : index
      %swap3A_510 = tpu.vector_load %arg15[%swap3A_508, %swap3A_509] {strides = array<i32>} : memref<80x64xf32, #tpu.memory_space<vmem>>, vector<16xf32>,
      tpu.vector_store %arg15[%swap3A_508, %swap3A_509], %mul3A_507 {strides = array<i32>} : memref<80x64xf32, #tpu.memory_space<vmem>>, vector<16xf32>,
      %get3A_511 = arith.index_cast %add3A_494 : i32 to index
      %get3A_512 = arith.constant 32 : index
      %get3A_513 = tpu.vector_load %arg15[%get3A_511, %get3A_512] {strides = array<i32>} : memref<80x64xf32, #tpu.memory_space<vmem>>, vector<16xf32>,
      %mul3A_514 = arith.mulf %get3A_513, %gather3A_496 : vector<16xf32>
      %swap3A_515 = arith.index_cast %add3A_494 : i32 to index
      %swap3A_516 = arith.constant 32 : index
      %swap3A_517 = tpu.vector_load %arg15[%swap3A_515, %swap3A_516] {strides = array<i32>} : memref<80x64xf32, #tpu.memory_space<vmem>>, vector<16xf32>,
      tpu.vector_store %arg15[%swap3A_515, %swap3A_516], %mul3A_514 {strides = array<i32>} : memref<80x64xf32, #tpu.memory_space<vmem>>, vector<16xf32>,
      %get3A_518 = arith.index_cast %add3A_494 : i32 to index
      %get3A_519 = arith.constant 48 : index
      %get3A_520 = tpu.vector_load %arg15[%get3A_518, %get3A_519] {strides = array<i32>} : memref<80x64xf32, #tpu.memory_space<vmem>>, vector<16xf32>,
      %mul3A_521 = arith.mulf %get3A_520, %gather3A_496 : vector<16xf32>
      %swap3A_522 = arith.index_cast %add3A_494 : i32 to index
      %swap3A_523 = arith.constant 48 : index
      %swap3A_524 = tpu.vector_load %arg15[%swap3A_522, %swap3A_523] {strides = array<i32>} : memref<80x64xf32, #tpu.memory_space<vmem>>, vector<16xf32>,
      tpu.vector_store %arg15[%swap3A_522, %swap3A_523], %mul3A_521 {strides = array<i32>} : memref<80x64xf32, #tpu.memory_space<vmem>>, vector<16xf32>,
      %scan3A_525 = arith.constant 3 : i32
      %scan3A_526 = arith.addi %scan3A_418, %scan3A_525 : i32
      %mul3A_527 = arith.constant 1 : i32
      %mul3A_528 = arith.muli %scan3A_526, %mul3A_527 : i32
      %add3A_529 = arith.constant 0 : i32
      %add3A_530 = arith.addi %add3A_529, %mul3A_528 : i32
      %broadcast_in_dim3A_531 = vector.broadcast %add3A_530 : i32 to vector<16xi32>
      %gather3A_532 = tpu.vector_load_idx %arg16[%broadcast_in_dim3A_531] : memref<80xf32, #tpu.memory_space<vmem>>[vector<16xi32>], vector<16xf32>,
      %get3A_533 = arith.index_cast %add3A_530 : i32 to index
      %get3A_534 = arith.constant 0 : index
      %get3A_535 = tpu.vector_load %arg15[%get3A_533, %get3A_534] {strides = array<i32>} : memref<80x64xf32, #tpu.memory_space<vmem>>, vector<16xf32>,
      %mul3A_536 = arith.mulf %get3A_535, %gather3A_532 : vector<16xf32>
      %swap3A_537 = arith.index_cast %add3A_530 : i32 to index
      %swap3A_538 = arith.constant 0 : index
      %swap3A_539 = tpu.vector_load %arg15[%swap3A_537, %swap3A_538] {strides = array<i32>} : memref<80x64xf32, #tpu.memory_space<vmem>>, vector<16xf32>,
      tpu.vector_store %arg15[%swap3A_537, %swap3A_538], %mul3A_536 {strides = array<i32>} : memref<80x64xf32, #tpu.memory_space<vmem>>, vector<16xf32>,
      %get3A_540 = arith.index_cast %add3A_530 : i32 to index
      %get3A_541 = arith.constant 16 : index
      %get3A_542 = tpu.vector_load %arg15[%get3A_540, %get3A_541] {strides = array<i32>} : memref<80x64xf32, #tpu.memory_space<vmem>>, vector<16xf32>,
      %mul3A_543 = arith.mulf %get3A_542, %gather3A_532 : vector<16xf32>
      %swap3A_544 = arith.index_cast %add3A_530 : i32 to index
      %swap3A_545 = arith.constant 16 : index
      %swap3A_546 = tpu.vector_load %arg15[%swap3A_544, %swap3A_545] {strides = array<i32>} : memref<80x64xf32, #tpu.memory_space<vmem>>, vector<16xf32>,
      tpu.vector_store %arg15[%swap3A_544, %swap3A_545], %mul3A_543 {strides = array<i32>} : memref<80x64xf32, #tpu.memory_space<vmem>>, vector<16xf32>,
      %get3A_547 = arith.index_cast %add3A_530 : i32 to index
      %get3A_548 = arith.constant 32 : index
      %get3A_549 = tpu.vector_load %arg15[%get3A_547, %get3A_548] {strides = array<i32>} : memref<80x64xf32, #tpu.memory_space<vmem>>, vector<16xf32>,
      %mul3A_550 = arith.mulf %get3A_549, %gather3A_532 : vector<16xf32>
      %swap3A_551 = arith.index_cast %add3A_530 : i32 to index
      %swap3A_552 = arith.constant 32 : index
      %swap3A_553 = tpu.vector_load %arg15[%swap3A_551, %swap3A_552] {strides = array<i32>} : memref<80x64xf32, #tpu.memory_space<vmem>>, vector<16xf32>,
      tpu.vector_store %arg15[%swap3A_551, %swap3A_552], %mul3A_550 {strides = array<i32>} : memref<80x64xf32, #tpu.memory_space<vmem>>, vector<16xf32>,
      %get3A_554 = arith.index_cast %add3A_530 : i32 to index
      %get3A_555 = arith.constant 48 : index
      %get3A_556 = tpu.vector_load %arg15[%get3A_554, %get3A_555] {strides = array<i32>} : memref<80x64xf32, #tpu.memory_space<vmem>>, vector<16xf32>,
      %mul3A_557 = arith.mulf %get3A_556, %gather3A_532 : vector<16xf32>
      %swap3A_558 = arith.index_cast %add3A_530 : i32 to index
      %swap3A_559 = arith.constant 48 : index
      %swap3A_560 = tpu.vector_load %arg15[%swap3A_558, %swap3A_559] {strides = array<i32>} : memref<80x64xf32, #tpu.memory_space<vmem>>, vector<16xf32>,
      tpu.vector_store %arg15[%swap3A_558, %swap3A_559], %mul3A_557 {strides = array<i32>} : memref<80x64xf32, #tpu.memory_space<vmem>>, vector<16xf32>,
    }
    %scan3A_350 = arith.constant 80 : i32
    %dma_start3A_351 = arith.constant 0 : i32
    %dma_start3A_352 = arith.constant 0 : i32
    %dma_start3A_353 = tpu.memref_slice %arg15[%dma_start3A_351, %dma_start3A_352] : memref<80x64xf32, #tpu.memory_space<vmem>> -> memref<16x64xf32, #tpu.memory_space<vmem>>
    %dma_start3A_354 = arith.constant 0 : i32
    %dma_start3A_355 = arith.constant 0 : i32
    %dma_start3A_356 = tpu.memref_slice %arg18[%dma_start3A_354, %dma_start3A_355] : memref<10000x64xf32, #tpu.memory_space<vmem_shared>> -> memref<10000x64xf32, #tpu.memory_space<vmem_shared>>
    tpu.enqueue_indirect_dma source(%dma_start3A_353 : memref<16x64xf32, #tpu.memory_space<vmem>>) target(%dma_start3A_356 : memref<10000x64xf32, #tpu.memory_space<vmem_shared>>) offsets(%get3A_244 : vector<16xi32>) semaphore(%arg21 : memref<!tpu.dma_semaphore, #tpu.memory_space<semaphore_mem>>) {add = true}
    %dma_start3A_357 = arith.constant 16 : i32
    %dma_start3A_358 = arith.constant 0 : i32
    %dma_start3A_359 = tpu.memref_slice %arg15[%dma_start3A_357, %dma_start3A_358] : memref<80x64xf32, #tpu.memory_space<vmem>> -> memref<16x64xf32, #tpu.memory_space<vmem>>
    %dma_start3A_360 = arith.constant 0 : i32
    %dma_start3A_361 = arith.constant 0 : i32
    %dma_start3A_362 = tpu.memref_slice %arg18[%dma_start3A_360, %dma_start3A_361] : memref<10000x64xf32, #tpu.memory_space<vmem_shared>> -> memref<10000x64xf32, #tpu.memory_space<vmem_shared>>
    tpu.enqueue_indirect_dma source(%dma_start3A_359 : memref<16x64xf32, #tpu.memory_space<vmem>>) target(%dma_start3A_362 : memref<10000x64xf32, #tpu.memory_space<vmem_shared>>) offsets(%get3A_265 : vector<16xi32>) semaphore(%arg21 : memref<!tpu.dma_semaphore, #tpu.memory_space<semaphore_mem>>) {add = true}
    %dma_start3A_363 = arith.constant 32 : i32
    %dma_start3A_364 = arith.constant 0 : i32
    %dma_start3A_365 = tpu.memref_slice %arg15[%dma_start3A_363, %dma_start3A_364] : memref<80x64xf32, #tpu.memory_space<vmem>> -> memref<16x64xf32, #tpu.memory_space<vmem>>
    %dma_start3A_366 = arith.constant 0 : i32
    %dma_start3A_367 = arith.constant 0 : i32
    %dma_start3A_368 = tpu.memref_slice %arg18[%dma_start3A_366, %dma_start3A_367] : memref<10000x64xf32, #tpu.memory_space<vmem_shared>> -> memref<10000x64xf32, #tpu.memory_space<vmem_shared>>
    tpu.enqueue_indirect_dma source(%dma_start3A_365 : memref<16x64xf32, #tpu.memory_space<vmem>>) target(%dma_start3A_368 : memref<10000x64xf32, #tpu.memory_space<vmem_shared>>) offsets(%get3A_286 : vector<16xi32>) semaphore(%arg21 : memref<!tpu.dma_semaphore, #tpu.memory_space<semaphore_mem>>) {add = true}
    %dma_start3A_369 = arith.constant 48 : i32
    %dma_start3A_370 = arith.constant 0 : i32
    %dma_start3A_371 = tpu.memref_slice %arg15[%dma_start3A_369, %dma_start3A_370] : memref<80x64xf32, #tpu.memory_space<vmem>> -> memref<16x64xf32, #tpu.memory_space<vmem>>
    %dma_start3A_372 = arith.constant 0 : i32
    %dma_start3A_373 = arith.constant 0 : i32
    %dma_start3A_374 = tpu.memref_slice %arg18[%dma_start3A_372, %dma_start3A_373] : memref<10000x64xf32, #tpu.memory_space<vmem_shared>> -> memref<10000x64xf32, #tpu.memory_space<vmem_shared>>
    tpu.enqueue_indirect_dma source(%dma_start3A_371 : memref<16x64xf32, #tpu.memory_space<vmem>>) target(%dma_start3A_374 : memref<10000x64xf32, #tpu.memory_space<vmem_shared>>) offsets(%get3A_307 : vector<16xi32>) semaphore(%arg21 : memref<!tpu.dma_semaphore, #tpu.memory_space<semaphore_mem>>) {add = true}
    %dma_start3A_375 = arith.constant 64 : i32
    %dma_start3A_376 = arith.constant 0 : i32
    %dma_start3A_377 = tpu.memref_slice %arg15[%dma_start3A_375, %dma_start3A_376] : memref<80x64xf32, #tpu.memory_space<vmem>> -> memref<16x64xf32, #tpu.memory_space<vmem>>
    %dma_start3A_378 = arith.constant 0 : i32
    %dma_start3A_379 = arith.constant 0 : i32
    %dma_start3A_380 = tpu.memref_slice %arg18[%dma_start3A_378, %dma_start3A_379] : memref<10000x64xf32, #tpu.memory_space<vmem_shared>> -> memref<10000x64xf32, #tpu.memory_space<vmem_shared>>
    tpu.enqueue_indirect_dma source(%dma_start3A_377 : memref<16x64xf32, #tpu.memory_space<vmem>>) target(%dma_start3A_380 : memref<10000x64xf32, #tpu.memory_space<vmem_shared>>) offsets(%get3A_328 : vector<16xi32>) semaphore(%arg21 : memref<!tpu.dma_semaphore, #tpu.memory_space<semaphore_mem>>) {add = true}
    %dma_wait3A_381 = arith.constant 0 : i32
    %dma_wait3A_382 = arith.constant 0 : i32
    %dma_wait3A_383 = tpu.memref_slice %arg15[%dma_wait3A_381, %dma_wait3A_382] : memref<80x64xf32, #tpu.memory_space<vmem>> -> memref<16x64xf32, #tpu.memory_space<vmem>>
    %dma_wait3A_384 = arith.constant 0 : i32
    %dma_wait3A_385 = arith.constant 0 : i32
    %dma_wait3A_386 = tpu.memref_slice %arg18[%dma_wait3A_384, %dma_wait3A_385] : memref<10000x64xf32, #tpu.memory_space<vmem_shared>> -> memref<10000x64xf32, #tpu.memory_space<vmem_shared>>
    tpu.wait_indirect_dma semaphore(%arg21 : memref<!tpu.dma_semaphore, #tpu.memory_space<semaphore_mem>>) src(%dma_wait3A_383 : memref<16x64xf32, #tpu.memory_space<vmem>>) dst(%dma_wait3A_386 : memref<10000x64xf32, #tpu.memory_space<vmem_shared>>)
    %dma_wait3A_387 = arith.constant 16 : i32
    %dma_wait3A_388 = arith.constant 0 : i32
    %dma_wait3A_389 = tpu.memref_slice %arg15[%dma_wait3A_387, %dma_wait3A_388] : memref<80x64xf32, #tpu.memory_space<vmem>> -> memref<16x64xf32, #tpu.memory_space<vmem>>
    %dma_wait3A_390 = arith.constant 0 : i32
    %dma_wait3A_391 = arith.constant 0 : i32
    %dma_wait3A_392 = tpu.memref_slice %arg18[%dma_wait3A_390, %dma_wait3A_391] : memref<10000x64xf32, #tpu.memory_space<vmem_shared>> -> memref<10000x64xf32, #tpu.memory_space<vmem_shared>>
    tpu.wait_indirect_dma semaphore(%arg21 : memref<!tpu.dma_semaphore, #tpu.memory_space<semaphore_mem>>) src(%dma_wait3A_389 : memref<16x64xf32, #tpu.memory_space<vmem>>) dst(%dma_wait3A_392 : memref<10000x64xf32, #tpu.memory_space<vmem_shared>>)
    %dma_wait3A_393 = arith.constant 32 : i32
    %dma_wait3A_394 = arith.constant 0 : i32
    %dma_wait3A_395 = tpu.memref_slice %arg15[%dma_wait3A_393, %dma_wait3A_394] : memref<80x64xf32, #tpu.memory_space<vmem>> -> memref<16x64xf32, #tpu.memory_space<vmem>>
    %dma_wait3A_396 = arith.constant 0 : i32
    %dma_wait3A_397 = arith.constant 0 : i32
    %dma_wait3A_398 = tpu.memref_slice %arg18[%dma_wait3A_396, %dma_wait3A_397] : memref<10000x64xf32, #tpu.memory_space<vmem_shared>> -> memref<10000x64xf32, #tpu.memory_space<vmem_shared>>
    tpu.wait_indirect_dma semaphore(%arg21 : memref<!tpu.dma_semaphore, #tpu.memory_space<semaphore_mem>>) src(%dma_wait3A_395 : memref<16x64xf32, #tpu.memory_space<vmem>>) dst(%dma_wait3A_398 : memref<10000x64xf32, #tpu.memory_space<vmem_shared>>)
    %dma_wait3A_399 = arith.constant 48 : i32
    %dma_wait3A_400 = arith.constant 0 : i32
    %dma_wait3A_401 = tpu.memref_slice %arg15[%dma_wait3A_399, %dma_wait3A_400] : memref<80x64xf32, #tpu.memory_space<vmem>> -> memref<16x64xf32, #tpu.memory_space<vmem>>
    %dma_wait3A_402 = arith.constant 0 : i32
    %dma_wait3A_403 = arith.constant 0 : i32
    %dma_wait3A_404 = tpu.memref_slice %arg18[%dma_wait3A_402, %dma_wait3A_403] : memref<10000x64xf32, #tpu.memory_space<vmem_shared>> -> memref<10000x64xf32, #tpu.memory_space<vmem_shared>>
    tpu.wait_indirect_dma semaphore(%arg21 : memref<!tpu.dma_semaphore, #tpu.memory_space<semaphore_mem>>) src(%dma_wait3A_401 : memref<16x64xf32, #tpu.memory_space<vmem>>) dst(%dma_wait3A_404 : memref<10000x64xf32, #tpu.memory_space<vmem_shared>>)
    %dma_wait3A_405 = arith.constant 64 : i32
    %dma_wait3A_406 = arith.constant 0 : i32
    %dma_wait3A_407 = tpu.memref_slice %arg15[%dma_wait3A_405, %dma_wait3A_406] : memref<80x64xf32, #tpu.memory_space<vmem>> -> memref<16x64xf32, #tpu.memory_space<vmem>>
    %dma_wait3A_408 = arith.constant 0 : i32
    %dma_wait3A_409 = arith.constant 0 : i32
    %dma_wait3A_410 = tpu.memref_slice %arg18[%dma_wait3A_408, %dma_wait3A_409] : memref<10000x64xf32, #tpu.memory_space<vmem_shared>> -> memref<10000x64xf32, #tpu.memory_space<vmem_shared>>
    tpu.wait_indirect_dma semaphore(%arg21 : memref<!tpu.dma_semaphore, #tpu.memory_space<semaphore_mem>>) src(%dma_wait3A_407 : memref<16x64xf32, #tpu.memory_space<vmem>>) dst(%dma_wait3A_410 : memref<10000x64xf32, #tpu.memory_space<vmem_shared>>)
    "tpu.region"() ({
      %run_scoped3A = tpu.sem_alloc : memref<!tpu.dma_semaphore, #tpu.memory_space<semaphore_mem>>
      %dma_start3A_418 = arith.constant 0 : i32
      %dma_start3A_419 = tpu.memref_slice %arg8[%add3A, %dma_start3A_418] : memref<32x10000xf32, #tpu.memory_space<hbm>> -> memref<1x10000xf32, #tpu.memory_space<hbm>>
      %dma_start3A_420 = tpu.memref_squeeze %dma_start3A_419 : memref<1x10000xf32, #tpu.memory_space<hbm>> -> memref<10000xf32, #tpu.memory_space<hbm>>
      %dma_start3A_421 = arith.constant 0 : i32
      %dma_start3A_422 = tpu.memref_slice %arg8[%add3A, %dma_start3A_421] : memref<32x10000xf32, #tpu.memory_space<hbm>> -> memref<1x10000xf32, #tpu.memory_space<hbm>>
      %dma_start3A_423 = tpu.memref_squeeze %dma_start3A_422 : memref<1x10000xf32, #tpu.memory_space<hbm>> -> memref<10000xf32, #tpu.memory_space<hbm>>
      tpu.enqueue_dma source(%arg13 : memref<10000xf32, #tpu.memory_space<vmem>>) target(%dma_start3A_423 : memref<10000xf32, #tpu.memory_space<hbm>>) target_semaphore(%run_scoped3A : memref<!tpu.dma_semaphore, #tpu.memory_space<semaphore_mem>>)
      %dma_wait3A_424 = arith.constant 0 : i32
      %dma_wait3A_425 = tpu.memref_slice %arg8[%add3A, %dma_wait3A_424] : memref<32x10000xf32, #tpu.memory_space<hbm>> -> memref<1x10000xf32, #tpu.memory_space<hbm>>
      %dma_wait3A_426 = tpu.memref_squeeze %dma_wait3A_425 : memref<1x10000xf32, #tpu.memory_space<hbm>> -> memref<10000xf32, #tpu.memory_space<hbm>>
      %dma_wait3A_427 = arith.constant 0 : i32
      %dma_wait3A_428 = tpu.memref_slice %arg8[%add3A, %dma_wait3A_427] : memref<32x10000xf32, #tpu.memory_space<hbm>> -> memref<1x10000xf32, #tpu.memory_space<hbm>>
      %dma_wait3A_429 = tpu.memref_squeeze %dma_wait3A_428 : memref<1x10000xf32, #tpu.memory_space<hbm>> -> memref<10000xf32, #tpu.memory_space<hbm>>
      tpu.wait_dma2 semaphore(%run_scoped3A : memref<!tpu.dma_semaphore, #tpu.memory_space<semaphore_mem>>) src(%arg13 : memref<10000xf32, #tpu.memory_space<vmem>>) dst(%dma_wait3A_429 : memref<10000xf32, #tpu.memory_space<hbm>>)
      tpu.yield
    }) : () -> ()
    %barrier3A_411 = arith.constant 0 : index
    tpu.barrier barrier_id(%barrier3A_411)
    %lt3A = arith.constant 15 : i32
    %lt3A_412 = arith.cmpi slt, %arg1, %lt3A : i32
    %convert_element_type3A = arith.extui %lt3A_412 : i1 to i32
    %cond3A = arith.constant 0 : i32
    %cond3A_413 = arith.cmpi ne, %convert_element_type3A, %cond3A : i32
    scf.if %cond3A_413 {
      %mul3A_418 = arith.constant 624 : i32
      %mul3A_419 = arith.muli %arg1, %mul3A_418 : i32
      "tpu.region"() ({
        %run_scoped3A = tpu.sem_alloc : memref<!tpu.dma_semaphore, #tpu.memory_space<semaphore_mem>>
        %dma_start3A_420 = arith.constant 0 : i32
        %dma_start3A_421 = arith.constant 0 : i32
        %dma_start3A_422 = tpu.memref_slice %arg7[%arg0, %dma_start3A_420, %dma_start3A_421] : memref<2x10000x64xf32, #tpu.memory_space<hbm>> -> memref<1x10000x64xf32, #tpu.memory_space<hbm>>
        %dma_start3A_423 = tpu.memref_squeeze %dma_start3A_422 : memref<1x10000x64xf32, #tpu.memory_space<hbm>> -> memref<10000x64xf32, #tpu.memory_space<hbm>>
        %dma_start3A_424 = arith.constant 0 : i32
        %dma_start3A_425 = tpu.memref_slice %dma_start3A_423[%mul3A_419, %dma_start3A_424] : memref<10000x64xf32, #tpu.memory_space<hbm>> -> memref<624x64xf32, #tpu.memory_space<hbm>>
        %dma_start3A_426 = arith.constant 0 : i32
        %dma_start3A_427 = tpu.memref_slice %arg18[%mul3A_419, %dma_start3A_426] : memref<10000x64xf32, #tpu.memory_space<vmem_shared>> -> memref<624x64xf32, #tpu.memory_space<vmem_shared>>
        tpu.enqueue_dma source(%dma_start3A_427 : memref<624x64xf32, #tpu.memory_space<vmem_shared>>) target(%dma_start3A_425 : memref<624x64xf32, #tpu.memory_space<hbm>>) target_semaphore(%run_scoped3A : memref<!tpu.dma_semaphore, #tpu.memory_space<semaphore_mem>>)
        %dma_wait3A_428 = arith.constant 0 : i32
        %dma_wait3A_429 = arith.constant 0 : i32
        %dma_wait3A_430 = tpu.memref_slice %arg7[%arg0, %dma_wait3A_428, %dma_wait3A_429] : memref<2x10000x64xf32, #tpu.memory_space<hbm>> -> memref<1x10000x64xf32, #tpu.memory_space<hbm>>
        %dma_wait3A_431 = tpu.memref_squeeze %dma_wait3A_430 : memref<1x10000x64xf32, #tpu.memory_space<hbm>> -> memref<10000x64xf32, #tpu.memory_space<hbm>>
        %dma_wait3A_432 = arith.constant 0 : i32
        %dma_wait3A_433 = tpu.memref_slice %dma_wait3A_431[%mul3A_419, %dma_wait3A_432] : memref<10000x64xf32, #tpu.memory_space<hbm>> -> memref<624x64xf32, #tpu.memory_space<hbm>>
        %dma_wait3A_434 = arith.constant 0 : i32
        %dma_wait3A_435 = tpu.memref_slice %arg18[%mul3A_419, %dma_wait3A_434] : memref<10000x64xf32, #tpu.memory_space<vmem_shared>> -> memref<624x64xf32, #tpu.memory_space<vmem_shared>>
        tpu.wait_dma2 semaphore(%run_scoped3A : memref<!tpu.dma_semaphore, #tpu.memory_space<semaphore_mem>>) src(%dma_wait3A_435 : memref<624x64xf32, #tpu.memory_space<vmem_shared>>) dst(%dma_wait3A_433 : memref<624x64xf32, #tpu.memory_space<hbm>>)
        tpu.yield
      }) : () -> ()
    } else {
    }
    %eq3A = arith.constant 15 : i32
    %eq3A_414 = arith.cmpi eq, %arg1, %eq3A : i32
    %convert_element_type3A_415 = arith.extui %eq3A_414 : i1 to i32
    %cond3A_416 = arith.constant 0 : i32
    %cond3A_417 = arith.cmpi ne, %convert_element_type3A_415, %cond3A_416 : i32
    scf.if %cond3A_417 {
      "tpu.region"() ({
        %run_scoped3A = tpu.sem_alloc : memref<!tpu.dma_semaphore, #tpu.memory_space<semaphore_mem>>
        %dma_start3A_418 = arith.constant 0 : i32
        %dma_start3A_419 = arith.constant 0 : i32
        %dma_start3A_420 = tpu.memref_slice %arg7[%arg0, %dma_start3A_418, %dma_start3A_419] : memref<2x10000x64xf32, #tpu.memory_space<hbm>> -> memref<1x10000x64xf32, #tpu.memory_space<hbm>>
        %dma_start3A_421 = tpu.memref_squeeze %dma_start3A_420 : memref<1x10000x64xf32, #tpu.memory_space<hbm>> -> memref<10000x64xf32, #tpu.memory_space<hbm>>
        %dma_start3A_422 = arith.constant 9360 : i32
        %dma_start3A_423 = arith.constant 0 : i32
        %dma_start3A_424 = tpu.memref_slice %dma_start3A_421[%dma_start3A_422, %dma_start3A_423] : memref<10000x64xf32, #tpu.memory_space<hbm>> -> memref<640x64xf32, #tpu.memory_space<hbm>>
        %dma_start3A_425 = arith.constant 9360 : i32
        %dma_start3A_426 = arith.constant 0 : i32
        %dma_start3A_427 = tpu.memref_slice %arg18[%dma_start3A_425, %dma_start3A_426] : memref<10000x64xf32, #tpu.memory_space<vmem_shared>> -> memref<640x64xf32, #tpu.memory_space<vmem_shared>>
        tpu.enqueue_dma source(%dma_start3A_427 : memref<640x64xf32, #tpu.memory_space<vmem_shared>>) target(%dma_start3A_424 : memref<640x64xf32, #tpu.memory_space<hbm>>) target_semaphore(%run_scoped3A : memref<!tpu.dma_semaphore, #tpu.memory_space<semaphore_mem>>)
        %dma_wait3A_428 = arith.constant 0 : i32
        %dma_wait3A_429 = arith.constant 0 : i32
        %dma_wait3A_430 = tpu.memref_slice %arg7[%arg0, %dma_wait3A_428, %dma_wait3A_429] : memref<2x10000x64xf32, #tpu.memory_space<hbm>> -> memref<1x10000x64xf32, #tpu.memory_space<hbm>>
        %dma_wait3A_431 = tpu.memref_squeeze %dma_wait3A_430 : memref<1x10000x64xf32, #tpu.memory_space<hbm>> -> memref<10000x64xf32, #tpu.memory_space<hbm>>
        %dma_wait3A_432 = arith.constant 9360 : i32
        %dma_wait3A_433 = arith.constant 0 : i32
        %dma_wait3A_434 = tpu.memref_slice %dma_wait3A_431[%dma_wait3A_432, %dma_wait3A_433] : memref<10000x64xf32, #tpu.memory_space<hbm>> -> memref<640x64xf32, #tpu.memory_space<hbm>>
        %dma_wait3A_435 = arith.constant 9360 : i32
        %dma_wait3A_436 = arith.constant 0 : i32
        %dma_wait3A_437 = tpu.memref_slice %arg18[%dma_wait3A_435, %dma_wait3A_436] : memref<10000x64xf32, #tpu.memory_space<vmem_shared>> -> memref<640x64xf32, #tpu.memory_space<vmem_shared>>
        tpu.wait_dma2 semaphore(%run_scoped3A : memref<!tpu.dma_semaphore, #tpu.memory_space<semaphore_mem>>) src(%dma_wait3A_437 : memref<640x64xf32, #tpu.memory_space<vmem_shared>>) dst(%dma_wait3A_434 : memref<640x64xf32, #tpu.memory_space<hbm>>)
        tpu.yield
      }) : () -> ()
    } else {
    }
    return
  }
}

module attributes {stable_mosaic.version = 14 : i64} {
  func.func @_pre_body(%arg0: memref<10000x128xf32, #tpu.memory_space<vmem>>, %arg1: memref<128x128xf32, #tpu.memory_space<vmem>>, %arg2: memref<2x128xf32, #tpu.memory_space<vmem>>, %arg3: memref<10000x128xf32, #tpu.memory_space<vmem>>, %arg4: memref<2x10000x64xf32, #tpu.memory_space<vmem>>, %arg5: memref<2x10000xf32, #tpu.memory_space<vmem>>) attributes {dimension_semantics = [], scalar_prefetch = 0 : i64, scratch_operands = 0 : i64, tpu.core_type = #tpu.core_type<tc>} {
    %get3A = arith.constant 0 : index
    %get3A_0 = arith.constant 0 : index
    %get3A_1 = vector.load %arg0[%get3A, %get3A_0] : memref<10000x128xf32, #tpu.memory_space<vmem>>, vector<10000x128xf32>
    %get3A_2 = arith.constant 0 : index
    %get3A_3 = arith.constant 0 : index
    %get3A_4 = vector.load %arg1[%get3A_2, %get3A_3] : memref<128x128xf32, #tpu.memory_space<vmem>>, vector<128x128xf32>
    %dot_general3A = arith.constant dense<0.000000e+00> : vector<10000x128xf32>
    %dot_general3A_5 = tpu.matmul %get3A_1, %get3A_4, %dot_general3A {dimension_numbers = #tpu.dot_dimension_numbers<[1], [0], [0], [1], [0, 0, 1, 1], [], []>, transpose_lhs_hint = false} : vector<10000x128xf32>, vector<128x128xf32>, vector<10000x128xf32> -> vector<10000x128xf32>
    %swap3A = arith.constant 0 : index
    %swap3A_6 = arith.constant 0 : index
    %swap3A_7 = vector.load %arg3[%swap3A, %swap3A_6] : memref<10000x128xf32, #tpu.memory_space<vmem>>, vector<10000x128xf32>
    tpu.vector_store %arg3[%swap3A, %swap3A_6], %dot_general3A_5 {strides = array<i32>} : memref<10000x128xf32, #tpu.memory_space<vmem>>, vector<10000x128xf32>,
    %slice3A = vector.extract_strided_slice %dot_general3A_5 {offsets = [0, 0], sizes = [10000, 64], strides = [1, 1]} : vector<10000x128xf32> to vector<10000x64xf32>
    %swap3A_8 = arith.constant 0 : index
    %swap3A_9 = arith.constant 0 : index
    %swap3A_10 = arith.constant 0 : index
    %swap3A_11 = vector.load %arg4[%swap3A_8, %swap3A_9, %swap3A_10] : memref<2x10000x64xf32, #tpu.memory_space<vmem>>, vector<1x10000x64xf32>
    %swap3A_12 = vector.shape_cast %swap3A_11 : vector<1x10000x64xf32> to vector<10000x64xf32>
    %swap3A_13 = vector.shape_cast %slice3A : vector<10000x64xf32> to vector<1x10000x64xf32>
    tpu.vector_store %arg4[%swap3A_8, %swap3A_9, %swap3A_10], %swap3A_13 {strides = array<i32>} : memref<2x10000x64xf32, #tpu.memory_space<vmem>>, vector<1x10000x64xf32>,
    %slice3A_14 = vector.extract_strided_slice %dot_general3A_5 {offsets = [0, 64], sizes = [10000, 64], strides = [1, 1]} : vector<10000x128xf32> to vector<10000x64xf32>
    %swap3A_15 = arith.constant 1 : index
    %swap3A_16 = arith.constant 0 : index
    %swap3A_17 = arith.constant 0 : index
    %swap3A_18 = vector.load %arg4[%swap3A_15, %swap3A_16, %swap3A_17] : memref<2x10000x64xf32, #tpu.memory_space<vmem>>, vector<1x10000x64xf32>
    %swap3A_19 = vector.shape_cast %swap3A_18 : vector<1x10000x64xf32> to vector<10000x64xf32>
    %swap3A_20 = vector.shape_cast %slice3A_14 : vector<10000x64xf32> to vector<1x10000x64xf32>
    tpu.vector_store %arg4[%swap3A_15, %swap3A_16, %swap3A_17], %swap3A_20 {strides = array<i32>} : memref<2x10000x64xf32, #tpu.memory_space<vmem>>, vector<1x10000x64xf32>,
    %get3A_21 = arith.constant 0 : index
    %get3A_22 = arith.constant 0 : index
    %get3A_23 = vector.load %arg2[%get3A_21, %get3A_22] : memref<2x128xf32, #tpu.memory_space<vmem>>, vector<2x128xf32>
    %dot_general3A_24 = arith.constant dense<0.000000e+00> : vector<2x10000xf32>
    %dot_general3A_25 = tpu.matmul %get3A_23, %dot_general3A_5, %dot_general3A_24 {dimension_numbers = #tpu.dot_dimension_numbers<[1], [1], [0], [0], [0, 0, 1, 0], [], []>, transpose_lhs_hint = false} : vector<2x128xf32>, vector<10000x128xf32>, vector<2x10000xf32> -> vector<2x10000xf32>
    %swap3A_26 = arith.constant 0 : index
    %swap3A_27 = arith.constant 0 : index
    %swap3A_28 = vector.load %arg5[%swap3A_26, %swap3A_27] : memref<2x10000xf32, #tpu.memory_space<vmem>>, vector<2x10000xf32>
    tpu.vector_store %arg5[%swap3A_26, %swap3A_27], %dot_general3A_25 {strides = array<i32>} : memref<2x10000xf32, #tpu.memory_space<vmem>>, vector<2x10000xf32>,
    return
  }
}

module attributes {stable_mosaic.version = 14 : i64} {
  func.func @_post_body(%arg0: memref<2x10000x64xf32, #tpu.memory_space<vmem>>, %arg1: memref<32x10000xf32, #tpu.memory_space<vmem>>, %arg2: memref<10000x128xf32, #tpu.memory_space<vmem>>, %arg3: memref<1x128xf32, #tpu.memory_space<vmem>>, %arg4: memref<10000x128xf32, #tpu.memory_space<vmem>>) attributes {dimension_semantics = [], scalar_prefetch = 0 : i64, scratch_operands = 0 : i64, tpu.core_type = #tpu.core_type<tc>} {
    %get3A = arith.constant 0 : index
    %get3A_0 = arith.constant 0 : index
    %get3A_1 = vector.load %arg1[%get3A, %get3A_0] : memref<32x10000xf32, #tpu.memory_space<vmem>>, vector<32x10000xf32>
    %reduce_sum3A = arith.constant dense<0.000000e+00> : vector<10000xf32>
    %reduce_sum3A_2 = vector.multi_reduction <add>, %get3A_1, %reduce_sum3A [0] : vector<32x10000xf32> to vector<10000xf32>
    %mul3A = arith.constant 5.000000e-01 : f32
    %mul3A_3 = vector.broadcast %mul3A : f32 to vector<10000xf32>
    %mul3A_4 = arith.mulf %reduce_sum3A_2, %mul3A_3 : vector<10000xf32>
    %add3A = arith.constant 1.000000e+00 : f32
    %add3A_5 = vector.broadcast %add3A : f32 to vector<10000xf32>
    %add3A_6 = arith.addf %mul3A_4, %add3A_5 : vector<10000xf32>
    %get3A_7 = arith.constant 0 : index
    %get3A_8 = arith.constant 0 : index
    %get3A_9 = arith.constant 0 : index
    %get3A_10 = vector.load %arg0[%get3A_7, %get3A_8, %get3A_9] : memref<2x10000x64xf32, #tpu.memory_space<vmem>>, vector<1x10000x64xf32>
    %get3A_11 = vector.shape_cast %get3A_10 : vector<1x10000x64xf32> to vector<10000x64xf32>
    %get3A_12 = arith.constant 1 : index
    %get3A_13 = arith.constant 0 : index
    %get3A_14 = arith.constant 0 : index
    %get3A_15 = vector.load %arg0[%get3A_12, %get3A_13, %get3A_14] : memref<2x10000x64xf32, #tpu.memory_space<vmem>>, vector<1x10000x64xf32>
    %get3A_16 = vector.shape_cast %get3A_15 : vector<1x10000x64xf32> to vector<10000x64xf32>
    %concatenate3A = tpu.concatenate %get3A_11, %get3A_16 in 1 : vector<10000x64xf32>, vector<10000x64xf32> -> vector<10000x128xf32>
    %get3A_17 = arith.constant 0 : index
    %get3A_18 = arith.constant 0 : index
    %get3A_19 = vector.load %arg2[%get3A_17, %get3A_18] : memref<10000x128xf32, #tpu.memory_space<vmem>>, vector<10000x128xf32>
    %add3A_20 = arith.addf %concatenate3A, %get3A_19 : vector<10000x128xf32>
    %broadcast_in_dim3A = vector.shape_cast %add3A_6 : vector<10000xf32> to vector<10000x1xf32>
    %div3A = vector.broadcast %broadcast_in_dim3A : vector<10000x1xf32> to vector<10000x128xf32>
    %div3A_21 = arith.divf %add3A_20, %div3A : vector<10000x128xf32>
    %get3A_22 = arith.constant 0 : index
    %get3A_23 = arith.constant 0 : index
    %get3A_24 = vector.load %arg3[%get3A_22, %get3A_23] : memref<1x128xf32, #tpu.memory_space<vmem>>, vector<1x128xf32>
    %add3A_25 = vector.broadcast %get3A_24 : vector<1x128xf32> to vector<10000x128xf32>
    %add3A_26 = arith.addf %div3A_21, %add3A_25 : vector<10000x128xf32>
    %max3A = arith.constant 0.000000e+00 : f32
    %max3A_27 = vector.broadcast %max3A : f32 to vector<10000x128xf32>
    %max3A_28 = arith.maximumf %add3A_26, %max3A_27 : vector<10000x128xf32>
    %swap3A = arith.constant 0 : index
    %swap3A_29 = arith.constant 0 : index
    %swap3A_30 = vector.load %arg4[%swap3A, %swap3A_29] : memref<10000x128xf32, #tpu.memory_space<vmem>>, vector<10000x128xf32>
    tpu.vector_store %arg4[%swap3A, %swap3A_29], %max3A_28 {strides = array<i32>} : memref<10000x128xf32, #tpu.memory_space<vmem>>, vector<10000x128xf32>,
    return
  }
}

</mosaic_0001>

<sc_bundles>
// kernel: kernel.5.cloned.1.call-start
scs
__scs_entry_jumppad:
0x0: {  	(pc) =	sbr.rel $0x88, $3  }
0x1: {  	(tag) =	ssettag $0x0;
	lr =	simm.s32 $0x1  }
0x2: {  	[smem:$0x3F9B] =	sst lr;
	_ =	strace $0xD0000000  }
0x3: {  	_ = 	snop  }
0x4: {  	_ = 	snop  }
0x5: {  	_ = 	snop  }
0x6: {  	_ = 	snop  }
0x7: {  	_ = 	snop  }
__scs_overlays_trampoline_lowered:
0x8: {  	[smem:$0x3FAA] =	sst s0  }
0x9: {  	[smem:$0x3FAB] =	sst s1  }
0xa: {  	[smem:$0x3FAC] =	sst s2  }
0xb: {  	[smem:$0x3FAD] =	sst s3  }
0xc: {  	[smem:$0x3FAE] =	sst s4  }
0xd: {  	[smem:$0x3FAF] =	sst s5  }
0xe: {  	[smem:$0x3FB0] =	sst s6  }
0xf: {  	[smem:$0x3FB1] =	sst s7  }
0x10: {  	[smem:$0x3FB2] =	sst s8  }
0x11: {  	[smem:$0x3FB3] =	sst s9;
	s0 =	simm.s32 @!p0 $0x0  }
0x12: {  	s1 =	sld [smem:$0x3F99];
	s0 =	simm.s32 @p0 $0x1  }
0x13: {  	[smem:$0x3FB4] =	sst s0;
	s0 =	simm.s32 @!p1 $0x0  }
0x14: {  	s2 =	sld [smem:$0x3F98];
	s0 =	simm.s32 @p1 $0x1  }
0x15: {  	[smem:$0x3FB5] =	sst s0;
	s0 =	simm.s32 @!p2 $0x0  }
0x16: {  	s3 =	sld [smem:$0x3FDB];
	s0 =	simm.s32 @p2 $0x1  }
0x17: {  	s4 =	simm.s32 $0x1BF5;
	[smem:$0x3FB7] =	sst s0  }
0x18: {  	s0 =	sld [smem:$0x3F9A];
	_ =	swait.ge [sflag:s4], $0x0  }
0x19: {  	s7 =	sld [smem:$0x3F9B]  }
0x1a: {  	s8 =	sadd.s32 $0xFFFFE003, lr  }
0x1b: {  	s9 =	sadd.s32 $0xFFFFFEF7, lr;
	s5 =	simm.s32 $0xFFFFFFFF;
	p2 =	slt.u32 s8, $0xFFFFF086  }
0x1c: {  	p1 =	slt.u32 s9, $0xF7A;
	s5 =	simm.s32 @!p2 $0x0  }
0x1d: {  	s5 =	simm.s32 @p1 $0x1;
	p0 =	seq.s32 s7, s2  }
0x1e: {  	s7 =	smul.u32 @!p0 $0xF7A, s2;
	p2 =	seq.s32 @!p0 s5, $0x0  }
0x1f: {  	s9 =	smul.u32 $0xF7A, s1;
	s8 =	simm.s32 @!p0 $0x1BF5;
	p2 =	por !p2, p0  }
0x20: {  	[sflag:s8] =	ssyncset.s32 @!p0 $0xFFFFF086;
	s6 =	sadd.s32 @!p0 s3, s7;
	s7 =	simm.s32 @!p0 $0x108  }
0x21: {  	s3 =	sadd.s32 s3, s9;
	s6 =	sadd.s32 @!p0 $0x88, s6;
	s7 =	simm.s32 @p2 $0x1082  }
0x22: {  	[simem:s7], [sflag:s8] =	dma.local @!p0 [hbm:s6], $0xF7A  }
0x23: {  	s9 =	sor.u32 $0xD0000000, s2;
	s6 =	simm.s32 $0x108;
	_ =	swait.ge @!p0 [sflag:s8], $0x0  }
0x24: {  	s3 =	sadd.s32 $0x88, s3;
	s6 =	simm.s32 @!p1 $0x1082;
	[sflag:s4] =	ssyncset.s32 $0xFFFFF086  }
0x25: {  	[simem:s6], [sflag:s4] =	dma.local [hbm:s3], $0xF7A  }
0x26: {  	[smem:$0x3F9B] =	sst s1;
	(tag) =	ssettag s2;
	_ =	strace s9  }
0x27: {  	s1 =	sld [smem:$0x3FAB]  }
0x28: {  	s2 =	sld [smem:$0x3FAC]  }
0x29: {  	s4 =	sld [smem:$0x3FAE]  }
0x2a: {  	p0 =	seq.s32 s5, $0x0;
	s5 =	sld [smem:$0x3FAF]  }
0x2b: {  	s6 =	sld [smem:$0x3FB0]  }
0x2c: {  	s7 =	sld [smem:$0x3FB1]  }
0x2d: {  	s3 =	simm.s32 $0x108;
	s8 =	sld [smem:$0x3FB2]  }
0x2e: {  	s3 =	simm.s32 @!p0 $0x1082;
	s9 =	sld [smem:$0x3FB3]  }
0x2f: {  	lr =	sadd.s32 s0, s3;
	s0 =	sld [smem:$0x3FAA]  }
0x30: {  	s3 =	sld [smem:$0x3FAD]  }
0x31: {  	[smem:$0x3FB6] =	sst s10  }
0x32: {  	s10 =	sld [smem:$0x3FB4];
	_ =	sdelay $0x3  }
0x33: {  	p0 =	seq.s32 s10, $0x1;
	s10 =	sld [smem:$0x3FB6];
	_ =	sdelay $0x3  }
0x34: {  	[smem:$0x3FB6] =	sst s10  }
0x35: {  	s10 =	sld [smem:$0x3FB5];
	_ =	sdelay $0x3  }
0x36: {  	p1 =	seq.s32 s10, $0x1;
	s10 =	sld [smem:$0x3FB6];
	_ =	sdelay $0x3  }
0x37: {  	[smem:$0x3FB6] =	sst s10  }
0x38: {  	s10 =	sld [smem:$0x3FB7]  }
0x39: {  	_ = 	snop;
	(pc) =	sbr.ind lr, $3  }
0x3a: {  	_ = 	snop  }
0x3b: {  	_ = 	snop  }
0x3c: {  	p2 =	seq.s32 s10, $0x1;
	s10 =	sld [smem:$0x3FB6]  }
0x3d: {  	_ =	shalt  }
0x3e: {  	_ =	shalt  }
0x3f: {  	_ =	shalt  }
0x40: {  	_ =	shalt  }
0x41: {  	_ =	shalt  }
0x42: {  	_ =	shalt  }
0x43: {  	_ =	shalt  }
0x44: {  	_ =	shalt  }
0x45: {  	_ =	shalt  }
0x46: {  	_ =	shalt  }
0x47: {  	_ =	shalt  }
0x48: {  	_ =	shalt  }
0x49: {  	_ =	shalt  }
0x4a: {  	_ =	shalt  }
0x4b: {  	_ =	shalt  }
0x4c: {  	_ =	shalt  }
0x4d: {  	_ =	shalt  }
0x4e: {  	_ =	shalt  }
0x4f: {  	_ =	shalt  }
0x50: {  	_ =	shalt  }
0x51: {  	_ =	shalt  }
0x52: {  	_ =	shalt  }
0x53: {  	_ =	shalt  }
0x54: {  	_ =	shalt  }
0x55: {  	_ =	shalt  }
0x56: {  	_ =	shalt  }
0x57: {  	_ =	shalt  }
0x58: {  	_ =	shalt  }
0x59: {  	_ =	shalt  }
0x5a: {  	_ =	shalt  }
0x5b: {  	_ =	shalt  }
0x5c: {  	_ =	shalt  }
0x5d: {  	_ =	shalt  }
0x5e: {  	_ =	shalt  }
0x5f: {  	_ =	shalt  }
0x60: {  	_ =	shalt  }
0x61: {  	_ =	shalt  }
0x62: {  	_ =	shalt  }
0x63: {  	_ =	shalt  }
0x64: {  	_ =	shalt  }
0x65: {  	_ =	shalt  }
0x66: {  	_ =	shalt  }
0x67: {  	_ =	shalt  }
0x68: {  	_ =	shalt  }
0x69: {  	_ =	shalt  }
0x6a: {  	_ =	shalt  }
0x6b: {  	_ =	shalt  }
0x6c: {  	_ =	shalt  }
0x6d: {  	_ =	shalt  }
0x6e: {  	_ =	shalt  }
0x6f: {  	_ =	shalt  }
0x70: {  	_ =	shalt  }
0x71: {  	_ =	shalt  }
0x72: {  	_ =	shalt  }
0x73: {  	_ =	shalt  }
0x74: {  	_ =	shalt  }
0x75: {  	_ =	shalt  }
0x76: {  	_ =	shalt  }
0x77: {  	_ =	shalt  }
0x78: {  	_ =	shalt  }
0x79: {  	_ =	shalt  }
0x7a: {  	_ =	shalt  }
0x7b: {  	_ =	shalt  }
0x7c: {  	_ =	shalt  }
0x7d: {  	_ =	shalt  }
0x7e: {  	_ =	shalt  }
0x7f: {  	_ =	shalt  }
0x80: {  	_ =	shalt  }
0x81: {  	_ =	shalt  }
0x82: {  	_ =	shalt  }
0x83: {  	_ =	shalt  }
0x84: {  	_ =	shalt  }
0x85: {  	_ =	shalt  }
0x86: {  	_ =	shalt  }
0x87: {  	_ =	shalt  }
.Lfunc_end0:
.L_simem_size_0:
called_computation_lowered:
.L_overlay_start_0:
0x88: {  	s2 =	sld [smem:$0x3FD9]  }
0x89: {  	s3 =	sld [smem:$0x3FFE];
	_ =	sdelay $0x1  }
0x8a: {  	s1 =	srdreg.scid  }
0x8b: {  	s0 =	sand.u32 $0x1, s1  }
0x8c: {  	s17 =	sshll.u32 s0, $0xA;
	s2 =	sadd.s32 s3, s2  }
0x8d: {  	s2 =	sadd.s32 s2, s17  }
0x8e: {  	[smem:$0x3FC2] =	sst s2  }
0x8f: {  	_ = 	snop  }
0x90: {  	s2 =	sld [smem:$0x3FD0];
	(tm) =	ssettm $0x1  }
0x91: {  	s18 =	sld [smem:$0x3FFB];
	_ =	sdelay $0x3  }
0x92: {  	_ =	strace s18  }
0x93: {  	s3 =	sld [smem:$0x3FFC];
	_ =	sdelay $0x3  }
0x94: {  	_ =	strace s3  }
0x95: {  	s3 =	sld [smem:$0x3FFD];
	_ =	sdelay $0x3  }
0x96: {  	_ =	strace s3  }
0x97: {  	_ =	strace $0x8FFFFFFF  }
0x98: {  	s19 =	sld [smem:$0x3FDB];
	_ =	sdelay $0x1  }
0x99: {  	s4 =	simm.s32 $_scs_section_size  }
0x9a: {  	s5 =	simm.s32 $_size__tile_overlayer_lowered;
	s6 =	simm.s32 $_tile_overlayer_lowered  }
0x9b: {  	s22 =	simm.s32 $0x1BFF;
	s21 =	sshll.u32 s6, $0x1;
	s3 =	sadd.s32 s4, s19  }
0x9c: {  	s7 =	simm.s32 $0x0;
	s20 =	sshll.u32 s5, $0x1;
	s5 =	sadd.s32 s21, s3  }
0x9d: {  	[timem:s7], [sflag:s22] =	dma.local [hbm:s5], s20  }
0x9e: {  	_ =	swait.ge [sflag:s22], s20  }
0x9f: {  	s4 =	ssub.s32 $0x0, s20;
	[sflag:s22] =	ssyncset.done $0x0  }
0xa0: {  	[sflag:s22] =	ssyncadd.s32 s4;
	_ =	sdelay $0x1  }
0xa1: {  	s23 =	simm.s32 $0x1B8B  }
0xa2: {  	_ =	swait.ge [sflag:s23], $0x1  }
0xa3: {  	[sflag:s23] =	ssyncset.done $0x0  }
0xa4: {  	s25 =	simm.s32 $0x1B8E;
	s24 =	sld [smem:$0x3FFE];
	[sflag:s23] =	ssyncadd.s32 $0xFFFFFFFF  }
0xa5: {  	s26 =	simm.s32 $execute0_lowered;
	[smem:$0x3FD2] =	sst s25  }
0xa6: {  	s5 =	sshll.u32 s26, $0x1;
	_ =	strace $0x80000046;
	[dreg:$0x1] =	wrdreg $0xFFFFFFFF  }
0xa7: {  	s28 =	simm.s32 $_size_execute0_lowered;
	s3 =	sadd.s32 s3, s5;
	[dreg:$0x0] =	wrdreg $0x0  }
0xa8: {  	s5 =	sshll.u32 s28, $0x1;
	[dreg:$0x2] =	wrdreg s3  }
0xa9: {  	[dreg:$0x3] =	wrdreg s5  }
0xaa: {  	[dreg:$0x4] =	wrdreg $0xC0  }
0xab: {  	_ =	task [dreg:s7], $0x5FFFF  }
0xac: {  	[dreg:$0x1] =	wrdreg $0xFFFFFFFF  }
0xad: {  	[dreg:$0x0] =	wrdreg $0x60  }
0xae: {  	[dreg:$0x2] =	wrdreg s2  }
0xaf: {  	[dreg:$0x3] =	wrdreg s24  }
0xb0: {  	[dreg:$0x4] =	wrdreg $0x14DC00  }
0xb1: {  	[dreg:$0x5] =	wrdreg $0x9  }
0xb2: {  	_ =	task.clear_ibuf [dreg:s7], $0x6FFFF;
	_ =	strace $0x90000046  }
0xb3: {  	s29 =	simm.s32 $0x9;
	_ =	strace $0x80000048  }
0xb4: {  	_ =	swait.ge [sflag:s29], $0x1  }
0xb5: {  	[sflag:s29] =	ssyncadd.s32 $0xFFFFFFFF  }
0xb6: {  	_ =	strace $0x90000048  }
0xb7: {  	_ =	sfence  }
0xb8: {  	s30 =	sld [smem:$0x0];
	_ =	sdelay $0x2  }
0xb9: {  	s31 =	sshll.u32 s1, $0xD;
	s1 =	sshrl.u32 s1, $0x2  }
0xba: {  	s3 =	sand.u32 $0x4000, s31;
	s1 =	sadd.s32 s1, s30  }
0xbb: {  	s0 =	sor.u32 s3, s0;
	s1 =	sshll.u32 s1, $0x11  }
0xbc: {  	s0 =	sor.u32 s1, s0  }
0xbd: {  	s0 =	sadd.s32 $0x8F2B, s0  }
0xbe: {  	[sflag:s0] =	ssyncadd.remote.s32 $0x1  }
0xbf: {  	_ =	sfence.sel $0xFFFF  }
0xc0: {  	[dreg:$0x0] =	wrdreg $0xFFFFFFFF;
	(pc) =	sbr.abs _section_cstart, $3  }
0xc1: {  	[dreg:$0x1] =	wrdreg $0xFFFFFFFF  }
0xc2: {  	_ =	task.clear_ibuf [dreg:s7], $0x2FFFF;
	_ =	strace $0x9FFFFFFF  }
0xc3: {  	(tm) =	ssettm $0x7FFFFFFF  }
tec
execute0_lowered:
.L_overlay_start_1:
0x0: {  	(tag) =	ssettag $0x1  }
0x1: {  	s0 =	rddreg [dreg:$0x0]  }
0x2: {  	s1 =	rddreg [dreg:$0x1]  }
0x3: {  	s2 =	rddreg [dreg:$0x2];
	s3 =	srdreg.scid  }
0x4: {  	s9 =	stileid.u32;
	s11 =	simm.s32 $0x0;
	s28 =	simm.s32 $0x4  }
0x5: {  	s29 =	simm.s32 $0x3;
	s30 =	simm.s32 $0x50;
	s31 =	simm.s32 $0x11170  }
0x6: {  	s12 =	simm.s32 $0x2;
	s3 =	sand.u32 $0x1, s3;
	s4 =	smul.u32 $0x9C4, s9  }
0x7: {  	[smem:$0x7FF] =	sst s11;
	s7 =	sadd.s32 $0x800, s1;
	s17 =	smul.u32 $0x9C00, s9  }
0x8: {  	s13 =	sadd.s32 $0x200, s1;
	s18 =	smul.u32 $0x5000, s9;
	s19 =	sor.u32 $0x70, s9  }
0x9: {  	p0 =	seq.s32 s9, $0xF;
	_ =	strace $0x80000047;
	[dreg:$0x4] =	wrdreg s7  }
0xa: {  	s5 =	sshll.u32 s3, $0x4;
	s6 =	smul.u32 $0x13880, s3;
	[dreg:$0x5] =	wrdreg s13  }
0xb: {  	s3 =	ssub.s32 $0x2, s3;
	s20 =	smul.u32 $0x5000, s19;
	p1 =	sgt.u32 s19, $0x7C  }
0xc: {  	s13 =	simm.s32 $0x12970;
	s5 =	sor.u32 s9, s5;
	s4 =	sadd.s32 s4, s1  }
0xd: {  	s15 =	sshrl.u32 s3, $0x1;
	s9 =	simm.s32 $0x12170;
	s5 =	smul.u32 $0x4E2, s5  }
0xe: {  	s14 =	sadd.s32 s6, s1;
	s3 =	ssub.s32 s3, s15;
	s16 =	sadd.s32 $0xAC00, s4  }
0xf: {  	s4 =	sadd.s32 $0xE00, s4;
	s8 =	sadd.s32 s0, s6;
	[dreg:$0x6] =	wrdreg s16  }
0x10: {  	s0 =	sshrl.u32 s18, $0x2;
	[dreg:$0x7] =	wrdreg s4;
	s3 =	smax.u32 s3, $0x1  }
0x11: {  	s6 =	sadd.s32 $0x92400, s2;
	s10 =	sadd.s32 s0, s2;
	[dreg:$0xb] =	wrdreg s3  }
0x12: {  	s15 =	simm.s32 $0x13170;
	s7 =	sadd.s32 $0x14A00, s14;
	[dreg:$0xa] =	wrdreg s10  }
0x13: {  	s4 =	sadd.s32 s17, s2;
	s21 =	sadd.s32 $0x14000, s10;
	[dreg:$0x9] =	wrdreg s7  }
0x14: {  	s0 =	sshrl.u32 s20, $0x2;
	s22 =	sadd.s32 $0x28000, s10;
	[dreg:$0xc] =	wrdreg s21  }
0x15: {  	s20 =	simm.s32 $0x9C40;
	s23 =	sadd.s32 $0x3C000, s10;
	[dreg:$0xd] =	wrdreg s22  }
0x16: {  	s14 =	simm.s32 $0x12D70;
	s24 =	sadd.s32 $0x50000, s10;
	[dreg:$0xe] =	wrdreg s23  }
0x17: {  	s16 =	simm.s32 $0x13570;
	s25 =	sadd.s32 $0x64000, s10;
	[dreg:$0xf] =	wrdreg s24  }
0x18: {  	s1 =	sadd.s32 s5, s1;
	s26 =	sadd.s32 $0x78000, s10;
	[dreg:$0x10] =	wrdreg s25  }
0x19: {  	s0 =	sadd.s32 s0, s2;
	s5 =	simm.s32 $0x11570;
	[dreg:$0x11] =	wrdreg s26  }
0x1a: {  	s1 =	sadd.s32 $0x3BC00, s1;
	[dreg:$0x12] =	wrdreg s0;
	s21 =	simm.s32 $0xC350  }
0x1b: {  	s0 =	sshrl.u32 @p0 s6, $0x3;
	s22 =	simm.s32 $0x1;
	[dreg:$0x8] =	wrdreg s1  }
0x1c: {  	s6 =	simm.s32 $0x11970;
	s1 =	sshrl.u32 s17, $0x3;
	[dreg:$0x13] =	wrdreg s0  }
0x1d: {  	s17 =	simm.s32 $0x0;
	s0 =	sadd.s32 @!p0 s1, s7;
	s1 =	simm.s32 $0xEA60  }
0x1e: {  	s7 =	simm.s32 $0x11D70;
	[dreg:$0x14] =	wrdreg s0;
	s0 =	sshrl.u32 @!p0 s4, $0x3  }
0x1f: {  	v0 =	vimm.f32 $0.0e+00;
	vm0 =	vmmov $0xffff;
	s4 =	simm.s32 $0x13970;
	[dreg:$0x15] =	wrdreg s0;
	s0 =	simm.s32 $0x12570  }
.LBB2_1:
0x20: {  	s3 =	rddreg [dreg:$0x4]  }
0x21: {  	[tilespmem:s20], [sflag:$0x3] =	stream.linear.gather [hbm4b:s3+s11], $0x2710, $0x38;
	[tilespmem:$0x1EA00] =	vst v63  }
0x22: {  	s24 =	rddreg [dreg:$0x5]  }
0x23: {  	[tilespmem:s21], [sflag:$0x3] =	stream.linear.gather [hbm4b:s24+s11], $0x2710, $0x38;
	[tilespmem:$0x1EA00] =	vst v63  }
0x24: {  	s25 =	rddreg [dreg:$0x6]  }
0x25: {  	[tilespmem:s11], [sflag:$0x3] =	stream.linear.gather [hbm4b:s25+s11], $0x4E20, $0x38;
	[tilespmem:$0x1EA00] =	vst v63  }
0x26: {  	s26 =	rddreg [dreg:$0x7];
	s10 =	simm.s32 $0x4E20  }
0x27: {  	[tilespmem:s10], [sflag:$0x3] =	stream.linear.gather [hbm4b:s26+s11], $0x4E20, $0x38;
	[tilespmem:$0x1EA00] =	vst v63  }
0x28: {  	s3 =	simm.s32 $0x0;
	s10 =	simm.s32 $0x100  }
.LBB2_2:
0x29: {  	p2 =	sne.s32 s10, $0x4F00;
	[tilespmem:s3+$0x139F0] =	vst v0;
	s11 =	smov.u32 s10;
	s10 =	sadd.s32 $0x100, s10  }
.Ltmp0:
0x2a: {  	[tilespmem:s3+$0x139E0] =	vst v0;
	(pc) =	sbr.rel @p2 .LBB2_2-.Ltmp0, $3  }
0x2b: {  	[tilespmem:s3+$0x139C0] =	vst v0  }
0x2c: {  	[tilespmem:s3+$0x139D0] =	vst v0;
	_ =	sdelay $0x1  }
0x2d: {  	s3 =	sshra.s32 s11, $0x2  }
0x2e: {  	[tilespmem:s3+$0x139F0] =	vst v0  }
0x2f: {  	[tilespmem:s3+$0x139E0] =	vst v0  }
0x30: {  	[tilespmem:s3+$0x139C0] =	vst v0  }
0x31: {  	[tilespmem:s3+$0x139D0] =	vst v0;
	s11 =	rddreg [dreg:$0xa];
	s10 =	simm.s32 $0x139C0  }
0x32: {  	[spmem:s11] =	stream.linear.scatter [tilespmem:s10], [sflag:$0x4], $0x1400, $0x38;
	[tilespmem:$0x1EA00] =	vst v63  }
0x33: {  	_ =	swait.ge [sflag:s28], $0x1400  }
0x34: {  	[sflag:s28] =	ssyncset.done $0x0  }
0x35: {  	s18 =	rddreg [dreg:$0xc];
	[sflag:s28] =	ssyncadd.s32 $0xFFFFEC00  }
0x36: {  	[spmem:s18] =	stream.linear.scatter [tilespmem:s10], [sflag:$0x4], $0x1400, $0x38;
	[tilespmem:$0x1EA00] =	vst v63  }
0x37: {  	_ =	swait.ge [sflag:s28], $0x1400  }
0x38: {  	[sflag:s28] =	ssyncset.done $0x0  }
0x39: {  	s19 =	rddreg [dreg:$0xd];
	[sflag:s28] =	ssyncadd.s32 $0xFFFFEC00  }
0x3a: {  	[spmem:s19] =	stream.linear.scatter [tilespmem:s10], [sflag:$0x4], $0x1400, $0x38;
	[tilespmem:$0x1EA00] =	vst v63  }
0x3b: {  	_ =	swait.ge [sflag:s28], $0x1400  }
0x3c: {  	[sflag:s28] =	ssyncset.done $0x0  }
0x3d: {  	s23 =	rddreg [dreg:$0xe];
	[sflag:s28] =	ssyncadd.s32 $0xFFFFEC00  }
0x3e: {  	[spmem:s23] =	stream.linear.scatter [tilespmem:s10], [sflag:$0x4], $0x1400, $0x38;
	[tilespmem:$0x1EA00] =	vst v63  }
0x3f: {  	_ =	swait.ge [sflag:s28], $0x1400  }
0x40: {  	[sflag:s28] =	ssyncset.done $0x0  }
0x41: {  	s24 =	rddreg [dreg:$0xf];
	[sflag:s28] =	ssyncadd.s32 $0xFFFFEC00  }
0x42: {  	[spmem:s24] =	stream.linear.scatter [tilespmem:s10], [sflag:$0x4], $0x1400, $0x38;
	[tilespmem:$0x1EA00] =	vst v63  }
0x43: {  	_ =	swait.ge [sflag:s28], $0x1400  }
0x44: {  	[sflag:s28] =	ssyncset.done $0x0  }
0x45: {  	s25 =	rddreg [dreg:$0x10];
	[sflag:s28] =	ssyncadd.s32 $0xFFFFEC00  }
0x46: {  	[spmem:s25] =	stream.linear.scatter [tilespmem:s10], [sflag:$0x4], $0x1400, $0x38;
	[tilespmem:$0x1EA00] =	vst v63  }
0x47: {  	_ =	swait.ge [sflag:s28], $0x1400  }
0x48: {  	[sflag:s28] =	ssyncset.done $0x0  }
0x49: {  	s26 =	rddreg [dreg:$0x11];
	[sflag:s28] =	ssyncadd.s32 $0xFFFFEC00  }
0x4a: {  	[spmem:s26] =	stream.linear.scatter [tilespmem:s10], [sflag:$0x4], $0x1400, $0x38;
	[tilespmem:$0x1EA00] =	vst v63  }
0x4b: {  	_ =	swait.ge [sflag:s28], $0x1400  }
0x4c: {  	[sflag:s28] =	ssyncset.done $0x0  }
0x4d: {  	s3 =	simm.s32 @!p1 $0x139C0;
	s10 =	rddreg [dreg:$0x12];
	[sflag:s28] =	ssyncadd.s32 $0xFFFFEC00  }
0x4e: {  	[spmem:s10] =	stream.linear.scatter @!p1 [tilespmem:s3], [sflag:$0x4], $0x1400, $0x38;
	[tilespmem:$0x1EA00] =	vst v63  }
0x4f: {  	s3 =	simm.s32 @!p1 $0x4  }
0x50: {  	_ =	swait.ge @!p1 [sflag:s3], $0x1400  }
0x51: {  	[sflag:s3] =	ssyncset.done @!p1 $0x0  }
0x52: {  	s10 =	simm.s32 $0x0;
	[sflag:s3] =	ssyncadd.s32 @!p1 $0xFFFFEC00;
	s3 =	simm.s32 $0x40  }
.LBB2_4:
0x53: {  	p2 =	sne.s32 s3, $0x9C00;
	[tilespmem:s10+$0xEA60] =	vst v0;
	s10 =	smov.u32 s3;
	s3 =	sadd.s32 $0x40, s3  }
.Ltmp1:
0x54: {  	(pc) =	sbr.rel @p2 .LBB2_4-.Ltmp1, $2  }
0x55: {  	_ =	sdelay $0x2  }
0x56: {  	s10 =	sshra.s32 s10, $0x2  }
0x57: {  	[tilespmem:s10+$0xEA60] =	vst v0  }
0x58: {  	_ =	swait.ge [sflag:s29], $0x2710  }
0x59: {  	[sflag:s29] =	ssyncset.done $0x0  }
0x5a: {  	[sflag:s29] =	ssyncadd.s32 $0xFFFFD8F0  }
0x5b: {  	_ =	swait.ge [sflag:s29], $0x2710  }
0x5c: {  	[sflag:s29] =	ssyncset.done $0x0  }
0x5d: {  	[sflag:s29] =	ssyncadd.s32 $0xFFFFD8F0  }
0x5e: {  	_ =	swait.ge [sflag:s29], $0x4E20  }
0x5f: {  	[sflag:s29] =	ssyncset.done $0x0  }
0x60: {  	[sflag:s29] =	ssyncadd.s32 $0xFFFFB1E0  }
0x61: {  	_ =	swait.ge [sflag:s29], $0x4E20  }
0x62: {  	[sflag:s29] =	ssyncset.done $0x0  }
0x63: {  	[sflag:s29] =	ssyncadd.s32 $0xFFFFB1E0  }
0x64: {  	s18 =	simm.s32 $0x0;
	[bflag:$0x0] =	sbarrier.arrive $0xFFFF  }
0x65: {  	[tilespmem:s31], [sflag:$0x1] =	stream.indirect.gather [hbm4b:s8+s30], $0x40, s18, s30, $0xb8;
	[tilespmem:$0x1EA00] =	vst v63  }
0x66: {  	s19 =	simm.s32 $0x0  }
0x67: {  	[tilespmem:s0], [sflag:$0x2] =	stream.indirect.gather [hbm4b:s8+s30], $0x40, s30, s30, $0xb8;
	[tilespmem:$0x1EA00] =	vst v63  }
.LBB2_6:
0x68: {  	_ =	swait.ge [sflag:s22], $0x1400  }
0x69: {  	s23 =	smul.u32 $0xA0, s19;
	[sflag:s22] =	ssyncset.done $0x0  }
0x6a: {  	[sflag:s22] =	ssyncadd.s32 $0xFFFFEC00  }
0x6b: {  	v2 =	vld [tilespmem:s23+$0x0]  }
0x6c: {  	v1 =	vld [tilespmem:s23+$0x4E20];
	_ =	sdelay $0x6  }
0x6d: {  	v2 =	vld.idx.msk [tilespmem:v2+s20+$0x0], $0xffff  }
0x6e: {  	v3 =	vld.idx.msk [tilespmem:v1+s21+$0x0], $0xffff  }
0x6f: {  	v4 =	vld.idx.msk [tilespmem:v1+s20+$0x0], $0xffff;
	_ =	sdelay $0x4  }
0x70: {  	v2 =	vadd.f32 v3, v2;
	v3 =	vadd.f32 v4, v3;
	_ =	sdelay $0x1  }
0x71: {  	v4 =	vmul.f32 $2.000000030e-01, v2;
	v5 =	vmul.f32 $2.000000030e-01, v3;
	_ =	sdelay $0x1  }
0x72: {  	v2 =	vmax.f32 v2, v4;
	v3 =	vmax.f32 v3, v5  }
0x73: {  	v2 =	vsub.f32 v2, v3;
	_ =	sdelay $0x1  }
0x74: {  	v2 =	vmul.f32 $1.442695020e+00, v2;
	_ =	sdelay $0x1  }
0x75: {  	(erf) = vpow2.f32 v2;
	_ =	sdelay $0x8  }
0x76: {  	v2 =	vpop (erf)  }
0x77: {  	[tilespmem:v1+s1+$0x0] =	vst.idx.add.f32.msk $0xffff, v2  }
0x78: {  	[tilespmem:$0x13970] =	vst v2  }
0x79: {  	v3 =	vld [tilespmem:s23+$0x10]  }
0x7a: {  	v2 =	vld [tilespmem:s23+$0x4E30];
	_ =	sdelay $0x6  }
0x7b: {  	v3 =	vld.idx.msk [tilespmem:v3+s20+$0x0], $0xffff  }
0x7c: {  	v4 =	vld.idx.msk [tilespmem:v2+s21+$0x0], $0xffff  }
0x7d: {  	v5 =	vld.idx.msk [tilespmem:v2+s20+$0x0], $0xffff;
	_ =	sdelay $0x4  }
0x7e: {  	v3 =	vadd.f32 v4, v3;
	v4 =	vadd.f32 v5, v4;
	_ =	sdelay $0x1  }
0x7f: {  	v5 =	vmul.f32 $2.000000030e-01, v3;
	v6 =	vmul.f32 $2.000000030e-01, v4;
	_ =	sdelay $0x1  }
0x80: {  	v3 =	vmax.f32 v3, v5;
	v4 =	vmax.f32 v4, v6  }
0x81: {  	v3 =	vsub.f32 v3, v4;
	_ =	sdelay $0x1  }
0x82: {  	v3 =	vmul.f32 $1.442695020e+00, v3;
	_ =	sdelay $0x1  }
0x83: {  	(erf) = vpow2.f32 v3;
	_ =	sdelay $0x8  }
0x84: {  	v3 =	vpop (erf)  }
0x85: {  	[tilespmem:v2+s1+$0x0] =	vst.idx.add.f32.msk $0xffff, v3  }
0x86: {  	[tilespmem:$0x13980] =	vst v3  }
0x87: {  	v4 =	vld [tilespmem:s23+$0x20]  }
0x88: {  	v3 =	vld [tilespmem:s23+$0x4E40];
	_ =	sdelay $0x6  }
0x89: {  	v4 =	vld.idx.msk [tilespmem:v4+s20+$0x0], $0xffff  }
0x8a: {  	v5 =	vld.idx.msk [tilespmem:v3+s21+$0x0], $0xffff  }
0x8b: {  	v6 =	vld.idx.msk [tilespmem:v3+s20+$0x0], $0xffff;
	_ =	sdelay $0x4  }
0x8c: {  	v4 =	vadd.f32 v5, v4;
	v5 =	vadd.f32 v6, v5;
	_ =	sdelay $0x1  }
0x8d: {  	v6 =	vmul.f32 $2.000000030e-01, v4;
	v7 =	vmul.f32 $2.000000030e-01, v5;
	_ =	sdelay $0x1  }
0x8e: {  	v4 =	vmax.f32 v4, v6;
	v5 =	vmax.f32 v5, v7  }
0x8f: {  	v4 =	vsub.f32 v4, v5;
	_ =	sdelay $0x1  }
0x90: {  	v4 =	vmul.f32 $1.442695020e+00, v4;
	_ =	sdelay $0x1  }
0x91: {  	(erf) = vpow2.f32 v4;
	_ =	sdelay $0x8  }
0x92: {  	v4 =	vpop (erf)  }
0x93: {  	[tilespmem:v3+s1+$0x0] =	vst.idx.add.f32.msk $0xffff, v4  }
0x94: {  	[tilespmem:$0x13990] =	vst v4  }
0x95: {  	v5 =	vld [tilespmem:s23+$0x30]  }
0x96: {  	v4 =	vld [tilespmem:s23+$0x4E50];
	_ =	sdelay $0x6  }
0x97: {  	v5 =	vld.idx.msk [tilespmem:v5+s20+$0x0], $0xffff  }
0x98: {  	v6 =	vld.idx.msk [tilespmem:v4+s21+$0x0], $0xffff  }
0x99: {  	v7 =	vld.idx.msk [tilespmem:v4+s20+$0x0], $0xffff;
	_ =	sdelay $0x4  }
0x9a: {  	v5 =	vadd.f32 v6, v5;
	v6 =	vadd.f32 v7, v6;
	_ =	sdelay $0x1  }
0x9b: {  	v7 =	vmul.f32 $2.000000030e-01, v5;
	v8 =	vmul.f32 $2.000000030e-01, v6;
	_ =	sdelay $0x1  }
0x9c: {  	v5 =	vmax.f32 v5, v7;
	v6 =	vmax.f32 v6, v8  }
0x9d: {  	v5 =	vsub.f32 v5, v6;
	_ =	sdelay $0x1  }
0x9e: {  	v5 =	vmul.f32 $1.442695020e+00, v5;
	_ =	sdelay $0x1  }
0x9f: {  	(erf) = vpow2.f32 v5;
	_ =	sdelay $0x8  }
0xa0: {  	v5 =	vpop (erf)  }
0xa1: {  	[tilespmem:v4+s1+$0x0] =	vst.idx.add.f32.msk $0xffff, v5  }
0xa2: {  	[tilespmem:$0x139A0] =	vst v5  }
0xa3: {  	v6 =	vld [tilespmem:s23+$0x40]  }
0xa4: {  	v5 =	vld [tilespmem:s23+$0x4E60];
	_ =	sdelay $0x6  }
0xa5: {  	v6 =	vld.idx.msk [tilespmem:v6+s20+$0x0], $0xffff  }
0xa6: {  	v7 =	vld.idx.msk [tilespmem:v5+s21+$0x0], $0xffff  }
0xa7: {  	v8 =	vld.idx.msk [tilespmem:v5+s20+$0x0], $0xffff;
	_ =	sdelay $0x4  }
0xa8: {  	v6 =	vadd.f32 v7, v6;
	v7 =	vadd.f32 v8, v7;
	_ =	sdelay $0x1  }
0xa9: {  	v8 =	vmul.f32 $2.000000030e-01, v6;
	v9 =	vmul.f32 $2.000000030e-01, v7;
	_ =	sdelay $0x1  }
0xaa: {  	v6 =	vmax.f32 v6, v8;
	v7 =	vmax.f32 v7, v9  }
0xab: {  	v6 =	vsub.f32 v6, v7;
	_ =	sdelay $0x1  }
0xac: {  	v6 =	vmul.f32 $1.442695020e+00, v6;
	_ =	sdelay $0x1  }
0xad: {  	(erf) = vpow2.f32 v6;
	_ =	sdelay $0x3  }
0xae: {  	v6 =	vmov s18  }
0xaf: {  	v6 =	vand.u32 $0xFFFFFFFC, v6  }
0xb0: {  	v6 =	vbroadcast v6, $0x0;
	_ =	sdelay $0x2  }
0xb1: {  	v7 =	vpop (erf)  }
0xb2: {  	[tilespmem:v5+s1+$0x0] =	vst.idx.add.f32.msk $0xffff, v7  }
0xb3: {  	[tilespmem:$0x139B0] =	vst v7  }
0xb4: {  	s25 =	simm.s32 $0x111F0;
	v6 =	vld.idx.msk [tilespmem:v6+s4+$0x0], $0xffff  }
0xb5: {  	v7 =	vld [tilespmem:s25+$0xFFFFFF80]  }
0xb6: {  	v8 =	vld [tilespmem:s25+$0xFFFFFFA0]  }
0xb7: {  	s3 =	simm.s32 $0x1;
	v9 =	vld [tilespmem:s25+$0xFFFFFF90]  }
0xb8: {  	v10 =	vmov s3;
	v11 =	vld [tilespmem:s25+$0xFFFFFFB0]  }
0xb9: {  	v10 =	vand.u32 $0xFFFFFFFD, v10  }
0xba: {  	v10 =	vbroadcast v10, $0x0;
	v7 =	vmul.f32 v7, v6  }
0xbb: {  	v8 =	vmul.f32 v8, v6  }
0xbc: {  	[tilespmem:s25+$0xFFFFFF80] =	vst v7;
	v7 =	vmul.f32 v9, v6  }
0xbd: {  	s24 =	simm.s32 $0x112F0;
	[tilespmem:s25+$0xFFFFFFA0] =	vst v8;
	v8 =	vmul.f32 v11, v6  }
0xbe: {  	v6 =	vld [tilespmem:s24+$0xFFFFFFA0];
	[tilespmem:s25+$0xFFFFFF90] =	vst v7  }
0xbf: {  	v7 =	vld [tilespmem:s25+$0xFFFFFFF0];
	[tilespmem:s25+$0xFFFFFFB0] =	vst v8  }
0xc0: {  	v8 =	vld.idx.msk [tilespmem:v10+s4+$0x0], $0xffff  }
0xc1: {  	v9 =	vld [tilespmem:s25+$0xFFFFFFD0]  }
0xc2: {  	s26 =	simm.s32 $0x2;
	v10 =	vld [tilespmem:s25+$0xFFFFFFC0]  }
0xc3: {  	v12 =	vld [tilespmem:s25+$0xFFFFFFE0];
	v11 =	vmov s26  }
0xc4: {  	v11 =	vand.u32 $0xFFFFFFFE, v11  }
0xc5: {  	v11 =	vbroadcast v11, $0x0;
	v7 =	vmul.f32 v7, v8  }
0xc6: {  	v9 =	vmul.f32 v9, v8  }
0xc7: {  	v10 =	vmul.f32 v10, v8;
	[tilespmem:s25+$0xFFFFFFF0] =	vst v7  }
0xc8: {  	v8 =	vmul.f32 v12, v8;
	[tilespmem:s25+$0xFFFFFFD0] =	vst v9  }
0xc9: {  	v7 =	vld [tilespmem:s24+$0xFFFFFF90];
	[tilespmem:s25+$0xFFFFFFC0] =	vst v10  }
0xca: {  	v9 =	vld [tilespmem:s25+$0x0];
	[tilespmem:s25+$0xFFFFFFE0] =	vst v8  }
0xcb: {  	v8 =	vld.idx.msk [tilespmem:v11+s4+$0x0], $0xffff  }
0xcc: {  	v10 =	vld [tilespmem:s25+$0x10]  }
0xcd: {  	v11 =	vld [tilespmem:s25+$0x30]  }
0xce: {  	v60 =	vld [tilespmem:s25+$0x20];
	_ =	sdelay $0x1  }
0xcf: {  	s10 =	simm.s32 $0x3;
	v9 =	vmul.f32 v9, v8  }
0xd0: {  	v13 =	vmov s10;
	v10 =	vmul.f32 v10, v8  }
0xd1: {  	v11 =	vmul.f32 v11, v8;
	[tilespmem:s25+$0x0] =	vst v9  }
0xd2: {  	v8 =	vmul.f32 v60, v8;
	[tilespmem:s25+$0x10] =	vst v10  }
0xd3: {  	[tilespmem:s25+$0x30] =	vst v11;
	v9 =	vld [tilespmem:s25+$0x40]  }
0xd4: {  	[tilespmem:s25+$0x20] =	vst v8;
	v8 =	vld [tilespmem:s25+$0x50]  }
0xd5: {  	v11 =	vld.idx.msk [tilespmem:v13+s4+$0x0], $0xffff  }
0xd6: {  	v10 =	vld [tilespmem:s25+$0x70];
	_ =	sdelay $0x1  }
0xd7: {  	s10 =	simm.s32 $0x4;
	v61 =	vld [tilespmem:s25+$0x60]  }
0xd8: {  	v62 =	vmov s10  }
0xd9: {  	v13 =	vand.u32 $0xFFFFFFFC, v62;
	v9 =	vmul.f32 v9, v11;
	v15 =	vmul.f32 v8, v11  }
0xda: {  	s11 =	simm.s32 $0x5;
	s26 =	simm.s32 $0x6;
	v16 =	vmul.f32 v10, v11;
	v10 =	vbroadcast v13, $0x0  }
0xdb: {  	v14 =	vmov s11;
	v63 =	vmov s26;
	[tilespmem:s25+$0x40] =	vst v9  }
0xdc: {  	v8 =	vand.u32 $0xFFFFFFFD, v14;
	v11 =	vmul.f32 v61, v11;
	v9 =	vand.u32 $0xFFFFFFFE, v63;
	[tilespmem:s25+$0x50] =	vst v15  }
0xdd: {  	s11 =	simm.s32 $0x8;
	v8 =	vbroadcast v8, $0x0;
	[tilespmem:s25+$0x70] =	vst v16;
	v9 =	vbroadcast v9, $0x0  }
.LBB2_7:
0xde: {  	p2 =	slt.u32 s11, $0x4C;
	s3 =	smov.u32 s11  }
0xdf: {  	[tilespmem:s25+$0x60] =	vst v11;
	s11 =	sadd.s32 $0x4, s11;
	s25 =	smov.u32 s24;
	s24 =	sadd.s32 $0x100, s24  }
0xe0: {  	v11 =	vld.idx.msk [tilespmem:v10+s4+$0x0], $0xffff  }
0xe1: {  	v12 =	vld [tilespmem:s25+$0xFFFFFF80];
	_ =	sdelay $0x1  }
0xe2: {  	v13 =	vld [tilespmem:s25+$0xFFFFFFB0]  }
0xe3: {  	v10 =	vmov s3  }
0xe4: {  	v10 =	vand.u32 $0xFFFFFFFC, v10  }
0xe5: {  	v10 =	vbroadcast v10, $0x0;
	v12 =	vmul.f32 v12, v11  }
0xe6: {  	v7 =	vmul.f32 v7, v11;
	v6 =	vmul.f32 v6, v11  }
0xe7: {  	[tilespmem:s25+$0xFFFFFF80] =	vst v12;
	v11 =	vmul.f32 v13, v11  }
0xe8: {  	[tilespmem:s25+$0xFFFFFFA0] =	vst v6;
	v12 =	vld [tilespmem:s25+$0xFFFFFFF0]  }
0xe9: {  	v6 =	vld [tilespmem:s24+$0xFFFFFFA0];
	[tilespmem:s25+$0xFFFFFF90] =	vst v7  }
0xea: {  	[tilespmem:s25+$0xFFFFFFB0] =	vst v11;
	v11 =	vld [tilespmem:s25+$0xFFFFFFC0]  }
0xeb: {  	v13 =	vld.idx.msk [tilespmem:v8+s4+$0x0], $0xffff  }
0xec: {  	v14 =	vld [tilespmem:s25+$0xFFFFFFD0]  }
0xed: {  	v15 =	vld [tilespmem:s25+$0xFFFFFFE0]  }
0xee: {  	s26 =	sadd.s32 $0x1, s3;
	v7 =	vld [tilespmem:s24+$0xFFFFFF90]  }
0xef: {  	v8 =	vmov s26  }
0xf0: {  	v8 =	vand.u32 $0xFFFFFFFD, v8  }
0xf1: {  	v8 =	vbroadcast v8, $0x0;
	v12 =	vmul.f32 v12, v13  }
0xf2: {  	v14 =	vmul.f32 v14, v13;
	v15 =	vmul.f32 v15, v13  }
0xf3: {  	v11 =	vmul.f32 v11, v13;
	[tilespmem:s25+$0xFFFFFFF0] =	vst v12  }
0xf4: {  	[tilespmem:s25+$0xFFFFFFD0] =	vst v14  }
0xf5: {  	[tilespmem:s25+$0xFFFFFFC0] =	vst v11;
	v11 =	vld [tilespmem:s25+$0x0]  }
0xf6: {  	[tilespmem:s25+$0xFFFFFFE0] =	vst v15;
	v12 =	vld [tilespmem:s25+$0x30]  }
0xf7: {  	v9 =	vld.idx.msk [tilespmem:v9+s4+$0x0], $0xffff  }
0xf8: {  	v13 =	vld [tilespmem:s25+$0x10]  }
0xf9: {  	v14 =	vld [tilespmem:s25+$0x20];
	_ =	sdelay $0x3  }
0xfa: {  	s26 =	sadd.s32 $0x3, s10;
	s10 =	smov.u32 s3;
	v11 =	vmul.f32 v11, v9;
	v13 =	vmul.f32 v13, v9  }
0xfb: {  	s3 =	sadd.s32 $0x2, s10;
	v14 =	vmul.f32 v14, v9;
	v9 =	vmul.f32 v12, v9;
	v12 =	vmov s26  }
0xfc: {  	v15 =	vmov s3;
	[tilespmem:s25+$0x0] =	vst v11  }
0xfd: {  	v11 =	vand.u32 $0xFFFFFFFE, v15;
	[tilespmem:s25+$0x10] =	vst v13  }
0xfe: {  	[tilespmem:s25+$0x30] =	vst v9;
	v13 =	vld [tilespmem:s25+$0x40]  }
0xff: {  	v9 =	vbroadcast v11, $0x0;
	[tilespmem:s25+$0x20] =	vst v14;
	v14 =	vld [tilespmem:s25+$0x70]  }
0x100: {  	v12 =	vld.idx.msk [tilespmem:v12+s4+$0x0], $0xffff  }
0x101: {  	v11 =	vld [tilespmem:s25+$0x50]  }
0x102: {  	v15 =	vld [tilespmem:s25+$0x60];
	_ =	sdelay $0x3  }
.Ltmp2:
0x103: {  	v13 =	vmul.f32 v13, v12;
	v16 =	vmul.f32 v11, v12;
	(pc) =	sbr.rel @p2 .LBB2_7-.Ltmp2, $4  }
0x104: {  	v11 =	vmul.f32 v15, v12;
	v12 =	vmul.f32 v14, v12  }
0x105: {  	[tilespmem:s25+$0x40] =	vst v13  }
0x106: {  	[tilespmem:s25+$0x50] =	vst v16  }
0x107: {  	[tilespmem:s25+$0x70] =	vst v12  }
0x108: {  	_ =	sdelay $0x2  }
0x109: {  	[tilespmem:s25+$0x60] =	vst v11;
	v11 =	vld [tilespmem:s24+$0xFFFFFF80]  }
0x10a: {  	v10 =	vld.idx.msk [tilespmem:v10+s4+$0x0], $0xffff;
	_ =	sdelay $0x2  }
0x10b: {  	v12 =	vld [tilespmem:s24+$0xFFFFFFB0];
	_ =	sdelay $0x1  }
0x10c: {  	v11 =	vmul.f32 v11, v10  }
0x10d: {  	v6 =	vmul.f32 v6, v10  }
0x10e: {  	v7 =	vmul.f32 v7, v10;
	[tilespmem:s24+$0xFFFFFF80] =	vst v11  }
0x10f: {  	v10 =	vmul.f32 v12, v10;
	[tilespmem:s24+$0xFFFFFFA0] =	vst v6  }
0x110: {  	[tilespmem:s24+$0xFFFFFF90] =	vst v7  }
0x111: {  	v6 =	vld [tilespmem:s24+$0xFFFFFFF0];
	[tilespmem:s24+$0xFFFFFFB0] =	vst v10  }
0x112: {  	v7 =	vld.idx.msk [tilespmem:v8+s4+$0x0], $0xffff  }
0x113: {  	v8 =	vld [tilespmem:s24+$0xFFFFFFD0]  }
0x114: {  	v10 =	vld [tilespmem:s24+$0xFFFFFFC0]  }
0x115: {  	v11 =	vld [tilespmem:s24+$0xFFFFFFE0];
	_ =	sdelay $0x1  }
0x116: {  	v6 =	vmul.f32 v6, v7  }
0x117: {  	v8 =	vmul.f32 v8, v7  }
0x118: {  	v10 =	vmul.f32 v10, v7;
	[tilespmem:s24+$0xFFFFFFF0] =	vst v6  }
0x119: {  	v6 =	vmul.f32 v11, v7;
	[tilespmem:s24+$0xFFFFFFD0] =	vst v8  }
0x11a: {  	[tilespmem:s24+$0xFFFFFFC0] =	vst v10  }
0x11b: {  	v7 =	vld [tilespmem:s24+$0x0];
	[tilespmem:s24+$0xFFFFFFE0] =	vst v6  }
0x11c: {  	v6 =	vld.idx.msk [tilespmem:v9+s4+$0x0], $0xffff  }
0x11d: {  	v8 =	vld [tilespmem:s24+$0x10]  }
0x11e: {  	v9 =	vld [tilespmem:s24+$0x30]  }
0x11f: {  	v10 =	vld [tilespmem:s24+$0x20];
	_ =	sdelay $0x1  }
0x120: {  	s3 =	sadd.s32 $0x3, s10;
	v7 =	vmul.f32 v7, v6  }
0x121: {  	v11 =	vmov s3;
	v8 =	vmul.f32 v8, v6  }
0x122: {  	v9 =	vmul.f32 v9, v6;
	[tilespmem:s24+$0x0] =	vst v7  }
0x123: {  	v6 =	vmul.f32 v10, v6;
	[tilespmem:s24+$0x10] =	vst v8  }
0x124: {  	[tilespmem:s24+$0x30] =	vst v9  }
0x125: {  	v7 =	vld [tilespmem:s24+$0x40];
	[tilespmem:s24+$0x20] =	vst v6  }
0x126: {  	v6 =	vld.idx.msk [tilespmem:v11+s4+$0x0], $0xffff  }
0x127: {  	v8 =	vld [tilespmem:s24+$0x50]  }
0x128: {  	v9 =	vld [tilespmem:s24+$0x70]  }
0x129: {  	v10 =	vld [tilespmem:s24+$0x60];
	_ =	sdelay $0x1  }
0x12a: {  	v7 =	vmul.f32 v7, v6  }
0x12b: {  	v8 =	vmul.f32 v8, v6  }
0x12c: {  	v9 =	vmul.f32 v9, v6;
	[tilespmem:s24+$0x40] =	vst v7  }
0x12d: {  	v6 =	vmul.f32 v10, v6;
	[tilespmem:s24+$0x50] =	vst v8  }
0x12e: {  	[tilespmem:s24+$0x70] =	vst v9  }
0x12f: {  	[tilespmem:s24+$0x60] =	vst v6  }
0x130: {  	[spmem:s2] =	stream.indirect_vreg.scatter.add.f32 [tilespmem:s31], [sflag:$0x3], $0x40, v1, vm0, $0xb8;
	[tilespmem:$0x1EA00] =	vst v63  }
0x131: {  	_ = 	snop  }
0x132: {  	[spmem:s2] =	stream.indirect_vreg.scatter.add.f32 [tilespmem:s5], [sflag:$0x3], $0x40, v2, vm0, $0xb8;
	[tilespmem:$0x1EA00] =	vst v63  }
0x133: {  	_ = 	snop  }
0x134: {  	[spmem:s2] =	stream.indirect_vreg.scatter.add.f32 [tilespmem:s6], [sflag:$0x3], $0x40, v3, vm0, $0xb8;
	[tilespmem:$0x1EA00] =	vst v63  }
0x135: {  	_ = 	snop  }
0x136: {  	[spmem:s2] =	stream.indirect_vreg.scatter.add.f32 [tilespmem:s7], [sflag:$0x3], $0x40, v4, vm0, $0xb8;
	[tilespmem:$0x1EA00] =	vst v63  }
0x137: {  	_ = 	snop  }
0x138: {  	[spmem:s2] =	stream.indirect_vreg.scatter.add.f32 [tilespmem:s9], [sflag:$0x3], $0x40, v5, vm0, $0xb8;
	[tilespmem:$0x1EA00] =	vst v63  }
0x139: {  	_ =	swait.ge [sflag:s29], $0x400  }
0x13a: {  	[sflag:s29] =	ssyncset.done $0x0  }
0x13b: {  	[sflag:s29] =	ssyncadd.s32 $0xFFFFFC00  }
0x13c: {  	_ =	swait.ge [sflag:s29], $0x400  }
0x13d: {  	[sflag:s29] =	ssyncset.done $0x0  }
0x13e: {  	[sflag:s29] =	ssyncadd.s32 $0xFFFFFC00  }
0x13f: {  	_ =	swait.ge [sflag:s29], $0x400  }
0x140: {  	[sflag:s29] =	ssyncset.done $0x0  }
0x141: {  	[sflag:s29] =	ssyncadd.s32 $0xFFFFFC00  }
0x142: {  	_ =	swait.ge [sflag:s29], $0x400  }
0x143: {  	[sflag:s29] =	ssyncset.done $0x0  }
0x144: {  	s10 =	smul.u32 $0x280, s19;
	[sflag:s29] =	ssyncadd.s32 $0xFFFFFC00  }
0x145: {  	_ =	swait.ge [sflag:s29], $0x400  }
0x146: {  	s24 =	sshra.s32 s10, $0x2;
	[sflag:s29] =	ssyncset.done $0x0  }
0x147: {  	s3 =	sadd.s32 $0xA0, s24;
	[sflag:s29] =	ssyncadd.s32 $0xFFFFFC00  }
0x148: {  	[tilespmem:s31], [sflag:$0x1] =	stream.indirect.gather [hbm4b:s8+s30], $0x40, s3, s30, $0xb8;
	[tilespmem:$0x1EA00] =	vst v63  }
0x149: {  	_ =	swait.ge [sflag:s12], $0x1400  }
0x14a: {  	[sflag:s12] =	ssyncset.done $0x0  }
0x14b: {  	[sflag:s12] =	ssyncadd.s32 $0xFFFFEC00  }
0x14c: {  	v2 =	vld [tilespmem:s23+$0x50]  }
0x14d: {  	v1 =	vld [tilespmem:s23+$0x4E70];
	_ =	sdelay $0x6  }
0x14e: {  	v2 =	vld.idx.msk [tilespmem:v2+s20+$0x0], $0xffff  }
0x14f: {  	v3 =	vld.idx.msk [tilespmem:v1+s21+$0x0], $0xffff  }
0x150: {  	v4 =	vld.idx.msk [tilespmem:v1+s20+$0x0], $0xffff;
	_ =	sdelay $0x4  }
0x151: {  	v2 =	vadd.f32 v3, v2;
	v3 =	vadd.f32 v4, v3;
	_ =	sdelay $0x1  }
0x152: {  	v4 =	vmul.f32 $2.000000030e-01, v2;
	v5 =	vmul.f32 $2.000000030e-01, v3;
	_ =	sdelay $0x1  }
0x153: {  	v2 =	vmax.f32 v2, v4;
	v3 =	vmax.f32 v3, v5  }
0x154: {  	v2 =	vsub.f32 v2, v3;
	_ =	sdelay $0x1  }
0x155: {  	v2 =	vmul.f32 $1.442695020e+00, v2;
	_ =	sdelay $0x1  }
0x156: {  	(erf) = vpow2.f32 v2;
	_ =	sdelay $0x8  }
0x157: {  	v2 =	vpop (erf)  }
0x158: {  	[tilespmem:v1+s1+$0x0] =	vst.idx.add.f32.msk $0xffff, v2  }
0x159: {  	[tilespmem:$0x13970] =	vst v2  }
0x15a: {  	v3 =	vld [tilespmem:s23+$0x60]  }
0x15b: {  	v2 =	vld [tilespmem:s23+$0x4E80];
	_ =	sdelay $0x6  }
0x15c: {  	v3 =	vld.idx.msk [tilespmem:v3+s20+$0x0], $0xffff  }
0x15d: {  	v4 =	vld.idx.msk [tilespmem:v2+s21+$0x0], $0xffff  }
0x15e: {  	v5 =	vld.idx.msk [tilespmem:v2+s20+$0x0], $0xffff;
	_ =	sdelay $0x4  }
0x15f: {  	v3 =	vadd.f32 v4, v3;
	v4 =	vadd.f32 v5, v4;
	_ =	sdelay $0x1  }
0x160: {  	v5 =	vmul.f32 $2.000000030e-01, v3;
	v6 =	vmul.f32 $2.000000030e-01, v4;
	_ =	sdelay $0x1  }
0x161: {  	v3 =	vmax.f32 v3, v5;
	v4 =	vmax.f32 v4, v6  }
0x162: {  	v3 =	vsub.f32 v3, v4;
	_ =	sdelay $0x1  }
0x163: {  	v3 =	vmul.f32 $1.442695020e+00, v3;
	_ =	sdelay $0x1  }
0x164: {  	(erf) = vpow2.f32 v3;
	_ =	sdelay $0x8  }
0x165: {  	v3 =	vpop (erf)  }
0x166: {  	[tilespmem:v2+s1+$0x0] =	vst.idx.add.f32.msk $0xffff, v3  }
0x167: {  	[tilespmem:$0x13980] =	vst v3  }
0x168: {  	v4 =	vld [tilespmem:s23+$0x70]  }
0x169: {  	v3 =	vld [tilespmem:s23+$0x4E90];
	_ =	sdelay $0x6  }
0x16a: {  	v4 =	vld.idx.msk [tilespmem:v4+s20+$0x0], $0xffff  }
0x16b: {  	v5 =	vld.idx.msk [tilespmem:v3+s21+$0x0], $0xffff  }
0x16c: {  	v6 =	vld.idx.msk [tilespmem:v3+s20+$0x0], $0xffff;
	_ =	sdelay $0x4  }
0x16d: {  	v4 =	vadd.f32 v5, v4;
	v5 =	vadd.f32 v6, v5;
	_ =	sdelay $0x1  }
0x16e: {  	v6 =	vmul.f32 $2.000000030e-01, v4;
	v7 =	vmul.f32 $2.000000030e-01, v5;
	_ =	sdelay $0x1  }
0x16f: {  	v4 =	vmax.f32 v4, v6;
	v5 =	vmax.f32 v5, v7  }
0x170: {  	v4 =	vsub.f32 v4, v5;
	_ =	sdelay $0x1  }
0x171: {  	v4 =	vmul.f32 $1.442695020e+00, v4;
	_ =	sdelay $0x1  }
0x172: {  	(erf) = vpow2.f32 v4;
	_ =	sdelay $0x8  }
0x173: {  	v4 =	vpop (erf)  }
0x174: {  	[tilespmem:v3+s1+$0x0] =	vst.idx.add.f32.msk $0xffff, v4  }
0x175: {  	[tilespmem:$0x13990] =	vst v4  }
0x176: {  	v5 =	vld [tilespmem:s23+$0x80]  }
0x177: {  	v4 =	vld [tilespmem:s23+$0x4EA0];
	_ =	sdelay $0x6  }
0x178: {  	v5 =	vld.idx.msk [tilespmem:v5+s20+$0x0], $0xffff  }
0x179: {  	v6 =	vld.idx.msk [tilespmem:v4+s21+$0x0], $0xffff  }
0x17a: {  	v7 =	vld.idx.msk [tilespmem:v4+s20+$0x0], $0xffff;
	_ =	sdelay $0x4  }
0x17b: {  	v5 =	vadd.f32 v6, v5;
	v6 =	vadd.f32 v7, v6;
	_ =	sdelay $0x1  }
0x17c: {  	v7 =	vmul.f32 $2.000000030e-01, v5;
	v8 =	vmul.f32 $2.000000030e-01, v6;
	_ =	sdelay $0x1  }
0x17d: {  	v5 =	vmax.f32 v5, v7;
	v6 =	vmax.f32 v6, v8  }
0x17e: {  	v5 =	vsub.f32 v5, v6;
	_ =	sdelay $0x1  }
0x17f: {  	v5 =	vmul.f32 $1.442695020e+00, v5;
	_ =	sdelay $0x1  }
0x180: {  	(erf) = vpow2.f32 v5;
	_ =	sdelay $0x8  }
0x181: {  	v5 =	vpop (erf)  }
0x182: {  	[tilespmem:v4+s1+$0x0] =	vst.idx.add.f32.msk $0xffff, v5  }
0x183: {  	[tilespmem:$0x139A0] =	vst v5  }
0x184: {  	v6 =	vld [tilespmem:s23+$0x90]  }
0x185: {  	v5 =	vld [tilespmem:s23+$0x4EB0];
	_ =	sdelay $0x6  }
0x186: {  	v6 =	vld.idx.msk [tilespmem:v6+s20+$0x0], $0xffff  }
0x187: {  	v7 =	vld.idx.msk [tilespmem:v5+s21+$0x0], $0xffff  }
0x188: {  	v8 =	vld.idx.msk [tilespmem:v5+s20+$0x0], $0xffff;
	_ =	sdelay $0x4  }
0x189: {  	v6 =	vadd.f32 v7, v6;
	v7 =	vadd.f32 v8, v7;
	_ =	sdelay $0x1  }
0x18a: {  	v8 =	vmul.f32 $2.000000030e-01, v6;
	v9 =	vmul.f32 $2.000000030e-01, v7;
	_ =	sdelay $0x1  }
0x18b: {  	v6 =	vmax.f32 v6, v8;
	v7 =	vmax.f32 v7, v9  }
0x18c: {  	v6 =	vsub.f32 v6, v7;
	_ =	sdelay $0x1  }
0x18d: {  	v6 =	vmul.f32 $1.442695020e+00, v6;
	_ =	sdelay $0x1  }
0x18e: {  	(erf) = vpow2.f32 v6;
	_ =	sdelay $0x2  }
0x18f: {  	s11 =	simm.s32 $0x0  }
0x190: {  	v6 =	vmov s11  }
0x191: {  	v6 =	vand.u32 $0xFFFFFFFC, v6  }
0x192: {  	v6 =	vbroadcast v6, $0x0;
	_ =	sdelay $0x2  }
0x193: {  	v7 =	vpop (erf)  }
0x194: {  	[tilespmem:v5+s1+$0x0] =	vst.idx.add.f32.msk $0xffff, v7  }
0x195: {  	[tilespmem:$0x139B0] =	vst v7  }
0x196: {  	s25 =	simm.s32 $0x125F0;
	v6 =	vld.idx.msk [tilespmem:v6+s4+$0x0], $0xffff  }
0x197: {  	v7 =	vld [tilespmem:s25+$0xFFFFFF80]  }
0x198: {  	v8 =	vld [tilespmem:s25+$0xFFFFFFA0]  }
0x199: {  	s23 =	simm.s32 $0x1;
	v9 =	vld [tilespmem:s25+$0xFFFFFF90]  }
0x19a: {  	v10 =	vmov s23;
	v11 =	vld [tilespmem:s25+$0xFFFFFFB0]  }
0x19b: {  	v10 =	vand.u32 $0xFFFFFFFD, v10  }
0x19c: {  	v10 =	vbroadcast v10, $0x0;
	v7 =	vmul.f32 v7, v6  }
0x19d: {  	v8 =	vmul.f32 v8, v6  }
0x19e: {  	[tilespmem:s25+$0xFFFFFF80] =	vst v7;
	v7 =	vmul.f32 v9, v6  }
0x19f: {  	s23 =	simm.s32 $0x126F0;
	[tilespmem:s25+$0xFFFFFFA0] =	vst v8;
	v8 =	vmul.f32 v11, v6  }
0x1a0: {  	v6 =	vld [tilespmem:s23+$0xFFFFFFA0];
	[tilespmem:s25+$0xFFFFFF90] =	vst v7  }
0x1a1: {  	v7 =	vld [tilespmem:s25+$0xFFFFFFF0];
	[tilespmem:s25+$0xFFFFFFB0] =	vst v8  }
0x1a2: {  	v8 =	vld.idx.msk [tilespmem:v10+s4+$0x0], $0xffff  }
0x1a3: {  	v9 =	vld [tilespmem:s25+$0xFFFFFFD0]  }
0x1a4: {  	s26 =	simm.s32 $0x2;
	v10 =	vld [tilespmem:s25+$0xFFFFFFC0]  }
0x1a5: {  	v59 =	vld [tilespmem:s25+$0xFFFFFFE0];
	v11 =	vmov s26  }
0x1a6: {  	v11 =	vand.u32 $0xFFFFFFFE, v11  }
0x1a7: {  	v11 =	vbroadcast v11, $0x0;
	v7 =	vmul.f32 v7, v8  }
0x1a8: {  	v9 =	vmul.f32 v9, v8  }
0x1a9: {  	v10 =	vmul.f32 v10, v8;
	[tilespmem:s25+$0xFFFFFFF0] =	vst v7  }
0x1aa: {  	v8 =	vmul.f32 v59, v8;
	[tilespmem:s25+$0xFFFFFFD0] =	vst v9  }
0x1ab: {  	v7 =	vld [tilespmem:s23+$0xFFFFFF90];
	[tilespmem:s25+$0xFFFFFFC0] =	vst v10  }
0x1ac: {  	v9 =	vld [tilespmem:s25+$0x0];
	[tilespmem:s25+$0xFFFFFFE0] =	vst v8  }
0x1ad: {  	v8 =	vld.idx.msk [tilespmem:v11+s4+$0x0], $0xffff  }
0x1ae: {  	v10 =	vld [tilespmem:s25+$0x10]  }
0x1af: {  	v11 =	vld [tilespmem:s25+$0x30]  }
0x1b0: {  	v60 =	vld [tilespmem:s25+$0x20];
	_ =	sdelay $0x1  }
0x1b1: {  	s10 =	simm.s32 $0x3;
	v9 =	vmul.f32 v9, v8  }
0x1b2: {  	v13 =	vmov s10;
	v10 =	vmul.f32 v10, v8  }
0x1b3: {  	v11 =	vmul.f32 v11, v8;
	[tilespmem:s25+$0x0] =	vst v9  }
0x1b4: {  	v8 =	vmul.f32 v60, v8;
	[tilespmem:s25+$0x10] =	vst v10  }
0x1b5: {  	[tilespmem:s25+$0x30] =	vst v11;
	v9 =	vld [tilespmem:s25+$0x40]  }
0x1b6: {  	[tilespmem:s25+$0x20] =	vst v8;
	v8 =	vld [tilespmem:s25+$0x50]  }
0x1b7: {  	v11 =	vld.idx.msk [tilespmem:v13+s4+$0x0], $0xffff  }
0x1b8: {  	v10 =	vld [tilespmem:s25+$0x70];
	_ =	sdelay $0x1  }
0x1b9: {  	s10 =	simm.s32 $0x4;
	v61 =	vld [tilespmem:s25+$0x60]  }
0x1ba: {  	v62 =	vmov s10  }
0x1bb: {  	v13 =	vand.u32 $0xFFFFFFFC, v62;
	v9 =	vmul.f32 v9, v11;
	v15 =	vmul.f32 v8, v11  }
0x1bc: {  	s11 =	simm.s32 $0x5;
	s26 =	simm.s32 $0x6;
	v16 =	vmul.f32 v10, v11;
	v10 =	vbroadcast v13, $0x0  }
0x1bd: {  	v14 =	vmov s11;
	v63 =	vmov s26;
	[tilespmem:s25+$0x40] =	vst v9  }
0x1be: {  	v8 =	vand.u32 $0xFFFFFFFD, v14;
	v11 =	vmul.f32 v61, v11;
	v9 =	vand.u32 $0xFFFFFFFE, v63;
	[tilespmem:s25+$0x50] =	vst v15  }
0x1bf: {  	s11 =	simm.s32 $0x8;
	v8 =	vbroadcast v8, $0x0;
	[tilespmem:s25+$0x70] =	vst v16;
	v9 =	vbroadcast v9, $0x0  }
.LBB2_9:
0x1c0: {  	p2 =	slt.u32 s11, $0x4C;
	s3 =	smov.u32 s11  }
0x1c1: {  	[tilespmem:s25+$0x60] =	vst v11;
	s11 =	sadd.s32 $0x4, s11;
	s25 =	smov.u32 s23;
	s23 =	sadd.s32 $0x100, s23  }
0x1c2: {  	v11 =	vld.idx.msk [tilespmem:v10+s4+$0x0], $0xffff  }
0x1c3: {  	v12 =	vld [tilespmem:s25+$0xFFFFFF80];
	_ =	sdelay $0x1  }
0x1c4: {  	v13 =	vld [tilespmem:s25+$0xFFFFFFB0]  }
0x1c5: {  	v10 =	vmov s3  }
0x1c6: {  	v10 =	vand.u32 $0xFFFFFFFC, v10  }
0x1c7: {  	v10 =	vbroadcast v10, $0x0;
	v12 =	vmul.f32 v12, v11  }
0x1c8: {  	v7 =	vmul.f32 v7, v11;
	v6 =	vmul.f32 v6, v11  }
0x1c9: {  	[tilespmem:s25+$0xFFFFFF80] =	vst v12;
	v11 =	vmul.f32 v13, v11  }
0x1ca: {  	[tilespmem:s25+$0xFFFFFFA0] =	vst v6;
	v12 =	vld [tilespmem:s25+$0xFFFFFFF0]  }
0x1cb: {  	v6 =	vld [tilespmem:s23+$0xFFFFFFA0];
	[tilespmem:s25+$0xFFFFFF90] =	vst v7  }
0x1cc: {  	[tilespmem:s25+$0xFFFFFFB0] =	vst v11;
	v11 =	vld [tilespmem:s25+$0xFFFFFFC0]  }
0x1cd: {  	v13 =	vld.idx.msk [tilespmem:v8+s4+$0x0], $0xffff  }
0x1ce: {  	v14 =	vld [tilespmem:s25+$0xFFFFFFD0]  }
0x1cf: {  	v15 =	vld [tilespmem:s25+$0xFFFFFFE0]  }
0x1d0: {  	s26 =	sadd.s32 $0x1, s3;
	v7 =	vld [tilespmem:s23+$0xFFFFFF90]  }
0x1d1: {  	v8 =	vmov s26  }
0x1d2: {  	v8 =	vand.u32 $0xFFFFFFFD, v8  }
0x1d3: {  	v8 =	vbroadcast v8, $0x0;
	v12 =	vmul.f32 v12, v13  }
0x1d4: {  	v14 =	vmul.f32 v14, v13;
	v15 =	vmul.f32 v15, v13  }
0x1d5: {  	v11 =	vmul.f32 v11, v13;
	[tilespmem:s25+$0xFFFFFFF0] =	vst v12  }
0x1d6: {  	[tilespmem:s25+$0xFFFFFFD0] =	vst v14  }
0x1d7: {  	[tilespmem:s25+$0xFFFFFFC0] =	vst v11;
	v11 =	vld [tilespmem:s25+$0x0]  }
0x1d8: {  	[tilespmem:s25+$0xFFFFFFE0] =	vst v15;
	v12 =	vld [tilespmem:s25+$0x30]  }
0x1d9: {  	v9 =	vld.idx.msk [tilespmem:v9+s4+$0x0], $0xffff  }
0x1da: {  	v13 =	vld [tilespmem:s25+$0x10]  }
0x1db: {  	v14 =	vld [tilespmem:s25+$0x20];
	_ =	sdelay $0x3  }
0x1dc: {  	s26 =	sadd.s32 $0x3, s10;
	s10 =	smov.u32 s3;
	v11 =	vmul.f32 v11, v9;
	v13 =	vmul.f32 v13, v9  }
0x1dd: {  	s3 =	sadd.s32 $0x2, s10;
	v14 =	vmul.f32 v14, v9;
	v9 =	vmul.f32 v12, v9;
	v12 =	vmov s26  }
0x1de: {  	v15 =	vmov s3;
	[tilespmem:s25+$0x0] =	vst v11  }
0x1df: {  	v11 =	vand.u32 $0xFFFFFFFE, v15;
	[tilespmem:s25+$0x10] =	vst v13  }
0x1e0: {  	[tilespmem:s25+$0x30] =	vst v9;
	v13 =	vld [tilespmem:s25+$0x40]  }
0x1e1: {  	v9 =	vbroadcast v11, $0x0;
	[tilespmem:s25+$0x20] =	vst v14;
	v14 =	vld [tilespmem:s25+$0x70]  }
0x1e2: {  	v12 =	vld.idx.msk [tilespmem:v12+s4+$0x0], $0xffff  }
0x1e3: {  	v11 =	vld [tilespmem:s25+$0x50]  }
0x1e4: {  	v15 =	vld [tilespmem:s25+$0x60];
	_ =	sdelay $0x3  }
.Ltmp3:
0x1e5: {  	v13 =	vmul.f32 v13, v12;
	v16 =	vmul.f32 v11, v12;
	(pc) =	sbr.rel @p2 .LBB2_9-.Ltmp3, $4  }
0x1e6: {  	v11 =	vmul.f32 v15, v12;
	v12 =	vmul.f32 v14, v12  }
0x1e7: {  	[tilespmem:s25+$0x40] =	vst v13  }
0x1e8: {  	[tilespmem:s25+$0x50] =	vst v16  }
0x1e9: {  	[tilespmem:s25+$0x70] =	vst v12  }
0x1ea: {  	_ =	sdelay $0x2  }
0x1eb: {  	[tilespmem:s25+$0x60] =	vst v11;
	v49 =	vld [tilespmem:s23+$0xFFFFFF80]  }
0x1ec: {  	v10 =	vld.idx.msk [tilespmem:v10+s4+$0x0], $0xffff;
	_ =	sdelay $0x2  }
0x1ed: {  	v12 =	vld [tilespmem:s23+$0xFFFFFFB0];
	_ =	sdelay $0x1  }
0x1ee: {  	v11 =	vmul.f32 v49, v10  }
0x1ef: {  	v6 =	vmul.f32 v6, v10  }
0x1f0: {  	v7 =	vmul.f32 v7, v10;
	[tilespmem:s23+$0xFFFFFF80] =	vst v11  }
0x1f1: {  	v10 =	vmul.f32 v12, v10;
	[tilespmem:s23+$0xFFFFFFA0] =	vst v6  }
0x1f2: {  	[tilespmem:s23+$0xFFFFFF90] =	vst v7  }
0x1f3: {  	v50 =	vld [tilespmem:s23+$0xFFFFFFF0];
	[tilespmem:s23+$0xFFFFFFB0] =	vst v10  }
0x1f4: {  	v7 =	vld.idx.msk [tilespmem:v8+s4+$0x0], $0xffff  }
0x1f5: {  	v51 =	vld [tilespmem:s23+$0xFFFFFFD0]  }
0x1f6: {  	v52 =	vld [tilespmem:s23+$0xFFFFFFC0]  }
0x1f7: {  	v53 =	vld [tilespmem:s23+$0xFFFFFFE0];
	_ =	sdelay $0x1  }
0x1f8: {  	v6 =	vmul.f32 v50, v7  }
0x1f9: {  	v8 =	vmul.f32 v51, v7  }
0x1fa: {  	v10 =	vmul.f32 v52, v7;
	[tilespmem:s23+$0xFFFFFFF0] =	vst v6  }
0x1fb: {  	v54 =	vmul.f32 v53, v7;
	[tilespmem:s23+$0xFFFFFFD0] =	vst v8  }
0x1fc: {  	[tilespmem:s23+$0xFFFFFFC0] =	vst v10  }
0x1fd: {  	v55 =	vld [tilespmem:s23+$0x0];
	[tilespmem:s23+$0xFFFFFFE0] =	vst v54  }
0x1fe: {  	v6 =	vld.idx.msk [tilespmem:v9+s4+$0x0], $0xffff  }
0x1ff: {  	v56 =	vld [tilespmem:s23+$0x10]  }
0x200: {  	v57 =	vld [tilespmem:s23+$0x30]  }
0x201: {  	v58 =	vld [tilespmem:s23+$0x20];
	_ =	sdelay $0x1  }
0x202: {  	s3 =	sadd.s32 $0x3, s10;
	v7 =	vmul.f32 v55, v6  }
0x203: {  	v59 =	vmov s3;
	v8 =	vmul.f32 v56, v6  }
0x204: {  	v9 =	vmul.f32 v57, v6;
	[tilespmem:s23+$0x0] =	vst v7  }
0x205: {  	v6 =	vmul.f32 v58, v6;
	[tilespmem:s23+$0x10] =	vst v8  }
0x206: {  	[tilespmem:s23+$0x30] =	vst v9  }
0x207: {  	v60 =	vld [tilespmem:s23+$0x40];
	[tilespmem:s23+$0x20] =	vst v6  }
0x208: {  	v6 =	vld.idx.msk [tilespmem:v59+s4+$0x0], $0xffff  }
0x209: {  	v61 =	vld [tilespmem:s23+$0x50]  }
0x20a: {  	v62 =	vld [tilespmem:s23+$0x70]  }
0x20b: {  	v63 =	vld [tilespmem:s23+$0x60];
	_ =	sdelay $0x1  }
0x20c: {  	v7 =	vmul.f32 v60, v6  }
0x20d: {  	v8 =	vmul.f32 v61, v6  }
0x20e: {  	v9 =	vmul.f32 v62, v6;
	[tilespmem:s23+$0x40] =	vst v7  }
0x20f: {  	v6 =	vmul.f32 v63, v6;
	[tilespmem:s23+$0x50] =	vst v8  }
0x210: {  	[tilespmem:s23+$0x70] =	vst v9  }
0x211: {  	[tilespmem:s23+$0x60] =	vst v6  }
0x212: {  	[spmem:s2] =	stream.indirect_vreg.scatter.add.f32 [tilespmem:s0], [sflag:$0x3], $0x40, v1, vm0, $0xb8;
	[tilespmem:$0x1EA00] =	vst v63  }
0x213: {  	_ = 	snop  }
0x214: {  	[spmem:s2] =	stream.indirect_vreg.scatter.add.f32 [tilespmem:s13], [sflag:$0x3], $0x40, v2, vm0, $0xb8;
	[tilespmem:$0x1EA00] =	vst v63  }
0x215: {  	_ = 	snop  }
0x216: {  	[spmem:s2] =	stream.indirect_vreg.scatter.add.f32 [tilespmem:s14], [sflag:$0x3], $0x40, v3, vm0, $0xb8;
	[tilespmem:$0x1EA00] =	vst v63  }
0x217: {  	_ = 	snop  }
0x218: {  	[spmem:s2] =	stream.indirect_vreg.scatter.add.f32 [tilespmem:s15], [sflag:$0x3], $0x40, v4, vm0, $0xb8;
	[tilespmem:$0x1EA00] =	vst v63  }
0x219: {  	_ = 	snop  }
0x21a: {  	[spmem:s2] =	stream.indirect_vreg.scatter.add.f32 [tilespmem:s16], [sflag:$0x3], $0x40, v5, vm0, $0xb8;
	[tilespmem:$0x1EA00] =	vst v63  }
0x21b: {  	_ =	swait.ge [sflag:s29], $0x400  }
0x21c: {  	[sflag:s29] =	ssyncset.done $0x0  }
0x21d: {  	[sflag:s29] =	ssyncadd.s32 $0xFFFFFC00  }
0x21e: {  	_ =	swait.ge [sflag:s29], $0x400  }
0x21f: {  	[sflag:s29] =	ssyncset.done $0x0  }
0x220: {  	[sflag:s29] =	ssyncadd.s32 $0xFFFFFC00  }
0x221: {  	_ =	swait.ge [sflag:s29], $0x400  }
0x222: {  	[sflag:s29] =	ssyncset.done $0x0  }
0x223: {  	[sflag:s29] =	ssyncadd.s32 $0xFFFFFC00  }
0x224: {  	s19 =	sadd.s32 $0x1, s19;
	_ =	swait.ge [sflag:s29], $0x400  }
0x225: {  	p2 =	sne.s32 s19, $0x7C;
	[sflag:s29] =	ssyncset.done $0x0  }
.Ltmp4:
0x226: {  	[sflag:s29] =	ssyncadd.s32 $0xFFFFFC00;
	(pc) =	sbr.rel @p2 .LBB2_6-.Ltmp4, $4  }
0x227: {  	_ =	swait.ge [sflag:s29], $0x400  }
0x228: {  	[sflag:s29] =	ssyncset.done $0x0  }
0x229: {  	s26 =	sadd.s32 $0xF0, s24;
	[sflag:s29] =	ssyncadd.s32 $0xFFFFFC00  }
0x22a: {  	[tilespmem:s0], [sflag:$0x2] =	stream.indirect.gather [hbm4b:s8+s30], $0x40, s26, s30, $0xb8;
	[tilespmem:$0x1EA00] =	vst v63  }
0x22b: {  	_ =	swait.ge [sflag:s22], $0x1400  }
0x22c: {  	[sflag:s22] =	ssyncset.done $0x0  }
0x22d: {  	[sflag:s22] =	ssyncadd.s32 $0xFFFFEC00  }
0x22e: {  	v2 =	vld [tilespmem:$0x4D80]  }
0x22f: {  	v1 =	vld [tilespmem:$0x9BA0];
	_ =	sdelay $0x6  }
0x230: {  	v2 =	vld.idx.msk [tilespmem:v2+s20+$0x0], $0xffff  }
0x231: {  	v3 =	vld.idx.msk [tilespmem:v1+s21+$0x0], $0xffff  }
0x232: {  	v4 =	vld.idx.msk [tilespmem:v1+s20+$0x0], $0xffff;
	_ =	sdelay $0x4  }
0x233: {  	v2 =	vadd.f32 v3, v2;
	v3 =	vadd.f32 v4, v3;
	_ =	sdelay $0x1  }
0x234: {  	v4 =	vmul.f32 $2.000000030e-01, v2;
	v5 =	vmul.f32 $2.000000030e-01, v3;
	_ =	sdelay $0x1  }
0x235: {  	v2 =	vmax.f32 v2, v4;
	v3 =	vmax.f32 v3, v5  }
0x236: {  	v2 =	vsub.f32 v2, v3;
	_ =	sdelay $0x1  }
0x237: {  	v2 =	vmul.f32 $1.442695020e+00, v2;
	_ =	sdelay $0x1  }
0x238: {  	(erf) = vpow2.f32 v2;
	_ =	sdelay $0x8  }
0x239: {  	v3 =	vpop (erf)  }
0x23a: {  	[tilespmem:v1+s1+$0x0] =	vst.idx.add.f32.msk $0xffff, v3  }
0x23b: {  	v4 =	vld [tilespmem:$0x4D90]  }
0x23c: {  	v2 =	vld [tilespmem:$0x9BB0];
	_ =	sdelay $0x5  }
0x23d: {  	[tilespmem:$0x13970] =	vst v3  }
0x23e: {  	v3 =	vld.idx.msk [tilespmem:v4+s20+$0x0], $0xffff  }
0x23f: {  	v4 =	vld.idx.msk [tilespmem:v2+s21+$0x0], $0xffff  }
0x240: {  	v5 =	vld.idx.msk [tilespmem:v2+s20+$0x0], $0xffff;
	_ =	sdelay $0x4  }
0x241: {  	v3 =	vadd.f32 v4, v3;
	v4 =	vadd.f32 v5, v4;
	_ =	sdelay $0x1  }
0x242: {  	v5 =	vmul.f32 $2.000000030e-01, v3;
	v6 =	vmul.f32 $2.000000030e-01, v4;
	_ =	sdelay $0x1  }
0x243: {  	v3 =	vmax.f32 v3, v5;
	v4 =	vmax.f32 v4, v6  }
0x244: {  	v3 =	vsub.f32 v3, v4;
	_ =	sdelay $0x1  }
0x245: {  	v3 =	vmul.f32 $1.442695020e+00, v3;
	_ =	sdelay $0x1  }
0x246: {  	(erf) = vpow2.f32 v3;
	_ =	sdelay $0x8  }
0x247: {  	v4 =	vpop (erf)  }
0x248: {  	[tilespmem:v2+s1+$0x0] =	vst.idx.add.f32.msk $0xffff, v4  }
0x249: {  	v5 =	vld [tilespmem:$0x4DA0]  }
0x24a: {  	v3 =	vld [tilespmem:$0x9BC0];
	_ =	sdelay $0x5  }
0x24b: {  	[tilespmem:$0x13980] =	vst v4  }
0x24c: {  	v4 =	vld.idx.msk [tilespmem:v5+s20+$0x0], $0xffff  }
0x24d: {  	v5 =	vld.idx.msk [tilespmem:v3+s21+$0x0], $0xffff  }
0x24e: {  	v6 =	vld.idx.msk [tilespmem:v3+s20+$0x0], $0xffff;
	_ =	sdelay $0x4  }
0x24f: {  	v4 =	vadd.f32 v5, v4;
	v5 =	vadd.f32 v6, v5;
	_ =	sdelay $0x1  }
0x250: {  	v6 =	vmul.f32 $2.000000030e-01, v4;
	v7 =	vmul.f32 $2.000000030e-01, v5;
	_ =	sdelay $0x1  }
0x251: {  	v4 =	vmax.f32 v4, v6;
	v5 =	vmax.f32 v5, v7  }
0x252: {  	v4 =	vsub.f32 v4, v5;
	_ =	sdelay $0x1  }
0x253: {  	v4 =	vmul.f32 $1.442695020e+00, v4;
	_ =	sdelay $0x1  }
0x254: {  	(erf) = vpow2.f32 v4;
	_ =	sdelay $0x8  }
0x255: {  	v5 =	vpop (erf)  }
0x256: {  	[tilespmem:v3+s1+$0x0] =	vst.idx.add.f32.msk $0xffff, v5  }
0x257: {  	v6 =	vld [tilespmem:$0x4DB0]  }
0x258: {  	v4 =	vld [tilespmem:$0x9BD0];
	_ =	sdelay $0x5  }
0x259: {  	[tilespmem:$0x13990] =	vst v5  }
0x25a: {  	v5 =	vld.idx.msk [tilespmem:v6+s20+$0x0], $0xffff  }
0x25b: {  	v6 =	vld.idx.msk [tilespmem:v4+s21+$0x0], $0xffff  }
0x25c: {  	v7 =	vld.idx.msk [tilespmem:v4+s20+$0x0], $0xffff;
	_ =	sdelay $0x4  }
0x25d: {  	v5 =	vadd.f32 v6, v5;
	v6 =	vadd.f32 v7, v6;
	_ =	sdelay $0x1  }
0x25e: {  	v7 =	vmul.f32 $2.000000030e-01, v5;
	v8 =	vmul.f32 $2.000000030e-01, v6;
	_ =	sdelay $0x1  }
0x25f: {  	v5 =	vmax.f32 v5, v7;
	v6 =	vmax.f32 v6, v8  }
0x260: {  	v5 =	vsub.f32 v5, v6;
	_ =	sdelay $0x1  }
0x261: {  	v5 =	vmul.f32 $1.442695020e+00, v5;
	_ =	sdelay $0x1  }
0x262: {  	(erf) = vpow2.f32 v5;
	_ =	sdelay $0x8  }
0x263: {  	v6 =	vpop (erf)  }
0x264: {  	[tilespmem:v4+s1+$0x0] =	vst.idx.add.f32.msk $0xffff, v6  }
0x265: {  	v7 =	vld [tilespmem:$0x4DC0]  }
0x266: {  	v5 =	vld [tilespmem:$0x9BE0];
	_ =	sdelay $0x5  }
0x267: {  	[tilespmem:$0x139A0] =	vst v6  }
0x268: {  	v6 =	vld.idx.msk [tilespmem:v7+s20+$0x0], $0xffff  }
0x269: {  	v7 =	vld.idx.msk [tilespmem:v5+s21+$0x0], $0xffff  }
0x26a: {  	v8 =	vld.idx.msk [tilespmem:v5+s20+$0x0], $0xffff;
	_ =	sdelay $0x4  }
0x26b: {  	v6 =	vadd.f32 v7, v6;
	v7 =	vadd.f32 v8, v7;
	_ =	sdelay $0x1  }
0x26c: {  	v8 =	vmul.f32 $2.000000030e-01, v6;
	v9 =	vmul.f32 $2.000000030e-01, v7;
	_ =	sdelay $0x1  }
0x26d: {  	v6 =	vmax.f32 v6, v8;
	v7 =	vmax.f32 v7, v9  }
0x26e: {  	v6 =	vsub.f32 v6, v7;
	_ =	sdelay $0x1  }
0x26f: {  	v6 =	vmul.f32 $1.442695020e+00, v6;
	_ =	sdelay $0x1  }
0x270: {  	(erf) = vpow2.f32 v6;
	_ =	sdelay $0x2  }
0x271: {  	s3 =	simm.s32 $0x0  }
0x272: {  	v6 =	vmov s3  }
0x273: {  	v6 =	vand.u32 $0xFFFFFFFC, v6  }
0x274: {  	v6 =	vbroadcast v6, $0x0;
	_ =	sdelay $0x2  }
0x275: {  	v7 =	vpop (erf)  }
0x276: {  	[tilespmem:v5+s1+$0x0] =	vst.idx.add.f32.msk $0xffff, v7  }
0x277: {  	[tilespmem:$0x139B0] =	vst v7  }
0x278: {  	s19 =	simm.s32 $0x111F0;
	v6 =	vld.idx.msk [tilespmem:v6+s4+$0x0], $0xffff  }
0x279: {  	v7 =	vld [tilespmem:s19+$0xFFFFFF80]  }
0x27a: {  	v8 =	vld [tilespmem:s19+$0xFFFFFFA0]  }
0x27b: {  	s18 =	simm.s32 $0x1;
	v9 =	vld [tilespmem:s19+$0xFFFFFF90]  }
0x27c: {  	v10 =	vmov s18;
	v11 =	vld [tilespmem:s19+$0xFFFFFFB0]  }
0x27d: {  	v10 =	vand.u32 $0xFFFFFFFD, v10  }
0x27e: {  	v10 =	vbroadcast v10, $0x0;
	v7 =	vmul.f32 v7, v6  }
0x27f: {  	v8 =	vmul.f32 v8, v6  }
0x280: {  	[tilespmem:s19+$0xFFFFFF80] =	vst v7;
	v7 =	vmul.f32 v9, v6  }
0x281: {  	s18 =	simm.s32 $0x112F0;
	[tilespmem:s19+$0xFFFFFFA0] =	vst v8;
	v8 =	vmul.f32 v11, v6  }
0x282: {  	v6 =	vld [tilespmem:s18+$0xFFFFFFA0];
	[tilespmem:s19+$0xFFFFFF90] =	vst v7  }
0x283: {  	v7 =	vld [tilespmem:s19+$0xFFFFFFF0];
	[tilespmem:s19+$0xFFFFFFB0] =	vst v8  }
0x284: {  	v8 =	vld.idx.msk [tilespmem:v10+s4+$0x0], $0xffff  }
0x285: {  	v9 =	vld [tilespmem:s19+$0xFFFFFFD0]  }
0x286: {  	s23 =	simm.s32 $0x2;
	v10 =	vld [tilespmem:s19+$0xFFFFFFC0]  }
0x287: {  	v12 =	vld [tilespmem:s19+$0xFFFFFFE0];
	v11 =	vmov s23  }
0x288: {  	v11 =	vand.u32 $0xFFFFFFFE, v11  }
0x289: {  	v11 =	vbroadcast v11, $0x0;
	v7 =	vmul.f32 v7, v8  }
0x28a: {  	v9 =	vmul.f32 v9, v8  }
0x28b: {  	v10 =	vmul.f32 v10, v8;
	[tilespmem:s19+$0xFFFFFFF0] =	vst v7  }
0x28c: {  	v8 =	vmul.f32 v12, v8;
	[tilespmem:s19+$0xFFFFFFD0] =	vst v9  }
0x28d: {  	v7 =	vld [tilespmem:s18+$0xFFFFFF90];
	[tilespmem:s19+$0xFFFFFFC0] =	vst v10  }
0x28e: {  	v9 =	vld [tilespmem:s19+$0x0];
	[tilespmem:s19+$0xFFFFFFE0] =	vst v8  }
0x28f: {  	v8 =	vld.idx.msk [tilespmem:v11+s4+$0x0], $0xffff  }
0x290: {  	v10 =	vld [tilespmem:s19+$0x10]  }
0x291: {  	v11 =	vld [tilespmem:s19+$0x30]  }
0x292: {  	v60 =	vld [tilespmem:s19+$0x20];
	_ =	sdelay $0x1  }
0x293: {  	s24 =	simm.s32 $0x3;
	v9 =	vmul.f32 v9, v8  }
0x294: {  	v13 =	vmov s24;
	v10 =	vmul.f32 v10, v8  }
0x295: {  	v11 =	vmul.f32 v11, v8;
	[tilespmem:s19+$0x0] =	vst v9  }
0x296: {  	v8 =	vmul.f32 v60, v8;
	[tilespmem:s19+$0x10] =	vst v10  }
0x297: {  	[tilespmem:s19+$0x30] =	vst v11;
	v9 =	vld [tilespmem:s19+$0x40]  }
0x298: {  	[tilespmem:s19+$0x20] =	vst v8;
	v8 =	vld [tilespmem:s19+$0x50]  }
0x299: {  	v11 =	vld.idx.msk [tilespmem:v13+s4+$0x0], $0xffff  }
0x29a: {  	v10 =	vld [tilespmem:s19+$0x70];
	_ =	sdelay $0x1  }
0x29b: {  	s10 =	simm.s32 $0x4;
	v61 =	vld [tilespmem:s19+$0x60]  }
0x29c: {  	v62 =	vmov s10  }
0x29d: {  	v13 =	vand.u32 $0xFFFFFFFC, v62;
	v9 =	vmul.f32 v9, v11;
	v15 =	vmul.f32 v8, v11  }
0x29e: {  	s25 =	simm.s32 $0x5;
	s26 =	simm.s32 $0x6;
	v16 =	vmul.f32 v10, v11;
	v10 =	vbroadcast v13, $0x0  }
0x29f: {  	v14 =	vmov s25;
	v63 =	vmov s26;
	[tilespmem:s19+$0x40] =	vst v9  }
0x2a0: {  	v8 =	vand.u32 $0xFFFFFFFD, v14;
	v11 =	vmul.f32 v61, v11;
	v9 =	vand.u32 $0xFFFFFFFE, v63;
	[tilespmem:s19+$0x50] =	vst v15  }
0x2a1: {  	s11 =	simm.s32 $0x8;
	v8 =	vbroadcast v8, $0x0;
	[tilespmem:s19+$0x70] =	vst v16;
	v9 =	vbroadcast v9, $0x0  }
.LBB2_12:
0x2a2: {  	p2 =	slt.u32 s11, $0x4C;
	s3 =	smov.u32 s11  }
0x2a3: {  	[tilespmem:s19+$0x60] =	vst v11;
	s11 =	sadd.s32 $0x4, s11;
	s19 =	smov.u32 s18;
	s18 =	sadd.s32 $0x100, s18  }
0x2a4: {  	v11 =	vld.idx.msk [tilespmem:v10+s4+$0x0], $0xffff  }
0x2a5: {  	v12 =	vld [tilespmem:s19+$0xFFFFFF80];
	_ =	sdelay $0x1  }
0x2a6: {  	v13 =	vld [tilespmem:s19+$0xFFFFFFB0]  }
0x2a7: {  	v10 =	vmov s3  }
0x2a8: {  	v10 =	vand.u32 $0xFFFFFFFC, v10  }
0x2a9: {  	v10 =	vbroadcast v10, $0x0;
	v12 =	vmul.f32 v12, v11  }
0x2aa: {  	v7 =	vmul.f32 v7, v11;
	v6 =	vmul.f32 v6, v11  }
0x2ab: {  	[tilespmem:s19+$0xFFFFFF80] =	vst v12;
	v11 =	vmul.f32 v13, v11  }
0x2ac: {  	[tilespmem:s19+$0xFFFFFFA0] =	vst v6;
	v12 =	vld [tilespmem:s19+$0xFFFFFFF0]  }
0x2ad: {  	v6 =	vld [tilespmem:s18+$0xFFFFFFA0];
	[tilespmem:s19+$0xFFFFFF90] =	vst v7  }
0x2ae: {  	[tilespmem:s19+$0xFFFFFFB0] =	vst v11;
	v11 =	vld [tilespmem:s19+$0xFFFFFFC0]  }
0x2af: {  	v13 =	vld.idx.msk [tilespmem:v8+s4+$0x0], $0xffff  }
0x2b0: {  	v14 =	vld [tilespmem:s19+$0xFFFFFFD0]  }
0x2b1: {  	v15 =	vld [tilespmem:s19+$0xFFFFFFE0]  }
0x2b2: {  	s23 =	sadd.s32 $0x1, s3;
	v7 =	vld [tilespmem:s18+$0xFFFFFF90]  }
0x2b3: {  	v8 =	vmov s23  }
0x2b4: {  	v8 =	vand.u32 $0xFFFFFFFD, v8  }
0x2b5: {  	v8 =	vbroadcast v8, $0x0;
	v12 =	vmul.f32 v12, v13  }
0x2b6: {  	v14 =	vmul.f32 v14, v13;
	v15 =	vmul.f32 v15, v13  }
0x2b7: {  	v11 =	vmul.f32 v11, v13;
	[tilespmem:s19+$0xFFFFFFF0] =	vst v12  }
0x2b8: {  	[tilespmem:s19+$0xFFFFFFD0] =	vst v14  }
0x2b9: {  	[tilespmem:s19+$0xFFFFFFC0] =	vst v11;
	v11 =	vld [tilespmem:s19+$0x0]  }
0x2ba: {  	[tilespmem:s19+$0xFFFFFFE0] =	vst v15;
	v12 =	vld [tilespmem:s19+$0x30]  }
0x2bb: {  	v9 =	vld.idx.msk [tilespmem:v9+s4+$0x0], $0xffff  }
0x2bc: {  	v13 =	vld [tilespmem:s19+$0x10]  }
0x2bd: {  	v14 =	vld [tilespmem:s19+$0x20];
	_ =	sdelay $0x3  }
0x2be: {  	s23 =	sadd.s32 $0x3, s10;
	s10 =	smov.u32 s3;
	v11 =	vmul.f32 v11, v9;
	v13 =	vmul.f32 v13, v9  }
0x2bf: {  	s3 =	sadd.s32 $0x2, s10;
	v14 =	vmul.f32 v14, v9;
	v9 =	vmul.f32 v12, v9;
	v12 =	vmov s23  }
0x2c0: {  	v15 =	vmov s3;
	[tilespmem:s19+$0x0] =	vst v11  }
0x2c1: {  	v11 =	vand.u32 $0xFFFFFFFE, v15;
	[tilespmem:s19+$0x10] =	vst v13  }
0x2c2: {  	[tilespmem:s19+$0x30] =	vst v9;
	v13 =	vld [tilespmem:s19+$0x40]  }
0x2c3: {  	v9 =	vbroadcast v11, $0x0;
	[tilespmem:s19+$0x20] =	vst v14;
	v14 =	vld [tilespmem:s19+$0x70]  }
0x2c4: {  	v12 =	vld.idx.msk [tilespmem:v12+s4+$0x0], $0xffff  }
0x2c5: {  	v11 =	vld [tilespmem:s19+$0x50]  }
0x2c6: {  	v15 =	vld [tilespmem:s19+$0x60];
	_ =	sdelay $0x3  }
.Ltmp5:
0x2c7: {  	v13 =	vmul.f32 v13, v12;
	v16 =	vmul.f32 v11, v12;
	(pc) =	sbr.rel @p2 .LBB2_12-.Ltmp5, $4  }
0x2c8: {  	v11 =	vmul.f32 v15, v12;
	v12 =	vmul.f32 v14, v12  }
0x2c9: {  	[tilespmem:s19+$0x40] =	vst v13  }
0x2ca: {  	[tilespmem:s19+$0x50] =	vst v16  }
0x2cb: {  	[tilespmem:s19+$0x70] =	vst v12  }
0x2cc: {  	_ =	sdelay $0x2  }
0x2cd: {  	[tilespmem:s19+$0x60] =	vst v11;
	v11 =	vld [tilespmem:s18+$0xFFFFFF80]  }
0x2ce: {  	v10 =	vld.idx.msk [tilespmem:v10+s4+$0x0], $0xffff;
	_ =	sdelay $0x2  }
0x2cf: {  	v12 =	vld [tilespmem:s18+$0xFFFFFFB0];
	_ =	sdelay $0x1  }
0x2d0: {  	v11 =	vmul.f32 v11, v10  }
0x2d1: {  	v6 =	vmul.f32 v6, v10  }
0x2d2: {  	v7 =	vmul.f32 v7, v10;
	[tilespmem:s18+$0xFFFFFF80] =	vst v11  }
0x2d3: {  	v10 =	vmul.f32 v12, v10;
	[tilespmem:s18+$0xFFFFFFA0] =	vst v6  }
0x2d4: {  	[tilespmem:s18+$0xFFFFFF90] =	vst v7  }
0x2d5: {  	v6 =	vld [tilespmem:s18+$0xFFFFFFF0];
	[tilespmem:s18+$0xFFFFFFB0] =	vst v10  }
0x2d6: {  	v7 =	vld.idx.msk [tilespmem:v8+s4+$0x0], $0xffff  }
0x2d7: {  	v8 =	vld [tilespmem:s18+$0xFFFFFFD0]  }
0x2d8: {  	v10 =	vld [tilespmem:s18+$0xFFFFFFC0]  }
0x2d9: {  	v11 =	vld [tilespmem:s18+$0xFFFFFFE0];
	_ =	sdelay $0x1  }
0x2da: {  	v6 =	vmul.f32 v6, v7  }
0x2db: {  	v8 =	vmul.f32 v8, v7  }
0x2dc: {  	v10 =	vmul.f32 v10, v7;
	[tilespmem:s18+$0xFFFFFFF0] =	vst v6  }
0x2dd: {  	v6 =	vmul.f32 v11, v7;
	[tilespmem:s18+$0xFFFFFFD0] =	vst v8  }
0x2de: {  	[tilespmem:s18+$0xFFFFFFC0] =	vst v10  }
0x2df: {  	v7 =	vld [tilespmem:s18+$0x0];
	[tilespmem:s18+$0xFFFFFFE0] =	vst v6  }
0x2e0: {  	v6 =	vld.idx.msk [tilespmem:v9+s4+$0x0], $0xffff  }
0x2e1: {  	v8 =	vld [tilespmem:s18+$0x10]  }
0x2e2: {  	v9 =	vld [tilespmem:s18+$0x30]  }
0x2e3: {  	v10 =	vld [tilespmem:s18+$0x20];
	_ =	sdelay $0x1  }
0x2e4: {  	s3 =	sadd.s32 $0x3, s10;
	v7 =	vmul.f32 v7, v6  }
0x2e5: {  	v11 =	vmov s3;
	v8 =	vmul.f32 v8, v6  }
0x2e6: {  	v9 =	vmul.f32 v9, v6;
	[tilespmem:s18+$0x0] =	vst v7  }
0x2e7: {  	v6 =	vmul.f32 v10, v6;
	[tilespmem:s18+$0x10] =	vst v8  }
0x2e8: {  	[tilespmem:s18+$0x30] =	vst v9  }
0x2e9: {  	v7 =	vld [tilespmem:s18+$0x40];
	[tilespmem:s18+$0x20] =	vst v6  }
0x2ea: {  	v6 =	vld.idx.msk [tilespmem:v11+s4+$0x0], $0xffff  }
0x2eb: {  	v8 =	vld [tilespmem:s18+$0x50]  }
0x2ec: {  	v9 =	vld [tilespmem:s18+$0x70]  }
0x2ed: {  	v10 =	vld [tilespmem:s18+$0x60];
	_ =	sdelay $0x1  }
0x2ee: {  	v7 =	vmul.f32 v7, v6  }
0x2ef: {  	v8 =	vmul.f32 v8, v6  }
0x2f0: {  	v9 =	vmul.f32 v9, v6;
	[tilespmem:s18+$0x40] =	vst v7  }
0x2f1: {  	v6 =	vmul.f32 v10, v6;
	[tilespmem:s18+$0x50] =	vst v8  }
0x2f2: {  	[tilespmem:s18+$0x70] =	vst v9  }
0x2f3: {  	[tilespmem:s18+$0x60] =	vst v6  }
0x2f4: {  	[spmem:s2] =	stream.indirect_vreg.scatter.add.f32 [tilespmem:s31], [sflag:$0x3], $0x40, v1, vm0, $0xb8;
	[tilespmem:$0x1EA00] =	vst v63  }
0x2f5: {  	_ = 	snop  }
0x2f6: {  	[spmem:s2] =	stream.indirect_vreg.scatter.add.f32 [tilespmem:s5], [sflag:$0x3], $0x40, v2, vm0, $0xb8;
	[tilespmem:$0x1EA00] =	vst v63  }
0x2f7: {  	_ = 	snop  }
0x2f8: {  	[spmem:s2] =	stream.indirect_vreg.scatter.add.f32 [tilespmem:s6], [sflag:$0x3], $0x40, v3, vm0, $0xb8;
	[tilespmem:$0x1EA00] =	vst v63  }
0x2f9: {  	_ = 	snop  }
0x2fa: {  	[spmem:s2] =	stream.indirect_vreg.scatter.add.f32 [tilespmem:s7], [sflag:$0x3], $0x40, v4, vm0, $0xb8;
	[tilespmem:$0x1EA00] =	vst v63  }
0x2fb: {  	_ = 	snop  }
0x2fc: {  	[spmem:s2] =	stream.indirect_vreg.scatter.add.f32 [tilespmem:s9], [sflag:$0x3], $0x40, v5, vm0, $0xb8;
	[tilespmem:$0x1EA00] =	vst v63  }
0x2fd: {  	_ =	swait.ge [sflag:s29], $0x400  }
0x2fe: {  	[sflag:s29] =	ssyncset.done $0x0  }
0x2ff: {  	[sflag:s29] =	ssyncadd.s32 $0xFFFFFC00  }
0x300: {  	_ =	swait.ge [sflag:s29], $0x400  }
0x301: {  	[sflag:s29] =	ssyncset.done $0x0  }
0x302: {  	[sflag:s29] =	ssyncadd.s32 $0xFFFFFC00  }
0x303: {  	_ =	swait.ge [sflag:s29], $0x400  }
0x304: {  	[sflag:s29] =	ssyncset.done $0x0  }
0x305: {  	[sflag:s29] =	ssyncadd.s32 $0xFFFFFC00  }
0x306: {  	_ =	swait.ge [sflag:s29], $0x400  }
0x307: {  	[sflag:s29] =	ssyncset.done $0x0  }
0x308: {  	[sflag:s29] =	ssyncadd.s32 $0xFFFFFC00  }
0x309: {  	_ =	swait.ge [sflag:s29], $0x400  }
0x30a: {  	[sflag:s29] =	ssyncset.done $0x0  }
0x30b: {  	[sflag:s29] =	ssyncadd.s32 $0xFFFFFC00  }
0x30c: {  	_ =	swait.ge [sflag:s12], $0x1400  }
0x30d: {  	[sflag:s12] =	ssyncset.done $0x0  }
0x30e: {  	[sflag:s12] =	ssyncadd.s32 $0xFFFFEC00  }
0x30f: {  	v2 =	vld [tilespmem:$0x4DD0]  }
0x310: {  	v1 =	vld [tilespmem:$0x9BF0];
	_ =	sdelay $0x6  }
0x311: {  	v2 =	vld.idx.msk [tilespmem:v2+s20+$0x0], $0xffff  }
0x312: {  	v3 =	vld.idx.msk [tilespmem:v1+s21+$0x0], $0xffff  }
0x313: {  	v4 =	vld.idx.msk [tilespmem:v1+s20+$0x0], $0xffff;
	_ =	sdelay $0x4  }
0x314: {  	v2 =	vadd.f32 v3, v2;
	v3 =	vadd.f32 v4, v3;
	_ =	sdelay $0x1  }
0x315: {  	v4 =	vmul.f32 $2.000000030e-01, v2;
	v5 =	vmul.f32 $2.000000030e-01, v3;
	_ =	sdelay $0x1  }
0x316: {  	v2 =	vmax.f32 v2, v4;
	v3 =	vmax.f32 v3, v5  }
0x317: {  	v2 =	vsub.f32 v2, v3;
	_ =	sdelay $0x1  }
0x318: {  	v2 =	vmul.f32 $1.442695020e+00, v2;
	_ =	sdelay $0x1  }
0x319: {  	(erf) = vpow2.f32 v2;
	_ =	sdelay $0x8  }
0x31a: {  	v3 =	vpop (erf)  }
0x31b: {  	[tilespmem:v1+s1+$0x0] =	vst.idx.add.f32.msk $0xffff, v3  }
0x31c: {  	v4 =	vld [tilespmem:$0x4DE0]  }
0x31d: {  	v2 =	vld [tilespmem:$0x9C00];
	_ =	sdelay $0x5  }
0x31e: {  	[tilespmem:$0x13970] =	vst v3  }
0x31f: {  	v3 =	vld.idx.msk [tilespmem:v4+s20+$0x0], $0xffff  }
0x320: {  	v4 =	vld.idx.msk [tilespmem:v2+s21+$0x0], $0xffff  }
0x321: {  	v5 =	vld.idx.msk [tilespmem:v2+s20+$0x0], $0xffff;
	_ =	sdelay $0x4  }
0x322: {  	v3 =	vadd.f32 v4, v3;
	v4 =	vadd.f32 v5, v4;
	_ =	sdelay $0x1  }
0x323: {  	v5 =	vmul.f32 $2.000000030e-01, v3;
	v6 =	vmul.f32 $2.000000030e-01, v4;
	_ =	sdelay $0x1  }
0x324: {  	v3 =	vmax.f32 v3, v5;
	v4 =	vmax.f32 v4, v6  }
0x325: {  	v3 =	vsub.f32 v3, v4;
	_ =	sdelay $0x1  }
0x326: {  	v3 =	vmul.f32 $1.442695020e+00, v3;
	_ =	sdelay $0x1  }
0x327: {  	(erf) = vpow2.f32 v3;
	_ =	sdelay $0x8  }
0x328: {  	v4 =	vpop (erf)  }
0x329: {  	[tilespmem:v2+s1+$0x0] =	vst.idx.add.f32.msk $0xffff, v4  }
0x32a: {  	v5 =	vld [tilespmem:$0x4DF0]  }
0x32b: {  	v3 =	vld [tilespmem:$0x9C10];
	_ =	sdelay $0x5  }
0x32c: {  	[tilespmem:$0x13980] =	vst v4  }
0x32d: {  	v4 =	vld.idx.msk [tilespmem:v5+s20+$0x0], $0xffff  }
0x32e: {  	v5 =	vld.idx.msk [tilespmem:v3+s21+$0x0], $0xffff  }
0x32f: {  	v6 =	vld.idx.msk [tilespmem:v3+s20+$0x0], $0xffff;
	_ =	sdelay $0x4  }
0x330: {  	v4 =	vadd.f32 v5, v4;
	v5 =	vadd.f32 v6, v5;
	_ =	sdelay $0x1  }
0x331: {  	v6 =	vmul.f32 $2.000000030e-01, v4;
	v7 =	vmul.f32 $2.000000030e-01, v5;
	_ =	sdelay $0x1  }
0x332: {  	v4 =	vmax.f32 v4, v6;
	v5 =	vmax.f32 v5, v7  }
0x333: {  	v4 =	vsub.f32 v4, v5;
	_ =	sdelay $0x1  }
0x334: {  	v4 =	vmul.f32 $1.442695020e+00, v4;
	_ =	sdelay $0x1  }
0x335: {  	(erf) = vpow2.f32 v4;
	_ =	sdelay $0x8  }
0x336: {  	v5 =	vpop (erf)  }
0x337: {  	[tilespmem:v3+s1+$0x0] =	vst.idx.add.f32.msk $0xffff, v5  }
0x338: {  	v6 =	vld [tilespmem:$0x4E00]  }
0x339: {  	v4 =	vld [tilespmem:$0x9C20];
	_ =	sdelay $0x5  }
0x33a: {  	[tilespmem:$0x13990] =	vst v5  }
0x33b: {  	v5 =	vld.idx.msk [tilespmem:v6+s20+$0x0], $0xffff  }
0x33c: {  	v6 =	vld.idx.msk [tilespmem:v4+s21+$0x0], $0xffff  }
0x33d: {  	v7 =	vld.idx.msk [tilespmem:v4+s20+$0x0], $0xffff;
	_ =	sdelay $0x4  }
0x33e: {  	v5 =	vadd.f32 v6, v5;
	v6 =	vadd.f32 v7, v6;
	_ =	sdelay $0x1  }
0x33f: {  	v7 =	vmul.f32 $2.000000030e-01, v5;
	v8 =	vmul.f32 $2.000000030e-01, v6;
	_ =	sdelay $0x1  }
0x340: {  	v5 =	vmax.f32 v5, v7;
	v6 =	vmax.f32 v6, v8  }
0x341: {  	v5 =	vsub.f32 v5, v6;
	_ =	sdelay $0x1  }
0x342: {  	v5 =	vmul.f32 $1.442695020e+00, v5;
	_ =	sdelay $0x1  }
0x343: {  	(erf) = vpow2.f32 v5;
	_ =	sdelay $0x8  }
0x344: {  	v6 =	vpop (erf)  }
0x345: {  	[tilespmem:v4+s1+$0x0] =	vst.idx.add.f32.msk $0xffff, v6  }
0x346: {  	v7 =	vld [tilespmem:$0x4E10]  }
0x347: {  	v5 =	vld [tilespmem:$0x9C30];
	_ =	sdelay $0x5  }
0x348: {  	[tilespmem:$0x139A0] =	vst v6  }
0x349: {  	v6 =	vld.idx.msk [tilespmem:v7+s20+$0x0], $0xffff  }
0x34a: {  	v7 =	vld.idx.msk [tilespmem:v5+s21+$0x0], $0xffff  }
0x34b: {  	v8 =	vld.idx.msk [tilespmem:v5+s20+$0x0], $0xffff;
	_ =	sdelay $0x4  }
0x34c: {  	v6 =	vadd.f32 v7, v6;
	v7 =	vadd.f32 v8, v7;
	_ =	sdelay $0x1  }
0x34d: {  	v8 =	vmul.f32 $2.000000030e-01, v6;
	v9 =	vmul.f32 $2.000000030e-01, v7;
	_ =	sdelay $0x1  }
0x34e: {  	v6 =	vmax.f32 v6, v8;
	v7 =	vmax.f32 v7, v9  }
0x34f: {  	v6 =	vsub.f32 v6, v7;
	_ =	sdelay $0x1  }
0x350: {  	v6 =	vmul.f32 $1.442695020e+00, v6;
	_ =	sdelay $0x1  }
0x351: {  	(erf) = vpow2.f32 v6;
	_ =	sdelay $0x2  }
0x352: {  	s11 =	simm.s32 $0x0  }
0x353: {  	v6 =	vmov s11  }
0x354: {  	v6 =	vand.u32 $0xFFFFFFFC, v6  }
0x355: {  	v6 =	vbroadcast v6, $0x0;
	_ =	sdelay $0x2  }
0x356: {  	v7 =	vpop (erf)  }
0x357: {  	[tilespmem:v5+s1+$0x0] =	vst.idx.add.f32.msk $0xffff, v7  }
0x358: {  	[tilespmem:$0x139B0] =	vst v7  }
0x359: {  	s19 =	simm.s32 $0x125F0;
	v6 =	vld.idx.msk [tilespmem:v6+s4+$0x0], $0xffff  }
0x35a: {  	v7 =	vld [tilespmem:s19+$0xFFFFFF80]  }
0x35b: {  	v8 =	vld [tilespmem:s19+$0xFFFFFFA0]  }
0x35c: {  	s18 =	simm.s32 $0x1;
	v9 =	vld [tilespmem:s19+$0xFFFFFF90]  }
0x35d: {  	v10 =	vmov s18;
	v11 =	vld [tilespmem:s19+$0xFFFFFFB0]  }
0x35e: {  	v10 =	vand.u32 $0xFFFFFFFD, v10  }
0x35f: {  	v10 =	vbroadcast v10, $0x0;
	v7 =	vmul.f32 v7, v6  }
0x360: {  	v8 =	vmul.f32 v8, v6  }
0x361: {  	[tilespmem:s19+$0xFFFFFF80] =	vst v7;
	v7 =	vmul.f32 v9, v6  }
0x362: {  	s18 =	simm.s32 $0x126F0;
	[tilespmem:s19+$0xFFFFFFA0] =	vst v8;
	v8 =	vmul.f32 v11, v6  }
0x363: {  	v6 =	vld [tilespmem:s18+$0xFFFFFFA0];
	[tilespmem:s19+$0xFFFFFF90] =	vst v7  }
0x364: {  	v7 =	vld [tilespmem:s19+$0xFFFFFFF0];
	[tilespmem:s19+$0xFFFFFFB0] =	vst v8  }
0x365: {  	v8 =	vld.idx.msk [tilespmem:v10+s4+$0x0], $0xffff  }
0x366: {  	v9 =	vld [tilespmem:s19+$0xFFFFFFD0]  }
0x367: {  	s23 =	simm.s32 $0x2;
	v10 =	vld [tilespmem:s19+$0xFFFFFFC0]  }
0x368: {  	v59 =	vld [tilespmem:s19+$0xFFFFFFE0];
	v11 =	vmov s23  }
0x369: {  	v11 =	vand.u32 $0xFFFFFFFE, v11  }
0x36a: {  	v11 =	vbroadcast v11, $0x0;
	v7 =	vmul.f32 v7, v8  }
0x36b: {  	v9 =	vmul.f32 v9, v8  }
0x36c: {  	v10 =	vmul.f32 v10, v8;
	[tilespmem:s19+$0xFFFFFFF0] =	vst v7  }
0x36d: {  	v8 =	vmul.f32 v59, v8;
	[tilespmem:s19+$0xFFFFFFD0] =	vst v9  }
0x36e: {  	v7 =	vld [tilespmem:s18+$0xFFFFFF90];
	[tilespmem:s19+$0xFFFFFFC0] =	vst v10  }
0x36f: {  	v9 =	vld [tilespmem:s19+$0x0];
	[tilespmem:s19+$0xFFFFFFE0] =	vst v8  }
0x370: {  	v8 =	vld.idx.msk [tilespmem:v11+s4+$0x0], $0xffff  }
0x371: {  	v10 =	vld [tilespmem:s19+$0x10]  }
0x372: {  	v11 =	vld [tilespmem:s19+$0x30]  }
0x373: {  	v60 =	vld [tilespmem:s19+$0x20];
	_ =	sdelay $0x1  }
0x374: {  	s24 =	simm.s32 $0x3;
	v9 =	vmul.f32 v9, v8  }
0x375: {  	v13 =	vmov s24;
	v10 =	vmul.f32 v10, v8  }
0x376: {  	v11 =	vmul.f32 v11, v8;
	[tilespmem:s19+$0x0] =	vst v9  }
0x377: {  	v8 =	vmul.f32 v60, v8;
	[tilespmem:s19+$0x10] =	vst v10  }
0x378: {  	[tilespmem:s19+$0x30] =	vst v11;
	v9 =	vld [tilespmem:s19+$0x40]  }
0x379: {  	[tilespmem:s19+$0x20] =	vst v8;
	v8 =	vld [tilespmem:s19+$0x50]  }
0x37a: {  	v11 =	vld.idx.msk [tilespmem:v13+s4+$0x0], $0xffff  }
0x37b: {  	v10 =	vld [tilespmem:s19+$0x70];
	_ =	sdelay $0x1  }
0x37c: {  	s10 =	simm.s32 $0x4;
	v61 =	vld [tilespmem:s19+$0x60]  }
0x37d: {  	v62 =	vmov s10  }
0x37e: {  	v13 =	vand.u32 $0xFFFFFFFC, v62;
	v9 =	vmul.f32 v9, v11;
	v15 =	vmul.f32 v8, v11  }
0x37f: {  	s25 =	simm.s32 $0x5;
	s26 =	simm.s32 $0x6;
	v16 =	vmul.f32 v10, v11;
	v10 =	vbroadcast v13, $0x0  }
0x380: {  	v14 =	vmov s25;
	v63 =	vmov s26;
	[tilespmem:s19+$0x40] =	vst v9  }
0x381: {  	v8 =	vand.u32 $0xFFFFFFFD, v14;
	v11 =	vmul.f32 v61, v11;
	v9 =	vand.u32 $0xFFFFFFFE, v63;
	[tilespmem:s19+$0x50] =	vst v15  }
0x382: {  	s11 =	simm.s32 $0x8;
	v8 =	vbroadcast v8, $0x0;
	[tilespmem:s19+$0x70] =	vst v16;
	v9 =	vbroadcast v9, $0x0  }
.LBB2_14:
0x383: {  	p2 =	slt.u32 s11, $0x4C;
	s3 =	smov.u32 s11  }
0x384: {  	[tilespmem:s19+$0x60] =	vst v11;
	s11 =	sadd.s32 $0x4, s11;
	s19 =	smov.u32 s18;
	s18 =	sadd.s32 $0x100, s18  }
0x385: {  	v11 =	vld.idx.msk [tilespmem:v10+s4+$0x0], $0xffff  }
0x386: {  	v12 =	vld [tilespmem:s19+$0xFFFFFF80];
	_ =	sdelay $0x1  }
0x387: {  	v13 =	vld [tilespmem:s19+$0xFFFFFFB0]  }
0x388: {  	v10 =	vmov s3  }
0x389: {  	v10 =	vand.u32 $0xFFFFFFFC, v10  }
0x38a: {  	v10 =	vbroadcast v10, $0x0;
	v12 =	vmul.f32 v12, v11  }
0x38b: {  	v7 =	vmul.f32 v7, v11;
	v6 =	vmul.f32 v6, v11  }
0x38c: {  	[tilespmem:s19+$0xFFFFFF80] =	vst v12;
	v11 =	vmul.f32 v13, v11  }
0x38d: {  	[tilespmem:s19+$0xFFFFFFA0] =	vst v6;
	v12 =	vld [tilespmem:s19+$0xFFFFFFF0]  }
0x38e: {  	v6 =	vld [tilespmem:s18+$0xFFFFFFA0];
	[tilespmem:s19+$0xFFFFFF90] =	vst v7  }
0x38f: {  	[tilespmem:s19+$0xFFFFFFB0] =	vst v11;
	v11 =	vld [tilespmem:s19+$0xFFFFFFC0]  }
0x390: {  	v13 =	vld.idx.msk [tilespmem:v8+s4+$0x0], $0xffff  }
0x391: {  	v14 =	vld [tilespmem:s19+$0xFFFFFFD0]  }
0x392: {  	v15 =	vld [tilespmem:s19+$0xFFFFFFE0]  }
0x393: {  	s23 =	sadd.s32 $0x1, s3;
	v7 =	vld [tilespmem:s18+$0xFFFFFF90]  }
0x394: {  	v8 =	vmov s23  }
0x395: {  	v8 =	vand.u32 $0xFFFFFFFD, v8  }
0x396: {  	v8 =	vbroadcast v8, $0x0;
	v12 =	vmul.f32 v12, v13  }
0x397: {  	v14 =	vmul.f32 v14, v13;
	v15 =	vmul.f32 v15, v13  }
0x398: {  	v11 =	vmul.f32 v11, v13;
	[tilespmem:s19+$0xFFFFFFF0] =	vst v12  }
0x399: {  	[tilespmem:s19+$0xFFFFFFD0] =	vst v14  }
0x39a: {  	[tilespmem:s19+$0xFFFFFFC0] =	vst v11;
	v11 =	vld [tilespmem:s19+$0x0]  }
0x39b: {  	[tilespmem:s19+$0xFFFFFFE0] =	vst v15;
	v12 =	vld [tilespmem:s19+$0x30]  }
0x39c: {  	v9 =	vld.idx.msk [tilespmem:v9+s4+$0x0], $0xffff  }
0x39d: {  	v13 =	vld [tilespmem:s19+$0x10]  }
0x39e: {  	v14 =	vld [tilespmem:s19+$0x20];
	_ =	sdelay $0x3  }
0x39f: {  	s23 =	sadd.s32 $0x3, s10;
	s10 =	smov.u32 s3;
	v11 =	vmul.f32 v11, v9;
	v13 =	vmul.f32 v13, v9  }
0x3a0: {  	s3 =	sadd.s32 $0x2, s10;
	v14 =	vmul.f32 v14, v9;
	v9 =	vmul.f32 v12, v9;
	v12 =	vmov s23  }
0x3a1: {  	v15 =	vmov s3;
	[tilespmem:s19+$0x0] =	vst v11  }
0x3a2: {  	v11 =	vand.u32 $0xFFFFFFFE, v15;
	[tilespmem:s19+$0x10] =	vst v13  }
0x3a3: {  	[tilespmem:s19+$0x30] =	vst v9;
	v13 =	vld [tilespmem:s19+$0x40]  }
0x3a4: {  	v9 =	vbroadcast v11, $0x0;
	[tilespmem:s19+$0x20] =	vst v14;
	v14 =	vld [tilespmem:s19+$0x70]  }
0x3a5: {  	v12 =	vld.idx.msk [tilespmem:v12+s4+$0x0], $0xffff  }
0x3a6: {  	v11 =	vld [tilespmem:s19+$0x50]  }
0x3a7: {  	v15 =	vld [tilespmem:s19+$0x60];
	_ =	sdelay $0x3  }
.Ltmp6:
0x3a8: {  	v13 =	vmul.f32 v13, v12;
	v16 =	vmul.f32 v11, v12;
	(pc) =	sbr.rel @p2 .LBB2_14-.Ltmp6, $4  }
0x3a9: {  	v11 =	vmul.f32 v15, v12;
	v12 =	vmul.f32 v14, v12  }
0x3aa: {  	[tilespmem:s19+$0x40] =	vst v13  }
0x3ab: {  	[tilespmem:s19+$0x50] =	vst v16  }
0x3ac: {  	[tilespmem:s19+$0x70] =	vst v12  }
0x3ad: {  	_ =	sdelay $0x2  }
0x3ae: {  	[tilespmem:s19+$0x60] =	vst v11;
	v49 =	vld [tilespmem:s18+$0xFFFFFF80]  }
0x3af: {  	v10 =	vld.idx.msk [tilespmem:v10+s4+$0x0], $0xffff;
	_ =	sdelay $0x2  }
0x3b0: {  	v12 =	vld [tilespmem:s18+$0xFFFFFFB0];
	_ =	sdelay $0x1  }
0x3b1: {  	v11 =	vmul.f32 v49, v10  }
0x3b2: {  	v6 =	vmul.f32 v6, v10  }
0x3b3: {  	v7 =	vmul.f32 v7, v10;
	[tilespmem:s18+$0xFFFFFF80] =	vst v11  }
0x3b4: {  	v10 =	vmul.f32 v12, v10;
	[tilespmem:s18+$0xFFFFFFA0] =	vst v6  }
0x3b5: {  	[tilespmem:s18+$0xFFFFFF90] =	vst v7  }
0x3b6: {  	v50 =	vld [tilespmem:s18+$0xFFFFFFF0];
	[tilespmem:s18+$0xFFFFFFB0] =	vst v10  }
0x3b7: {  	v7 =	vld.idx.msk [tilespmem:v8+s4+$0x0], $0xffff  }
0x3b8: {  	v51 =	vld [tilespmem:s18+$0xFFFFFFD0]  }
0x3b9: {  	v52 =	vld [tilespmem:s18+$0xFFFFFFC0]  }
0x3ba: {  	v53 =	vld [tilespmem:s18+$0xFFFFFFE0];
	_ =	sdelay $0x1  }
0x3bb: {  	v6 =	vmul.f32 v50, v7  }
0x3bc: {  	v8 =	vmul.f32 v51, v7  }
0x3bd: {  	v10 =	vmul.f32 v52, v7;
	[tilespmem:s18+$0xFFFFFFF0] =	vst v6  }
0x3be: {  	v54 =	vmul.f32 v53, v7;
	[tilespmem:s18+$0xFFFFFFD0] =	vst v8  }
0x3bf: {  	[tilespmem:s18+$0xFFFFFFC0] =	vst v10  }
0x3c0: {  	v55 =	vld [tilespmem:s18+$0x0];
	[tilespmem:s18+$0xFFFFFFE0] =	vst v54  }
0x3c1: {  	v6 =	vld.idx.msk [tilespmem:v9+s4+$0x0], $0xffff  }
0x3c2: {  	v56 =	vld [tilespmem:s18+$0x10]  }
0x3c3: {  	v57 =	vld [tilespmem:s18+$0x30]  }
0x3c4: {  	v58 =	vld [tilespmem:s18+$0x20];
	_ =	sdelay $0x1  }
0x3c5: {  	s3 =	sadd.s32 $0x3, s10;
	v7 =	vmul.f32 v55, v6  }
0x3c6: {  	v59 =	vmov s3;
	v8 =	vmul.f32 v56, v6  }
0x3c7: {  	v9 =	vmul.f32 v57, v6;
	[tilespmem:s18+$0x0] =	vst v7  }
0x3c8: {  	v6 =	vmul.f32 v58, v6;
	[tilespmem:s18+$0x10] =	vst v8  }
0x3c9: {  	[tilespmem:s18+$0x30] =	vst v9  }
0x3ca: {  	v60 =	vld [tilespmem:s18+$0x40];
	[tilespmem:s18+$0x20] =	vst v6  }
0x3cb: {  	v6 =	vld.idx.msk [tilespmem:v59+s4+$0x0], $0xffff  }
0x3cc: {  	v61 =	vld [tilespmem:s18+$0x50]  }
0x3cd: {  	v62 =	vld [tilespmem:s18+$0x70]  }
0x3ce: {  	v63 =	vld [tilespmem:s18+$0x60];
	_ =	sdelay $0x1  }
0x3cf: {  	v7 =	vmul.f32 v60, v6  }
0x3d0: {  	v8 =	vmul.f32 v61, v6  }
0x3d1: {  	v9 =	vmul.f32 v62, v6;
	[tilespmem:s18+$0x40] =	vst v7  }
0x3d2: {  	v6 =	vmul.f32 v63, v6;
	[tilespmem:s18+$0x50] =	vst v8  }
0x3d3: {  	[tilespmem:s18+$0x70] =	vst v9  }
0x3d4: {  	[tilespmem:s18+$0x60] =	vst v6  }
0x3d5: {  	[spmem:s2] =	stream.indirect_vreg.scatter.add.f32 [tilespmem:s0], [sflag:$0x3], $0x40, v1, vm0, $0xb8;
	[tilespmem:$0x1EA00] =	vst v63  }
0x3d6: {  	_ = 	snop  }
0x3d7: {  	[spmem:s2] =	stream.indirect_vreg.scatter.add.f32 [tilespmem:s13], [sflag:$0x3], $0x40, v2, vm0, $0xb8;
	[tilespmem:$0x1EA00] =	vst v63  }
0x3d8: {  	_ = 	snop  }
0x3d9: {  	[spmem:s2] =	stream.indirect_vreg.scatter.add.f32 [tilespmem:s14], [sflag:$0x3], $0x40, v3, vm0, $0xb8;
	[tilespmem:$0x1EA00] =	vst v63  }
0x3da: {  	_ = 	snop  }
0x3db: {  	[spmem:s2] =	stream.indirect_vreg.scatter.add.f32 [tilespmem:s15], [sflag:$0x3], $0x40, v4, vm0, $0xb8;
	[tilespmem:$0x1EA00] =	vst v63  }
0x3dc: {  	_ = 	snop  }
0x3dd: {  	[spmem:s2] =	stream.indirect_vreg.scatter.add.f32 [tilespmem:s16], [sflag:$0x3], $0x40, v5, vm0, $0xb8;
	[tilespmem:$0x1EA00] =	vst v63  }
0x3de: {  	_ =	swait.ge [sflag:s29], $0x400  }
0x3df: {  	[sflag:s29] =	ssyncset.done $0x0  }
0x3e0: {  	[sflag:s29] =	ssyncadd.s32 $0xFFFFFC00  }
0x3e1: {  	_ =	swait.ge [sflag:s29], $0x400  }
0x3e2: {  	[sflag:s29] =	ssyncset.done $0x0  }
0x3e3: {  	[sflag:s29] =	ssyncadd.s32 $0xFFFFFC00  }
0x3e4: {  	_ =	swait.ge [sflag:s29], $0x400  }
0x3e5: {  	[sflag:s29] =	ssyncset.done $0x0  }
0x3e6: {  	[sflag:s29] =	ssyncadd.s32 $0xFFFFFC00  }
0x3e7: {  	_ =	swait.ge [sflag:s29], $0x400  }
0x3e8: {  	[sflag:s29] =	ssyncset.done $0x0  }
0x3e9: {  	[sflag:s29] =	ssyncadd.s32 $0xFFFFFC00  }
0x3ea: {  	_ =	swait.ge [sflag:s29], $0x400  }
0x3eb: {  	[sflag:s29] =	ssyncset.done $0x0  }
0x3ec: {  	s11 =	simm.s32 $0x0;
	s25 =	rddreg [dreg:$0x8];
	[sflag:s29] =	ssyncadd.s32 $0xFFFFFC00  }
0x3ed: {  	[hbm4b:s25+s11] =	stream.linear.scatter [tilespmem:s1], [sflag:$0x4], $0x2710, $0x38;
	[tilespmem:$0x1EA00] =	vst v63  }
0x3ee: {  	_ =	swait.ge [sflag:s28], $0x2710  }
0x3ef: {  	[sflag:s28] =	ssyncset.done $0x0  }
0x3f0: {  	[sflag:s28] =	ssyncadd.s32 $0xFFFFD8F0  }
0x3f1: {  	[bflag:$0x0] =	sbarrier.arrive $0xFFFF  }
0x3f2: {  	s3 =	rddreg [dreg:$0x9]  }
0x3f3: {  	s10 =	simm.s32 @p0 $0x1FC4;
	s18 =	rddreg [dreg:$0x13];
	s3 =	sadd.s32 @p0 $0x12480, s3  }
0x3f4: {  	[hbm:s3], [sflag:s10] =	dma.local @p0 [spmem:s18], $0x1400  }
0x3f5: {  	s3 =	simm.s32 @p0 $0x4  }
0x3f6: {  	s10 =	stileid.u32;
	_ =	swait.ge @p0 [sflag:s3], $0x1400  }
0x3f7: {  	s10 =	sshll.u32 @!p0 s10, $0x6;
	[sflag:s3] =	ssyncset.done @p0 $0x0;
	s18 =	rddreg [dreg:$0x15]  }
0x3f8: {  	[sflag:s3] =	ssyncadd.s32 @p0 $0xFFFFEC00;
	s3 =	sor.u32 @!p0 $0x1C04, s10;
	s10 =	rddreg [dreg:$0x14]  }
0x3f9: {  	[hbm:s10], [sflag:s3] =	dma.local @!p0 [spmem:s18], $0x1380  }
0x3fa: {  	s3 =	simm.s32 @!p0 $0x4  }
0x3fb: {  	_ =	swait.ge @!p0 [sflag:s3], $0x1380  }
0x3fc: {  	s17 =	sadd.s32 $0x1, s17;
	s26 =	rddreg [dreg:$0xb]  }
0x3fd: {  	p2 =	sne.s32 s17, s26  }
.Ltmp7:
0x3fe: {  	_ = 	snop;
	(pc) =	sbr.rel @p2 .LBB2_1-.Ltmp7, $3  }
0x3ff: {  	_ =	sdelay $0x1  }
0x400: {  	[sflag:s3] =	ssyncset.done @!p0 $0x0  }
0x401: {  	[sflag:s3] =	ssyncadd.s32 @!p0 $0xFFFFEC80  }
0x402: {  	_ =	sfence.sel $0x180000  }
0x403: {  	[bflag:$0x0] =	sbarrier.arrive $0xFFFF  }
0x404: {  	_ =	strace $0x90000047  }
0x405: {  	s0 =	stileid.u32;
	[bflag:$0x2] =	sbarrier.arrive $0xFFFF  }
0x406: {  	p0 =	sne.s32 s0, $0x0;
	s0 =	rddreg [dreg:$0x3]  }
0x407: {  	s0 =	sadd.s32 @!p0 $0x100000, s0  }
0x408: {  	[sflag:s0] =	ssyncadd.tile.s32 @!p0 $0x1;
	_ =	shalt  }
.Lfunc_end2:
_tile_overlayer_lowered:
.L_overlay_start_2:
0x409: {  	(tag) =	ssettag $0x2  }
0x40a: {  	s0 =	rddreg [dreg:$0x0];
	s2 =	stileid.u32  }
0x40b: {  	s1 =	rddreg [dreg:$0x1];
	p0 =	sne.s32 s2, $0x0  }
0x40c: {  	s3 =	rddreg [dreg:$0x2];
	[bflag:$0x3] =	sbarrier.arrive $0xFFFF;
	s2 =	simm.s32 @!p0 $0x1C04  }
0x40d: {  	[timem:s3], [sflag:s2] =	dma.local @!p0 [hbm:s0], s1  }
0x40e: {  	s0 =	simm.s32 @!p0 $0x4  }
0x40f: {  	_ =	swait.ge @!p0 [sflag:s0], s1  }
0x410: {  	s1 =	ssub.s32 @!p0 $0x0, s1;
	[sflag:s0] =	ssyncset.done @!p0 $0x0  }
0x411: {  	[sflag:s0] =	ssyncadd.s32 @!p0 s1  }
0x412: {  	[bflag:$0x3] =	sbarrier.arrive $0xFFFF  }
0x413: {  	_ =	shalt  }

</sc_bundles>
